<compile_context>
chip_gen: v7x
topology: tpu7x:2x2x1
jax: 0.10.2.dev20260603
libtpu: 0.0.44.dev20260713+nightly
codegen_flags: <defaults>
</compile_context>

<pallas_src>
import functools

import jax
import jax.numpy as jnp
from jax import lax
from jax.experimental import pallas as pl
from jax.experimental.pallas import tpu as pltpu
from jax.experimental.pallas import tpu_sc as plsc

DIM = 64
NC = 2
NS = 16
NW = NC * NS
BLK = 256
DUNROLL = 8


@functools.partial(jax.jit, static_argnames=("fields", "batch"))
def _gather(tbl128, idx, fields, batch):
    nb = batch // BLK
    blk_per_w = fields * nb // NW
    idx_per_w = fields * batch // NW
    niter = blk_per_w // 2
    mesh = plsc.VectorSubcoreMesh(core_axis_name="c", subcore_axis_name="s")

    @functools.partial(
        pl.kernel,
        mesh=mesh,
        out_type=jax.ShapeDtypeStruct((fields, DIM, batch), jnp.float32),
        compiler_params=pltpu.CompilerParams(needs_layout_passes=False),
        scratch_types=[
            pltpu.VMEM((fields * batch // NW,), jnp.int32),
            pltpu.VMEM((BLK, 128), jnp.float32),
            pltpu.VMEM((BLK, 128), jnp.float32),
            pltpu.VMEM((DIM, BLK), jnp.float32),
            pltpu.VMEM((DIM, BLK), jnp.float32),
            pltpu.SemaphoreType.DMA,
            pltpu.SemaphoreType.DMA,
            pltpu.SemaphoreType.DMA,
            pltpu.SemaphoreType.DMA,
        ],
    )
    def gather_k(tbl_hbm, idx_hbm, out_hbm,
                 idx_all, rows_v0, rows_v1, trans_v0, trans_v1,
                 gsem0, gsem1, osem0, osem1):
        wid = lax.axis_index("s") * NC + lax.axis_index("c")
        g0 = wid * blk_per_w
        slots = ((rows_v0, trans_v0, gsem0, osem0),
                 (rows_v1, trans_v1, gsem1, osem1))

        pltpu.sync_copy(idx_hbm.at[pl.ds(wid * idx_per_w, idx_per_w)], idx_all)
        ridxs = [lax.iota(jnp.int32, 16) + (16 * j) for j in range(BLK // 16)]

        def start_gather(k, rows_v, gsem):
            pltpu.make_async_copy(
                tbl_hbm.at[idx_all.at[pl.ds(k * BLK, BLK)]], rows_v, gsem
            ).start()

        def wait_gather(k, rows_v, gsem):
            pltpu.make_async_copy(
                tbl_hbm.at[idx_all.at[pl.ds(k * BLK, BLK)]], rows_v, gsem
            ).wait()

        for s in range(2):
            rows_v, _, gsem, _ = slots[s]
            start_gather(s, rows_v, gsem)

        def body(i, carry):
            for s in range(2):
                rows_v, trans_v, gsem, osem = slots[s]
                k = 2 * i + s
                g = g0 + k
                f = g // nb
                bb = g % nb
                wait_gather(k, rows_v, gsem)

                @pl.when(i > 0)
                def _drain():
                    pltpu.make_async_copy(
                        out_hbm.at[0, :, pl.ds(0, BLK)], trans_v, osem).wait()

                def dloop(d0, c2):
                    d = d0 * DUNROLL
                    for dd in range(DUNROLL):
                        dvec = jnp.full((16,), dd, jnp.int32) + d
                        vals = []
                        for j in range(BLK // 16):
                            vals.append(plsc.load_gather(rows_v, [ridxs[j], dvec]))
                        for j in range(BLK // 16):
                            trans_v[d + dd, pl.ds(16 * j, 16)] = vals[j]
                    return c2

                lax.fori_loop(0, DIM // DUNROLL, dloop, 0)
                pltpu.make_async_copy(
                    trans_v, out_hbm.at[f, :, pl.ds(bb * BLK, BLK)], osem
                ).start()

                @pl.when(i < niter - 1)
                def _prefetch():
                    start_gather(k + 2, rows_v, gsem)
            return carry

        lax.fori_loop(0, niter, body, 0)
        for s in range(2):
            _, trans_v, _, osem = slots[s]
            pltpu.make_async_copy(
                out_hbm.at[0, :, pl.ds(0, BLK)], trans_v, osem).wait()

    return gather_k(tbl128, idx)


def kernel(cat_ids, table):
    batch, fields = cat_ids.shape
    idx = cat_ids.T.reshape(batch * fields).astype(jnp.int32)
    tbl128 = jnp.pad(table, ((0, 0), (0, 128 - DIM)))
    out3 = _gather(tbl128, idx, fields, batch)
    return out3.transpose(2, 0, 1)

# --- scband reference (transcript-rebuilt; emitter-appended) ---
"""Pipeline reference for scband-cat-embedding-3556232921365 (READ-ONLY COPY).

The authoritative reference and input builder live on the scoring server;
editing this copy changes nothing except your own understanding.
"""

import jax, jax.numpy as jnp
import numpy as np

NUM_CATS = 1000000
DIM = 64
BATCH = 16384
FIELDS = 26

def setup_inputs(seed: int = 0) -> dict:
    key = jax.random.key(seed)
    k_idx, k_tab = jax.random.split(key)
    cat_ids = jax.random.randint(k_idx, (BATCH, FIELDS), 0, NUM_CATS, dtype=jnp.int64 if jax.config.jax_enable_x64 else jnp.int32)
    # nn.Embedding default init: N(0, 1)
    table = jax.random.normal(k_tab, (NUM_CATS, DIM), dtype=jnp.float32)
    return {"cat_ids": cat_ids, "table": table}

def reference(cat_ids, table):
    # Faithful translation of CatEmbedding.forward: embedding lookup
    cat_emb = jnp.take(table, cat_ids, axis=0)
    return cat_emb

if __name__ == "__main__":
    import jax
    _d = setup_inputs()
    print(jax.jit(kernel)(*tuple(_d.values())))

</pallas_src>

<mosaic_0001>
#map = affine_map<(d0, d1) -> (0, 0)>
#map1 = affine_map<(d0, d1) -> (0)>
#map2 = affine_map<(d0, d1) -> (0, 0, 0)>
module attributes {stable_mosaic.version = 14 : i64} {
  func.func @gather_k(%arg0: i32, %arg1: i32, %arg2: memref<1000000x128xf32, #tpu.memory_space<hbm>>, %arg3: memref<425984xi32, #tpu.memory_space<hbm>>, %arg4: memref<26x64x16384xf32, #tpu.memory_space<hbm>>, %arg5: memref<13312xi32, #tpu.memory_space<vmem>>, %arg6: memref<256x128xf32, #tpu.memory_space<vmem>>, %arg7: memref<256x128xf32, #tpu.memory_space<vmem>>, %arg8: memref<64x256xf32, #tpu.memory_space<vmem>>, %arg9: memref<64x256xf32, #tpu.memory_space<vmem>>, %arg10: memref<!tpu.dma_semaphore, #tpu.memory_space<semaphore_mem>>, %arg11: memref<!tpu.dma_semaphore, #tpu.memory_space<semaphore_mem>>, %arg12: memref<!tpu.dma_semaphore, #tpu.memory_space<semaphore_mem>>, %arg13: memref<!tpu.dma_semaphore, #tpu.memory_space<semaphore_mem>>) attributes {dimension_semantics = [#tpu.dimension_semantics<core_parallel>, #tpu.dimension_semantics<subcore_parallel>], iteration_bounds = array<i64: 2, 16>, scalar_prefetch = 0 : i64, scratch_operands = 9 : i64, tpu.core_type = #tpu.core_type<sc_vector_subcore>, window_params = [{transform_indices = #map}, {transform_indices = #map1}, {transform_indices = #map2}]} {
    %mul3A = arith.constant 2 : i32
    %mul3A_0 = arith.muli %arg1, %mul3A : i32
    %add3A = arith.addi %mul3A_0, %arg0 : i32
    %mul3A_1 = arith.constant 52 : i32
    %mul3A_2 = arith.muli %add3A, %mul3A_1 : i32
    %mul3A_3 = arith.constant 13312 : i32
    %mul3A_4 = arith.muli %add3A, %mul3A_3 : i32
    "tpu.region"() ({
      %run_scoped3A = tpu.sem_alloc : memref<!tpu.dma_semaphore, #tpu.memory_space<semaphore_mem>>
      %dma_start3A_99 = tpu.memref_slice %arg3[%mul3A_4] : memref<425984xi32, #tpu.memory_space<hbm>> -> memref<13312xi32, #tpu.memory_space<hbm>>
      %dma_start3A_100 = tpu.memref_slice %arg3[%mul3A_4] : memref<425984xi32, #tpu.memory_space<hbm>> -> memref<13312xi32, #tpu.memory_space<hbm>>
      tpu.enqueue_dma source(%dma_start3A_100 : memref<13312xi32, #tpu.memory_space<hbm>>) target(%arg5 : memref<13312xi32, #tpu.memory_space<vmem>>) target_semaphore(%run_scoped3A : memref<!tpu.dma_semaphore, #tpu.memory_space<semaphore_mem>>)
      %dma_wait3A_101 = tpu.memref_slice %arg3[%mul3A_4] : memref<425984xi32, #tpu.memory_space<hbm>> -> memref<13312xi32, #tpu.memory_space<hbm>>
      %dma_wait3A_102 = tpu.memref_slice %arg3[%mul3A_4] : memref<425984xi32, #tpu.memory_space<hbm>> -> memref<13312xi32, #tpu.memory_space<hbm>>
      tpu.wait_dma2 semaphore(%run_scoped3A : memref<!tpu.dma_semaphore, #tpu.memory_space<semaphore_mem>>) src(%dma_wait3A_102 : memref<13312xi32, #tpu.memory_space<hbm>>) dst(%arg5 : memref<13312xi32, #tpu.memory_space<vmem>>)
      tpu.yield
    }) : () -> ()
    %iota3A = tpu.iota {dimensions = array<i32: 0>} : vector<16xi32>
    %add3A_5 = arith.constant 0 : i32
    %add3A_6 = vector.broadcast %add3A_5 : i32 to vector<16xi32>
    %add3A_7 = arith.addi %iota3A, %add3A_6 : vector<16xi32>
    %iota3A_8 = tpu.iota {dimensions = array<i32: 0>} : vector<16xi32>
    %add3A_9 = arith.constant 16 : i32
    %add3A_10 = vector.broadcast %add3A_9 : i32 to vector<16xi32>
    %add3A_11 = arith.addi %iota3A_8, %add3A_10 : vector<16xi32>
    %iota3A_12 = tpu.iota {dimensions = array<i32: 0>} : vector<16xi32>
    %add3A_13 = arith.constant 32 : i32
    %add3A_14 = vector.broadcast %add3A_13 : i32 to vector<16xi32>
    %add3A_15 = arith.addi %iota3A_12, %add3A_14 : vector<16xi32>
    %iota3A_16 = tpu.iota {dimensions = array<i32: 0>} : vector<16xi32>
    %add3A_17 = arith.constant 48 : i32
    %add3A_18 = vector.broadcast %add3A_17 : i32 to vector<16xi32>
    %add3A_19 = arith.addi %iota3A_16, %add3A_18 : vector<16xi32>
    %iota3A_20 = tpu.iota {dimensions = array<i32: 0>} : vector<16xi32>
    %add3A_21 = arith.constant 64 : i32
    %add3A_22 = vector.broadcast %add3A_21 : i32 to vector<16xi32>
    %add3A_23 = arith.addi %iota3A_20, %add3A_22 : vector<16xi32>
    %iota3A_24 = tpu.iota {dimensions = array<i32: 0>} : vector<16xi32>
    %add3A_25 = arith.constant 80 : i32
    %add3A_26 = vector.broadcast %add3A_25 : i32 to vector<16xi32>
    %add3A_27 = arith.addi %iota3A_24, %add3A_26 : vector<16xi32>
    %iota3A_28 = tpu.iota {dimensions = array<i32: 0>} : vector<16xi32>
    %add3A_29 = arith.constant 96 : i32
    %add3A_30 = vector.broadcast %add3A_29 : i32 to vector<16xi32>
    %add3A_31 = arith.addi %iota3A_28, %add3A_30 : vector<16xi32>
    %iota3A_32 = tpu.iota {dimensions = array<i32: 0>} : vector<16xi32>
    %add3A_33 = arith.constant 112 : i32
    %add3A_34 = vector.broadcast %add3A_33 : i32 to vector<16xi32>
    %add3A_35 = arith.addi %iota3A_32, %add3A_34 : vector<16xi32>
    %iota3A_36 = tpu.iota {dimensions = array<i32: 0>} : vector<16xi32>
    %add3A_37 = arith.constant 128 : i32
    %add3A_38 = vector.broadcast %add3A_37 : i32 to vector<16xi32>
    %add3A_39 = arith.addi %iota3A_36, %add3A_38 : vector<16xi32>
    %iota3A_40 = tpu.iota {dimensions = array<i32: 0>} : vector<16xi32>
    %add3A_41 = arith.constant 144 : i32
    %add3A_42 = vector.broadcast %add3A_41 : i32 to vector<16xi32>
    %add3A_43 = arith.addi %iota3A_40, %add3A_42 : vector<16xi32>
    %iota3A_44 = tpu.iota {dimensions = array<i32: 0>} : vector<16xi32>
    %add3A_45 = arith.constant 160 : i32
    %add3A_46 = vector.broadcast %add3A_45 : i32 to vector<16xi32>
    %add3A_47 = arith.addi %iota3A_44, %add3A_46 : vector<16xi32>
    %iota3A_48 = tpu.iota {dimensions = array<i32: 0>} : vector<16xi32>
    %add3A_49 = arith.constant 176 : i32
    %add3A_50 = vector.broadcast %add3A_49 : i32 to vector<16xi32>
    %add3A_51 = arith.addi %iota3A_48, %add3A_50 : vector<16xi32>
    %iota3A_52 = tpu.iota {dimensions = array<i32: 0>} : vector<16xi32>
    %add3A_53 = arith.constant 192 : i32
    %add3A_54 = vector.broadcast %add3A_53 : i32 to vector<16xi32>
    %add3A_55 = arith.addi %iota3A_52, %add3A_54 : vector<16xi32>
    %iota3A_56 = tpu.iota {dimensions = array<i32: 0>} : vector<16xi32>
    %add3A_57 = arith.constant 208 : i32
    %add3A_58 = vector.broadcast %add3A_57 : i32 to vector<16xi32>
    %add3A_59 = arith.addi %iota3A_56, %add3A_58 : vector<16xi32>
    %iota3A_60 = tpu.iota {dimensions = array<i32: 0>} : vector<16xi32>
    %add3A_61 = arith.constant 224 : i32
    %add3A_62 = vector.broadcast %add3A_61 : i32 to vector<16xi32>
    %add3A_63 = arith.addi %iota3A_60, %add3A_62 : vector<16xi32>
    %iota3A_64 = tpu.iota {dimensions = array<i32: 0>} : vector<16xi32>
    %add3A_65 = arith.constant 240 : i32
    %add3A_66 = vector.broadcast %add3A_65 : i32 to vector<16xi32>
    %add3A_67 = arith.addi %iota3A_64, %add3A_66 : vector<16xi32>
    %dma_start3A = arith.constant 0 : i32
    %dma_start3A_68 = tpu.memref_slice %arg5[%dma_start3A] : memref<13312xi32, #tpu.memory_space<vmem>> -> memref<256xi32, #tpu.memory_space<vmem>>
    %dma_start3A_69 = arith.constant 0 : i32
    %dma_start3A_70 = arith.constant 0 : i32
    %dma_start3A_71 = tpu.memref_slice %arg2[%dma_start3A_69, %dma_start3A_70] : memref<1000000x128xf32, #tpu.memory_space<hbm>> -> memref<1000000x128xf32, #tpu.memory_space<hbm>>
    tpu.enqueue_indirect_dma source(%dma_start3A_71 : memref<1000000x128xf32, #tpu.memory_space<hbm>>) target(%arg6 : memref<256x128xf32, #tpu.memory_space<vmem>>) offsets(%dma_start3A_68 : memref<256xi32, #tpu.memory_space<vmem>>) semaphore(%arg10 : memref<!tpu.dma_semaphore, #tpu.memory_space<semaphore_mem>>)
    %dma_start3A_72 = arith.constant 256 : i32
    %dma_start3A_73 = tpu.memref_slice %arg5[%dma_start3A_72] : memref<13312xi32, #tpu.memory_space<vmem>> -> memref<256xi32, #tpu.memory_space<vmem>>
    %dma_start3A_74 = arith.constant 0 : i32
    %dma_start3A_75 = arith.constant 0 : i32
    %dma_start3A_76 = tpu.memref_slice %arg2[%dma_start3A_74, %dma_start3A_75] : memref<1000000x128xf32, #tpu.memory_space<hbm>> -> memref<1000000x128xf32, #tpu.memory_space<hbm>>
    tpu.enqueue_indirect_dma source(%dma_start3A_76 : memref<1000000x128xf32, #tpu.memory_space<hbm>>) target(%arg7 : memref<256x128xf32, #tpu.memory_space<vmem>>) offsets(%dma_start3A_73 : memref<256xi32, #tpu.memory_space<vmem>>) semaphore(%arg11 : memref<!tpu.dma_semaphore, #tpu.memory_space<semaphore_mem>>)
    %scan3A = arith.constant 0 : i32
    %scan3A_77 = arith.constant 0 : i32
    %scan3A_78 = arith.constant 26 : i32
    %scan3A_79 = arith.addi %scan3A_77, %scan3A_78 : i32
    %scan3A_80 = arith.constant 1 : i32
    scf.for %scan3A_99 = %scan3A_77 to %scan3A_79 step %scan3A_80  : i32 {
      %mul3A_100 = arith.constant 2 : i32
      %mul3A_101 = arith.muli %mul3A_100, %scan3A_99 : i32
      %add3A_102 = arith.constant 0 : i32
      %add3A_103 = arith.addi %mul3A_101, %add3A_102 : i32
      %add3A_104 = arith.addi %mul3A_2, %add3A_103 : i32
      %jit3A = arith.constant 64 : i32
      %div3A = arith.divsi %add3A_104, %jit3A : i32
      %sign3A = arith.constant 0 : i32
      %sign3A_105 = arith.cmpi sgt, %add3A_104, %sign3A : i32
      %sign3A_106 = arith.extui %sign3A_105 : i1 to i32
      %sign3A_107 = arith.constant 0 : i32
      %sign3A_108 = arith.cmpi slt, %add3A_104, %sign3A_107 : i32
      %sign3A_109 = arith.extui %sign3A_108 : i1 to i32
      %sign3A_110 = arith.subi %sign3A_106, %sign3A_109 : i32
      %sign3A_111 = arith.constant 0 : i32
      %sign3A_112 = arith.cmpi sgt, %jit3A, %sign3A_111 : i32
      %sign3A_113 = arith.extui %sign3A_112 : i1 to i32
      %sign3A_114 = arith.constant 0 : i32
      %sign3A_115 = arith.cmpi slt, %jit3A, %sign3A_114 : i32
      %sign3A_116 = arith.extui %sign3A_115 : i1 to i32
      %sign3A_117 = arith.subi %sign3A_113, %sign3A_116 : i32
      %ne3A = arith.cmpi ne, %sign3A_110, %sign3A_117 : i32
      %rem3A = arith.remsi %add3A_104, %jit3A : i32
      %ne3A_118 = arith.constant 0 : i32
      %ne3A_119 = arith.cmpi ne, %rem3A, %ne3A_118 : i32
      %and3A = arith.andi %ne3A, %ne3A_119 : i1
      %sub3A = arith.constant 1 : i32
      %sub3A_120 = arith.subi %div3A, %sub3A : i32
      %select_n3A = arith.select %and3A, %sub3A_120, %div3A : i32
      %jit3A_121 = arith.constant 64 : i32
      %eq3A = arith.constant 0 : i32
      %eq3A_122 = arith.cmpi eq, %jit3A_121, %eq3A : i32
      %jit3A_123 = arith.constant 1 : i32
      %select_n3A_124 = arith.select %eq3A_122, %jit3A_123, %jit3A_121 : i32
      %rem3A_125 = arith.remsi %add3A_104, %select_n3A_124 : i32
      %ne3A_126 = arith.constant 0 : i32
      %ne3A_127 = arith.cmpi ne, %rem3A_125, %ne3A_126 : i32
      %lt3A = arith.constant 0 : i32
      %lt3A_128 = arith.cmpi slt, %rem3A_125, %lt3A : i32
      %lt3A_129 = arith.constant 0 : i32
      %lt3A_130 = arith.cmpi slt, %select_n3A_124, %lt3A_129 : i32
      %ne3A_131 = arith.xori %lt3A_128, %lt3A_130 : i1
      %and3A_132 = arith.andi %ne3A_131, %ne3A_127 : i1
      %add3A_133 = arith.addi %rem3A_125, %select_n3A_124 : i32
      %select_n3A_134 = arith.select %and3A_132, %add3A_133, %rem3A_125 : i32
      %mul3A_135 = arith.constant 256 : i32
      %mul3A_136 = arith.muli %add3A_103, %mul3A_135 : i32
      %dma_wait3A_137 = tpu.memref_slice %arg5[%mul3A_136] : memref<13312xi32, #tpu.memory_space<vmem>> -> memref<256xi32, #tpu.memory_space<vmem>>
      %dma_wait3A_138 = arith.constant 0 : i32
      %dma_wait3A_139 = arith.constant 0 : i32
      %dma_wait3A_140 = tpu.memref_slice %arg2[%dma_wait3A_138, %dma_wait3A_139] : memref<1000000x128xf32, #tpu.memory_space<hbm>> -> memref<1000000x128xf32, #tpu.memory_space<hbm>>
      tpu.wait_indirect_dma semaphore(%arg10 : memref<!tpu.dma_semaphore, #tpu.memory_space<semaphore_mem>>) src(%dma_wait3A_140 : memref<1000000x128xf32, #tpu.memory_space<hbm>>) dst(%arg6 : memref<256x128xf32, #tpu.memory_space<vmem>>)
      %gt3A = arith.constant 0 : i32
      %gt3A_141 = arith.cmpi sgt, %scan3A_99, %gt3A : i32
      %convert_element_type3A = arith.extui %gt3A_141 : i1 to i32
      %cond3A = arith.constant 0 : i32
      %cond3A_142 = arith.cmpi ne, %convert_element_type3A, %cond3A : i32
      scf.if %cond3A_142 {
        %dma_wait3A_237 = arith.constant 0 : i32
        %dma_wait3A_238 = arith.constant 0 : i32
        %dma_wait3A_239 = arith.constant 0 : i32
        %dma_wait3A_240 = tpu.memref_slice %arg4[%dma_wait3A_237, %dma_wait3A_238, %dma_wait3A_239] : memref<26x64x16384xf32, #tpu.memory_space<hbm>> -> memref<1x64x256xf32, #tpu.memory_space<hbm>>
        %dma_wait3A_241 = tpu.memref_squeeze %dma_wait3A_240 : memref<1x64x256xf32, #tpu.memory_space<hbm>> -> memref<64x256xf32, #tpu.memory_space<hbm>>
        %dma_wait3A_242 = arith.constant 0 : i32
        %dma_wait3A_243 = arith.constant 0 : i32
        %dma_wait3A_244 = tpu.memref_slice %arg4[%dma_wait3A_237, %dma_wait3A_242, %dma_wait3A_243] : memref<26x64x16384xf32, #tpu.memory_space<hbm>> -> memref<1x64x256xf32, #tpu.memory_space<hbm>>
        %dma_wait3A_245 = tpu.memref_squeeze %dma_wait3A_244 : memref<1x64x256xf32, #tpu.memory_space<hbm>> -> memref<64x256xf32, #tpu.memory_space<hbm>>
        tpu.wait_dma2 semaphore(%arg12 : memref<!tpu.dma_semaphore, #tpu.memory_space<semaphore_mem>>) src(%dma_wait3A_245 : memref<64x256xf32, #tpu.memory_space<hbm>>) dst(%arg8 : memref<64x256xf32, #tpu.memory_space<vmem>>)
      } else {
      }
      %scan3A_143 = arith.constant 0 : i32
      %scan3A_144 = arith.constant 0 : i32
      %scan3A_145 = arith.constant 8 : i32
      %scan3A_146 = arith.addi %scan3A_144, %scan3A_145 : i32
      %scan3A_147 = arith.constant 1 : i32
      scf.for %scan3A_237 = %scan3A_144 to %scan3A_146 step %scan3A_147  : i32 {
        %mul3A_238 = arith.constant 8 : i32
        %mul3A_239 = arith.muli %scan3A_237, %mul3A_238 : i32
        %broadcast_in_dim3A = arith.constant 0 : i32
        %broadcast_in_dim3A_240 = vector.broadcast %broadcast_in_dim3A : i32 to vector<16xi32>
        %add3A_241 = vector.broadcast %mul3A_239 : i32 to vector<16xi32>
        %add3A_242 = arith.addi %broadcast_in_dim3A_240, %add3A_241 : vector<16xi32>
        %gather3A = tpu.vector_load_idx %arg6[%add3A_7, %add3A_242] : memref<256x128xf32, #tpu.memory_space<vmem>>[vector<16xi32>, vector<16xi32>], vector<16xf32>,
        %gather3A_243 = tpu.vector_load_idx %arg6[%add3A_11, %add3A_242] : memref<256x128xf32, #tpu.memory_space<vmem>>[vector<16xi32>, vector<16xi32>], vector<16xf32>,
        %gather3A_244 = tpu.vector_load_idx %arg6[%add3A_15, %add3A_242] : memref<256x128xf32, #tpu.memory_space<vmem>>[vector<16xi32>, vector<16xi32>], vector<16xf32>,
        %gather3A_245 = tpu.vector_load_idx %arg6[%add3A_19, %add3A_242] : memref<256x128xf32, #tpu.memory_space<vmem>>[vector<16xi32>, vector<16xi32>], vector<16xf32>,
        %gather3A_246 = tpu.vector_load_idx %arg6[%add3A_23, %add3A_242] : memref<256x128xf32, #tpu.memory_space<vmem>>[vector<16xi32>, vector<16xi32>], vector<16xf32>,
        %gather3A_247 = tpu.vector_load_idx %arg6[%add3A_27, %add3A_242] : memref<256x128xf32, #tpu.memory_space<vmem>>[vector<16xi32>, vector<16xi32>], vector<16xf32>,
        %gather3A_248 = tpu.vector_load_idx %arg6[%add3A_31, %add3A_242] : memref<256x128xf32, #tpu.memory_space<vmem>>[vector<16xi32>, vector<16xi32>], vector<16xf32>,
        %gather3A_249 = tpu.vector_load_idx %arg6[%add3A_35, %add3A_242] : memref<256x128xf32, #tpu.memory_space<vmem>>[vector<16xi32>, vector<16xi32>], vector<16xf32>,
        %gather3A_250 = tpu.vector_load_idx %arg6[%add3A_39, %add3A_242] : memref<256x128xf32, #tpu.memory_space<vmem>>[vector<16xi32>, vector<16xi32>], vector<16xf32>,
        %gather3A_251 = tpu.vector_load_idx %arg6[%add3A_43, %add3A_242] : memref<256x128xf32, #tpu.memory_space<vmem>>[vector<16xi32>, vector<16xi32>], vector<16xf32>,
        %gather3A_252 = tpu.vector_load_idx %arg6[%add3A_47, %add3A_242] : memref<256x128xf32, #tpu.memory_space<vmem>>[vector<16xi32>, vector<16xi32>], vector<16xf32>,
        %gather3A_253 = tpu.vector_load_idx %arg6[%add3A_51, %add3A_242] : memref<256x128xf32, #tpu.memory_space<vmem>>[vector<16xi32>, vector<16xi32>], vector<16xf32>,
        %gather3A_254 = tpu.vector_load_idx %arg6[%add3A_55, %add3A_242] : memref<256x128xf32, #tpu.memory_space<vmem>>[vector<16xi32>, vector<16xi32>], vector<16xf32>,
        %gather3A_255 = tpu.vector_load_idx %arg6[%add3A_59, %add3A_242] : memref<256x128xf32, #tpu.memory_space<vmem>>[vector<16xi32>, vector<16xi32>], vector<16xf32>,
        %gather3A_256 = tpu.vector_load_idx %arg6[%add3A_63, %add3A_242] : memref<256x128xf32, #tpu.memory_space<vmem>>[vector<16xi32>, vector<16xi32>], vector<16xf32>,
        %gather3A_257 = tpu.vector_load_idx %arg6[%add3A_67, %add3A_242] : memref<256x128xf32, #tpu.memory_space<vmem>>[vector<16xi32>, vector<16xi32>], vector<16xf32>,
        %add3A_258 = arith.constant 0 : i32
        %add3A_259 = arith.addi %mul3A_239, %add3A_258 : i32
        %swap3A = arith.index_cast %add3A_259 : i32 to index
        %swap3A_260 = arith.constant 0 : index
        %swap3A_261 = tpu.vector_load %arg8[%swap3A, %swap3A_260] {strides = array<i32>} : memref<64x256xf32, #tpu.memory_space<vmem>>, vector<16xf32>,
        tpu.vector_store %arg8[%swap3A, %swap3A_260], %gather3A {strides = array<i32>} : memref<64x256xf32, #tpu.memory_space<vmem>>, vector<16xf32>,
        %add3A_262 = arith.constant 0 : i32
        %add3A_263 = arith.addi %mul3A_239, %add3A_262 : i32
        %swap3A_264 = arith.index_cast %add3A_263 : i32 to index
        %swap3A_265 = arith.constant 16 : index
        %swap3A_266 = tpu.vector_load %arg8[%swap3A_264, %swap3A_265] {strides = array<i32>} : memref<64x256xf32, #tpu.memory_space<vmem>>, vector<16xf32>,
        tpu.vector_store %arg8[%swap3A_264, %swap3A_265], %gather3A_243 {strides = array<i32>} : memref<64x256xf32, #tpu.memory_space<vmem>>, vector<16xf32>,
        %add3A_267 = arith.constant 0 : i32
        %add3A_268 = arith.addi %mul3A_239, %add3A_267 : i32
        %swap3A_269 = arith.index_cast %add3A_268 : i32 to index
        %swap3A_270 = arith.constant 32 : index
        %swap3A_271 = tpu.vector_load %arg8[%swap3A_269, %swap3A_270] {strides = array<i32>} : memref<64x256xf32, #tpu.memory_space<vmem>>, vector<16xf32>,
        tpu.vector_store %arg8[%swap3A_269, %swap3A_270], %gather3A_244 {strides = array<i32>} : memref<64x256xf32, #tpu.memory_space<vmem>>, vector<16xf32>,
        %add3A_272 = arith.constant 0 : i32
        %add3A_273 = arith.addi %mul3A_239, %add3A_272 : i32
        %swap3A_274 = arith.index_cast %add3A_273 : i32 to index
        %swap3A_275 = arith.constant 48 : index
        %swap3A_276 = tpu.vector_load %arg8[%swap3A_274, %swap3A_275] {strides = array<i32>} : memref<64x256xf32, #tpu.memory_space<vmem>>, vector<16xf32>,
        tpu.vector_store %arg8[%swap3A_274, %swap3A_275], %gather3A_245 {strides = array<i32>} : memref<64x256xf32, #tpu.memory_space<vmem>>, vector<16xf32>,
        %add3A_277 = arith.constant 0 : i32
        %add3A_278 = arith.addi %mul3A_239, %add3A_277 : i32
        %swap3A_279 = arith.index_cast %add3A_278 : i32 to index
        %swap3A_280 = arith.constant 64 : index
        %swap3A_281 = tpu.vector_load %arg8[%swap3A_279, %swap3A_280] {strides = array<i32>} : memref<64x256xf32, #tpu.memory_space<vmem>>, vector<16xf32>,
        tpu.vector_store %arg8[%swap3A_279, %swap3A_280], %gather3A_246 {strides = array<i32>} : memref<64x256xf32, #tpu.memory_space<vmem>>, vector<16xf32>,
        %add3A_282 = arith.constant 0 : i32
        %add3A_283 = arith.addi %mul3A_239, %add3A_282 : i32
        %swap3A_284 = arith.index_cast %add3A_283 : i32 to index
        %swap3A_285 = arith.constant 80 : index
        %swap3A_286 = tpu.vector_load %arg8[%swap3A_284, %swap3A_285] {strides = array<i32>} : memref<64x256xf32, #tpu.memory_space<vmem>>, vector<16xf32>,
        tpu.vector_store %arg8[%swap3A_284, %swap3A_285], %gather3A_247 {strides = array<i32>} : memref<64x256xf32, #tpu.memory_space<vmem>>, vector<16xf32>,
        %add3A_287 = arith.constant 0 : i32
        %add3A_288 = arith.addi %mul3A_239, %add3A_287 : i32
        %swap3A_289 = arith.index_cast %add3A_288 : i32 to index
        %swap3A_290 = arith.constant 96 : index
        %swap3A_291 = tpu.vector_load %arg8[%swap3A_289, %swap3A_290] {strides = array<i32>} : memref<64x256xf32, #tpu.memory_space<vmem>>, vector<16xf32>,
        tpu.vector_store %arg8[%swap3A_289, %swap3A_290], %gather3A_248 {strides = array<i32>} : memref<64x256xf32, #tpu.memory_space<vmem>>, vector<16xf32>,
        %add3A_292 = arith.constant 0 : i32
        %add3A_293 = arith.addi %mul3A_239, %add3A_292 : i32
        %swap3A_294 = arith.index_cast %add3A_293 : i32 to index
        %swap3A_295 = arith.constant 112 : index
        %swap3A_296 = tpu.vector_load %arg8[%swap3A_294, %swap3A_295] {strides = array<i32>} : memref<64x256xf32, #tpu.memory_space<vmem>>, vector<16xf32>,
        tpu.vector_store %arg8[%swap3A_294, %swap3A_295], %gather3A_249 {strides = array<i32>} : memref<64x256xf32, #tpu.memory_space<vmem>>, vector<16xf32>,
        %add3A_297 = arith.constant 0 : i32
        %add3A_298 = arith.addi %mul3A_239, %add3A_297 : i32
        %swap3A_299 = arith.index_cast %add3A_298 : i32 to index
        %swap3A_300 = arith.constant 128 : index
        %swap3A_301 = tpu.vector_load %arg8[%swap3A_299, %swap3A_300] {strides = array<i32>} : memref<64x256xf32, #tpu.memory_space<vmem>>, vector<16xf32>,
        tpu.vector_store %arg8[%swap3A_299, %swap3A_300], %gather3A_250 {strides = array<i32>} : memref<64x256xf32, #tpu.memory_space<vmem>>, vector<16xf32>,
        %add3A_302 = arith.constant 0 : i32
        %add3A_303 = arith.addi %mul3A_239, %add3A_302 : i32
        %swap3A_304 = arith.index_cast %add3A_303 : i32 to index
        %swap3A_305 = arith.constant 144 : index
        %swap3A_306 = tpu.vector_load %arg8[%swap3A_304, %swap3A_305] {strides = array<i32>} : memref<64x256xf32, #tpu.memory_space<vmem>>, vector<16xf32>,
        tpu.vector_store %arg8[%swap3A_304, %swap3A_305], %gather3A_251 {strides = array<i32>} : memref<64x256xf32, #tpu.memory_space<vmem>>, vector<16xf32>,
        %add3A_307 = arith.constant 0 : i32
        %add3A_308 = arith.addi %mul3A_239, %add3A_307 : i32
        %swap3A_309 = arith.index_cast %add3A_308 : i32 to index
        %swap3A_310 = arith.constant 160 : index
        %swap3A_311 = tpu.vector_load %arg8[%swap3A_309, %swap3A_310] {strides = array<i32>} : memref<64x256xf32, #tpu.memory_space<vmem>>, vector<16xf32>,
        tpu.vector_store %arg8[%swap3A_309, %swap3A_310], %gather3A_252 {strides = array<i32>} : memref<64x256xf32, #tpu.memory_space<vmem>>, vector<16xf32>,
        %add3A_312 = arith.constant 0 : i32
        %add3A_313 = arith.addi %mul3A_239, %add3A_312 : i32
        %swap3A_314 = arith.index_cast %add3A_313 : i32 to index
        %swap3A_315 = arith.constant 176 : index
        %swap3A_316 = tpu.vector_load %arg8[%swap3A_314, %swap3A_315] {strides = array<i32>} : memref<64x256xf32, #tpu.memory_space<vmem>>, vector<16xf32>,
        tpu.vector_store %arg8[%swap3A_314, %swap3A_315], %gather3A_253 {strides = array<i32>} : memref<64x256xf32, #tpu.memory_space<vmem>>, vector<16xf32>,
        %add3A_317 = arith.constant 0 : i32
        %add3A_318 = arith.addi %mul3A_239, %add3A_317 : i32
        %swap3A_319 = arith.index_cast %add3A_318 : i32 to index
        %swap3A_320 = arith.constant 192 : index
        %swap3A_321 = tpu.vector_load %arg8[%swap3A_319, %swap3A_320] {strides = array<i32>} : memref<64x256xf32, #tpu.memory_space<vmem>>, vector<16xf32>,
        tpu.vector_store %arg8[%swap3A_319, %swap3A_320], %gather3A_254 {strides = array<i32>} : memref<64x256xf32, #tpu.memory_space<vmem>>, vector<16xf32>,
        %add3A_322 = arith.constant 0 : i32
        %add3A_323 = arith.addi %mul3A_239, %add3A_322 : i32
        %swap3A_324 = arith.index_cast %add3A_323 : i32 to index
        %swap3A_325 = arith.constant 208 : index
        %swap3A_326 = tpu.vector_load %arg8[%swap3A_324, %swap3A_325] {strides = array<i32>} : memref<64x256xf32, #tpu.memory_space<vmem>>, vector<16xf32>,
        tpu.vector_store %arg8[%swap3A_324, %swap3A_325], %gather3A_255 {strides = array<i32>} : memref<64x256xf32, #tpu.memory_space<vmem>>, vector<16xf32>,
        %add3A_327 = arith.constant 0 : i32
        %add3A_328 = arith.addi %mul3A_239, %add3A_327 : i32
        %swap3A_329 = arith.index_cast %add3A_328 : i32 to index
        %swap3A_330 = arith.constant 224 : index
        %swap3A_331 = tpu.vector_load %arg8[%swap3A_329, %swap3A_330] {strides = array<i32>} : memref<64x256xf32, #tpu.memory_space<vmem>>, vector<16xf32>,
        tpu.vector_store %arg8[%swap3A_329, %swap3A_330], %gather3A_256 {strides = array<i32>} : memref<64x256xf32, #tpu.memory_space<vmem>>, vector<16xf32>,
        %add3A_332 = arith.constant 0 : i32
        %add3A_333 = arith.addi %mul3A_239, %add3A_332 : i32
        %swap3A_334 = arith.index_cast %add3A_333 : i32 to index
        %swap3A_335 = arith.constant 240 : index
        %swap3A_336 = tpu.vector_load %arg8[%swap3A_334, %swap3A_335] {strides = array<i32>} : memref<64x256xf32, #tpu.memory_space<vmem>>, vector<16xf32>,
        tpu.vector_store %arg8[%swap3A_334, %swap3A_335], %gather3A_257 {strides = array<i32>} : memref<64x256xf32, #tpu.memory_space<vmem>>, vector<16xf32>,
        %broadcast_in_dim3A_337 = arith.constant 1 : i32
        %broadcast_in_dim3A_338 = vector.broadcast %broadcast_in_dim3A_337 : i32 to vector<16xi32>
        %add3A_339 = vector.broadcast %mul3A_239 : i32 to vector<16xi32>
        %add3A_340 = arith.addi %broadcast_in_dim3A_338, %add3A_339 : vector<16xi32>
        %gather3A_341 = tpu.vector_load_idx %arg6[%add3A_7, %add3A_340] : memref<256x128xf32, #tpu.memory_space<vmem>>[vector<16xi32>, vector<16xi32>], vector<16xf32>,
        %gather3A_342 = tpu.vector_load_idx %arg6[%add3A_11, %add3A_340] : memref<256x128xf32, #tpu.memory_space<vmem>>[vector<16xi32>, vector<16xi32>], vector<16xf32>,
        %gather3A_343 = tpu.vector_load_idx %arg6[%add3A_15, %add3A_340] : memref<256x128xf32, #tpu.memory_space<vmem>>[vector<16xi32>, vector<16xi32>], vector<16xf32>,
        %gather3A_344 = tpu.vector_load_idx %arg6[%add3A_19, %add3A_340] : memref<256x128xf32, #tpu.memory_space<vmem>>[vector<16xi32>, vector<16xi32>], vector<16xf32>,
        %gather3A_345 = tpu.vector_load_idx %arg6[%add3A_23, %add3A_340] : memref<256x128xf32, #tpu.memory_space<vmem>>[vector<16xi32>, vector<16xi32>], vector<16xf32>,
        %gather3A_346 = tpu.vector_load_idx %arg6[%add3A_27, %add3A_340] : memref<256x128xf32, #tpu.memory_space<vmem>>[vector<16xi32>, vector<16xi32>], vector<16xf32>,
        %gather3A_347 = tpu.vector_load_idx %arg6[%add3A_31, %add3A_340] : memref<256x128xf32, #tpu.memory_space<vmem>>[vector<16xi32>, vector<16xi32>], vector<16xf32>,
        %gather3A_348 = tpu.vector_load_idx %arg6[%add3A_35, %add3A_340] : memref<256x128xf32, #tpu.memory_space<vmem>>[vector<16xi32>, vector<16xi32>], vector<16xf32>,
        %gather3A_349 = tpu.vector_load_idx %arg6[%add3A_39, %add3A_340] : memref<256x128xf32, #tpu.memory_space<vmem>>[vector<16xi32>, vector<16xi32>], vector<16xf32>,
        %gather3A_350 = tpu.vector_load_idx %arg6[%add3A_43, %add3A_340] : memref<256x128xf32, #tpu.memory_space<vmem>>[vector<16xi32>, vector<16xi32>], vector<16xf32>,
        %gather3A_351 = tpu.vector_load_idx %arg6[%add3A_47, %add3A_340] : memref<256x128xf32, #tpu.memory_space<vmem>>[vector<16xi32>, vector<16xi32>], vector<16xf32>,
        %gather3A_352 = tpu.vector_load_idx %arg6[%add3A_51, %add3A_340] : memref<256x128xf32, #tpu.memory_space<vmem>>[vector<16xi32>, vector<16xi32>], vector<16xf32>,
        %gather3A_353 = tpu.vector_load_idx %arg6[%add3A_55, %add3A_340] : memref<256x128xf32, #tpu.memory_space<vmem>>[vector<16xi32>, vector<16xi32>], vector<16xf32>,
        %gather3A_354 = tpu.vector_load_idx %arg6[%add3A_59, %add3A_340] : memref<256x128xf32, #tpu.memory_space<vmem>>[vector<16xi32>, vector<16xi32>], vector<16xf32>,
        %gather3A_355 = tpu.vector_load_idx %arg6[%add3A_63, %add3A_340] : memref<256x128xf32, #tpu.memory_space<vmem>>[vector<16xi32>, vector<16xi32>], vector<16xf32>,
        %gather3A_356 = tpu.vector_load_idx %arg6[%add3A_67, %add3A_340] : memref<256x128xf32, #tpu.memory_space<vmem>>[vector<16xi32>, vector<16xi32>], vector<16xf32>,
        %add3A_357 = arith.constant 1 : i32
        %add3A_358 = arith.addi %mul3A_239, %add3A_357 : i32
        %swap3A_359 = arith.index_cast %add3A_358 : i32 to index
        %swap3A_360 = arith.constant 0 : index
        %swap3A_361 = tpu.vector_load %arg8[%swap3A_359, %swap3A_360] {strides = array<i32>} : memref<64x256xf32, #tpu.memory_space<vmem>>, vector<16xf32>,
        tpu.vector_store %arg8[%swap3A_359, %swap3A_360], %gather3A_341 {strides = array<i32>} : memref<64x256xf32, #tpu.memory_space<vmem>>, vector<16xf32>,
        %add3A_362 = arith.constant 1 : i32
        %add3A_363 = arith.addi %mul3A_239, %add3A_362 : i32
        %swap3A_364 = arith.index_cast %add3A_363 : i32 to index
        %swap3A_365 = arith.constant 16 : index
        %swap3A_366 = tpu.vector_load %arg8[%swap3A_364, %swap3A_365] {strides = array<i32>} : memref<64x256xf32, #tpu.memory_space<vmem>>, vector<16xf32>,
        tpu.vector_store %arg8[%swap3A_364, %swap3A_365], %gather3A_342 {strides = array<i32>} : memref<64x256xf32, #tpu.memory_space<vmem>>, vector<16xf32>,
        %add3A_367 = arith.constant 1 : i32
        %add3A_368 = arith.addi %mul3A_239, %add3A_367 : i32
        %swap3A_369 = arith.index_cast %add3A_368 : i32 to index
        %swap3A_370 = arith.constant 32 : index
        %swap3A_371 = tpu.vector_load %arg8[%swap3A_369, %swap3A_370] {strides = array<i32>} : memref<64x256xf32, #tpu.memory_space<vmem>>, vector<16xf32>,
        tpu.vector_store %arg8[%swap3A_369, %swap3A_370], %gather3A_343 {strides = array<i32>} : memref<64x256xf32, #tpu.memory_space<vmem>>, vector<16xf32>,
        %add3A_372 = arith.constant 1 : i32
        %add3A_373 = arith.addi %mul3A_239, %add3A_372 : i32
        %swap3A_374 = arith.index_cast %add3A_373 : i32 to index
        %swap3A_375 = arith.constant 48 : index
        %swap3A_376 = tpu.vector_load %arg8[%swap3A_374, %swap3A_375] {strides = array<i32>} : memref<64x256xf32, #tpu.memory_space<vmem>>, vector<16xf32>,
        tpu.vector_store %arg8[%swap3A_374, %swap3A_375], %gather3A_344 {strides = array<i32>} : memref<64x256xf32, #tpu.memory_space<vmem>>, vector<16xf32>,
        %add3A_377 = arith.constant 1 : i32
        %add3A_378 = arith.addi %mul3A_239, %add3A_377 : i32
        %swap3A_379 = arith.index_cast %add3A_378 : i32 to index
        %swap3A_380 = arith.constant 64 : index
        %swap3A_381 = tpu.vector_load %arg8[%swap3A_379, %swap3A_380] {strides = array<i32>} : memref<64x256xf32, #tpu.memory_space<vmem>>, vector<16xf32>,
        tpu.vector_store %arg8[%swap3A_379, %swap3A_380], %gather3A_345 {strides = array<i32>} : memref<64x256xf32, #tpu.memory_space<vmem>>, vector<16xf32>,
        %add3A_382 = arith.constant 1 : i32
        %add3A_383 = arith.addi %mul3A_239, %add3A_382 : i32
        %swap3A_384 = arith.index_cast %add3A_383 : i32 to index
        %swap3A_385 = arith.constant 80 : index
        %swap3A_386 = tpu.vector_load %arg8[%swap3A_384, %swap3A_385] {strides = array<i32>} : memref<64x256xf32, #tpu.memory_space<vmem>>, vector<16xf32>,
        tpu.vector_store %arg8[%swap3A_384, %swap3A_385], %gather3A_346 {strides = array<i32>} : memref<64x256xf32, #tpu.memory_space<vmem>>, vector<16xf32>,
        %add3A_387 = arith.constant 1 : i32
        %add3A_388 = arith.addi %mul3A_239, %add3A_387 : i32
        %swap3A_389 = arith.index_cast %add3A_388 : i32 to index
        %swap3A_390 = arith.constant 96 : index
        %swap3A_391 = tpu.vector_load %arg8[%swap3A_389, %swap3A_390] {strides = array<i32>} : memref<64x256xf32, #tpu.memory_space<vmem>>, vector<16xf32>,
        tpu.vector_store %arg8[%swap3A_389, %swap3A_390], %gather3A_347 {strides = array<i32>} : memref<64x256xf32, #tpu.memory_space<vmem>>, vector<16xf32>,
        %add3A_392 = arith.constant 1 : i32
        %add3A_393 = arith.addi %mul3A_239, %add3A_392 : i32
        %swap3A_394 = arith.index_cast %add3A_393 : i32 to index
        %swap3A_395 = arith.constant 112 : index
        %swap3A_396 = tpu.vector_load %arg8[%swap3A_394, %swap3A_395] {strides = array<i32>} : memref<64x256xf32, #tpu.memory_space<vmem>>, vector<16xf32>,
        tpu.vector_store %arg8[%swap3A_394, %swap3A_395], %gather3A_348 {strides = array<i32>} : memref<64x256xf32, #tpu.memory_space<vmem>>, vector<16xf32>,
        %add3A_397 = arith.constant 1 : i32
        %add3A_398 = arith.addi %mul3A_239, %add3A_397 : i32
        %swap3A_399 = arith.index_cast %add3A_398 : i32 to index
        %swap3A_400 = arith.constant 128 : index
        %swap3A_401 = tpu.vector_load %arg8[%swap3A_399, %swap3A_400] {strides = array<i32>} : memref<64x256xf32, #tpu.memory_space<vmem>>, vector<16xf32>,
        tpu.vector_store %arg8[%swap3A_399, %swap3A_400], %gather3A_349 {strides = array<i32>} : memref<64x256xf32, #tpu.memory_space<vmem>>, vector<16xf32>,
        %add3A_402 = arith.constant 1 : i32
        %add3A_403 = arith.addi %mul3A_239, %add3A_402 : i32
        %swap3A_404 = arith.index_cast %add3A_403 : i32 to index
        %swap3A_405 = arith.constant 144 : index
        %swap3A_406 = tpu.vector_load %arg8[%swap3A_404, %swap3A_405] {strides = array<i32>} : memref<64x256xf32, #tpu.memory_space<vmem>>, vector<16xf32>,
        tpu.vector_store %arg8[%swap3A_404, %swap3A_405], %gather3A_350 {strides = array<i32>} : memref<64x256xf32, #tpu.memory_space<vmem>>, vector<16xf32>,
        %add3A_407 = arith.constant 1 : i32
        %add3A_408 = arith.addi %mul3A_239, %add3A_407 : i32
        %swap3A_409 = arith.index_cast %add3A_408 : i32 to index
        %swap3A_410 = arith.constant 160 : index
        %swap3A_411 = tpu.vector_load %arg8[%swap3A_409, %swap3A_410] {strides = array<i32>} : memref<64x256xf32, #tpu.memory_space<vmem>>, vector<16xf32>,
        tpu.vector_store %arg8[%swap3A_409, %swap3A_410], %gather3A_351 {strides = array<i32>} : memref<64x256xf32, #tpu.memory_space<vmem>>, vector<16xf32>,
        %add3A_412 = arith.constant 1 : i32
        %add3A_413 = arith.addi %mul3A_239, %add3A_412 : i32
        %swap3A_414 = arith.index_cast %add3A_413 : i32 to index
        %swap3A_415 = arith.constant 176 : index
        %swap3A_416 = tpu.vector_load %arg8[%swap3A_414, %swap3A_415] {strides = array<i32>} : memref<64x256xf32, #tpu.memory_space<vmem>>, vector<16xf32>,
        tpu.vector_store %arg8[%swap3A_414, %swap3A_415], %gather3A_352 {strides = array<i32>} : memref<64x256xf32, #tpu.memory_space<vmem>>, vector<16xf32>,
        %add3A_417 = arith.constant 1 : i32
        %add3A_418 = arith.addi %mul3A_239, %add3A_417 : i32
        %swap3A_419 = arith.index_cast %add3A_418 : i32 to index
        %swap3A_420 = arith.constant 192 : index
        %swap3A_421 = tpu.vector_load %arg8[%swap3A_419, %swap3A_420] {strides = array<i32>} : memref<64x256xf32, #tpu.memory_space<vmem>>, vector<16xf32>,
        tpu.vector_store %arg8[%swap3A_419, %swap3A_420], %gather3A_353 {strides = array<i32>} : memref<64x256xf32, #tpu.memory_space<vmem>>, vector<16xf32>,
        %add3A_422 = arith.constant 1 : i32
        %add3A_423 = arith.addi %mul3A_239, %add3A_422 : i32
        %swap3A_424 = arith.index_cast %add3A_423 : i32 to index
        %swap3A_425 = arith.constant 208 : index
        %swap3A_426 = tpu.vector_load %arg8[%swap3A_424, %swap3A_425] {strides = array<i32>} : memref<64x256xf32, #tpu.memory_space<vmem>>, vector<16xf32>,
        tpu.vector_store %arg8[%swap3A_424, %swap3A_425], %gather3A_354 {strides = array<i32>} : memref<64x256xf32, #tpu.memory_space<vmem>>, vector<16xf32>,
        %add3A_427 = arith.constant 1 : i32
        %add3A_428 = arith.addi %mul3A_239, %add3A_427 : i32
        %swap3A_429 = arith.index_cast %add3A_428 : i32 to index
        %swap3A_430 = arith.constant 224 : index
        %swap3A_431 = tpu.vector_load %arg8[%swap3A_429, %swap3A_430] {strides = array<i32>} : memref<64x256xf32, #tpu.memory_space<vmem>>, vector<16xf32>,
        tpu.vector_store %arg8[%swap3A_429, %swap3A_430], %gather3A_355 {strides = array<i32>} : memref<64x256xf32, #tpu.memory_space<vmem>>, vector<16xf32>,
        %add3A_432 = arith.constant 1 : i32
        %add3A_433 = arith.addi %mul3A_239, %add3A_432 : i32
        %swap3A_434 = arith.index_cast %add3A_433 : i32 to index
        %swap3A_435 = arith.constant 240 : index
        %swap3A_436 = tpu.vector_load %arg8[%swap3A_434, %swap3A_435] {strides = array<i32>} : memref<64x256xf32, #tpu.memory_space<vmem>>, vector<16xf32>,
        tpu.vector_store %arg8[%swap3A_434, %swap3A_435], %gather3A_356 {strides = array<i32>} : memref<64x256xf32, #tpu.memory_space<vmem>>, vector<16xf32>,
        %broadcast_in_dim3A_437 = arith.constant 2 : i32
        %broadcast_in_dim3A_438 = vector.broadcast %broadcast_in_dim3A_437 : i32 to vector<16xi32>
        %add3A_439 = vector.broadcast %mul3A_239 : i32 to vector<16xi32>
        %add3A_440 = arith.addi %broadcast_in_dim3A_438, %add3A_439 : vector<16xi32>
        %gather3A_441 = tpu.vector_load_idx %arg6[%add3A_7, %add3A_440] : memref<256x128xf32, #tpu.memory_space<vmem>>[vector<16xi32>, vector<16xi32>], vector<16xf32>,
        %gather3A_442 = tpu.vector_load_idx %arg6[%add3A_11, %add3A_440] : memref<256x128xf32, #tpu.memory_space<vmem>>[vector<16xi32>, vector<16xi32>], vector<16xf32>,
        %gather3A_443 = tpu.vector_load_idx %arg6[%add3A_15, %add3A_440] : memref<256x128xf32, #tpu.memory_space<vmem>>[vector<16xi32>, vector<16xi32>], vector<16xf32>,
        %gather3A_444 = tpu.vector_load_idx %arg6[%add3A_19, %add3A_440] : memref<256x128xf32, #tpu.memory_space<vmem>>[vector<16xi32>, vector<16xi32>], vector<16xf32>,
        %gather3A_445 = tpu.vector_load_idx %arg6[%add3A_23, %add3A_440] : memref<256x128xf32, #tpu.memory_space<vmem>>[vector<16xi32>, vector<16xi32>], vector<16xf32>,
        %gather3A_446 = tpu.vector_load_idx %arg6[%add3A_27, %add3A_440] : memref<256x128xf32, #tpu.memory_space<vmem>>[vector<16xi32>, vector<16xi32>], vector<16xf32>,
        %gather3A_447 = tpu.vector_load_idx %arg6[%add3A_31, %add3A_440] : memref<256x128xf32, #tpu.memory_space<vmem>>[vector<16xi32>, vector<16xi32>], vector<16xf32>,
        %gather3A_448 = tpu.vector_load_idx %arg6[%add3A_35, %add3A_440] : memref<256x128xf32, #tpu.memory_space<vmem>>[vector<16xi32>, vector<16xi32>], vector<16xf32>,
        %gather3A_449 = tpu.vector_load_idx %arg6[%add3A_39, %add3A_440] : memref<256x128xf32, #tpu.memory_space<vmem>>[vector<16xi32>, vector<16xi32>], vector<16xf32>,
        %gather3A_450 = tpu.vector_load_idx %arg6[%add3A_43, %add3A_440] : memref<256x128xf32, #tpu.memory_space<vmem>>[vector<16xi32>, vector<16xi32>], vector<16xf32>,
        %gather3A_451 = tpu.vector_load_idx %arg6[%add3A_47, %add3A_440] : memref<256x128xf32, #tpu.memory_space<vmem>>[vector<16xi32>, vector<16xi32>], vector<16xf32>,
        %gather3A_452 = tpu.vector_load_idx %arg6[%add3A_51, %add3A_440] : memref<256x128xf32, #tpu.memory_space<vmem>>[vector<16xi32>, vector<16xi32>], vector<16xf32>,
        %gather3A_453 = tpu.vector_load_idx %arg6[%add3A_55, %add3A_440] : memref<256x128xf32, #tpu.memory_space<vmem>>[vector<16xi32>, vector<16xi32>], vector<16xf32>,
        %gather3A_454 = tpu.vector_load_idx %arg6[%add3A_59, %add3A_440] : memref<256x128xf32, #tpu.memory_space<vmem>>[vector<16xi32>, vector<16xi32>], vector<16xf32>,
        %gather3A_455 = tpu.vector_load_idx %arg6[%add3A_63, %add3A_440] : memref<256x128xf32, #tpu.memory_space<vmem>>[vector<16xi32>, vector<16xi32>], vector<16xf32>,
        %gather3A_456 = tpu.vector_load_idx %arg6[%add3A_67, %add3A_440] : memref<256x128xf32, #tpu.memory_space<vmem>>[vector<16xi32>, vector<16xi32>], vector<16xf32>,
        %add3A_457 = arith.constant 2 : i32
        %add3A_458 = arith.addi %mul3A_239, %add3A_457 : i32
        %swap3A_459 = arith.index_cast %add3A_458 : i32 to index
        %swap3A_460 = arith.constant 0 : index
        %swap3A_461 = tpu.vector_load %arg8[%swap3A_459, %swap3A_460] {strides = array<i32>} : memref<64x256xf32, #tpu.memory_space<vmem>>, vector<16xf32>,
        tpu.vector_store %arg8[%swap3A_459, %swap3A_460], %gather3A_441 {strides = array<i32>} : memref<64x256xf32, #tpu.memory_space<vmem>>, vector<16xf32>,
        %add3A_462 = arith.constant 2 : i32
        %add3A_463 = arith.addi %mul3A_239, %add3A_462 : i32
        %swap3A_464 = arith.index_cast %add3A_463 : i32 to index
        %swap3A_465 = arith.constant 16 : index
        %swap3A_466 = tpu.vector_load %arg8[%swap3A_464, %swap3A_465] {strides = array<i32>} : memref<64x256xf32, #tpu.memory_space<vmem>>, vector<16xf32>,
        tpu.vector_store %arg8[%swap3A_464, %swap3A_465], %gather3A_442 {strides = array<i32>} : memref<64x256xf32, #tpu.memory_space<vmem>>, vector<16xf32>,
        %add3A_467 = arith.constant 2 : i32
        %add3A_468 = arith.addi %mul3A_239, %add3A_467 : i32
        %swap3A_469 = arith.index_cast %add3A_468 : i32 to index
        %swap3A_470 = arith.constant 32 : index
        %swap3A_471 = tpu.vector_load %arg8[%swap3A_469, %swap3A_470] {strides = array<i32>} : memref<64x256xf32, #tpu.memory_space<vmem>>, vector<16xf32>,
        tpu.vector_store %arg8[%swap3A_469, %swap3A_470], %gather3A_443 {strides = array<i32>} : memref<64x256xf32, #tpu.memory_space<vmem>>, vector<16xf32>,
        %add3A_472 = arith.constant 2 : i32
        %add3A_473 = arith.addi %mul3A_239, %add3A_472 : i32
        %swap3A_474 = arith.index_cast %add3A_473 : i32 to index
        %swap3A_475 = arith.constant 48 : index
        %swap3A_476 = tpu.vector_load %arg8[%swap3A_474, %swap3A_475] {strides = array<i32>} : memref<64x256xf32, #tpu.memory_space<vmem>>, vector<16xf32>,
        tpu.vector_store %arg8[%swap3A_474, %swap3A_475], %gather3A_444 {strides = array<i32>} : memref<64x256xf32, #tpu.memory_space<vmem>>, vector<16xf32>,
        %add3A_477 = arith.constant 2 : i32
        %add3A_478 = arith.addi %mul3A_239, %add3A_477 : i32
        %swap3A_479 = arith.index_cast %add3A_478 : i32 to index
        %swap3A_480 = arith.constant 64 : index
        %swap3A_481 = tpu.vector_load %arg8[%swap3A_479, %swap3A_480] {strides = array<i32>} : memref<64x256xf32, #tpu.memory_space<vmem>>, vector<16xf32>,
        tpu.vector_store %arg8[%swap3A_479, %swap3A_480], %gather3A_445 {strides = array<i32>} : memref<64x256xf32, #tpu.memory_space<vmem>>, vector<16xf32>,
        %add3A_482 = arith.constant 2 : i32
        %add3A_483 = arith.addi %mul3A_239, %add3A_482 : i32
        %swap3A_484 = arith.index_cast %add3A_483 : i32 to index
        %swap3A_485 = arith.constant 80 : index
        %swap3A_486 = tpu.vector_load %arg8[%swap3A_484, %swap3A_485] {strides = array<i32>} : memref<64x256xf32, #tpu.memory_space<vmem>>, vector<16xf32>,
        tpu.vector_store %arg8[%swap3A_484, %swap3A_485], %gather3A_446 {strides = array<i32>} : memref<64x256xf32, #tpu.memory_space<vmem>>, vector<16xf32>,
        %add3A_487 = arith.constant 2 : i32
        %add3A_488 = arith.addi %mul3A_239, %add3A_487 : i32
        %swap3A_489 = arith.index_cast %add3A_488 : i32 to index
        %swap3A_490 = arith.constant 96 : index
        %swap3A_491 = tpu.vector_load %arg8[%swap3A_489, %swap3A_490] {strides = array<i32>} : memref<64x256xf32, #tpu.memory_space<vmem>>, vector<16xf32>,
        tpu.vector_store %arg8[%swap3A_489, %swap3A_490], %gather3A_447 {strides = array<i32>} : memref<64x256xf32, #tpu.memory_space<vmem>>, vector<16xf32>,
        %add3A_492 = arith.constant 2 : i32
        %add3A_493 = arith.addi %mul3A_239, %add3A_492 : i32
        %swap3A_494 = arith.index_cast %add3A_493 : i32 to index
        %swap3A_495 = arith.constant 112 : index
        %swap3A_496 = tpu.vector_load %arg8[%swap3A_494, %swap3A_495] {strides = array<i32>} : memref<64x256xf32, #tpu.memory_space<vmem>>, vector<16xf32>,
        tpu.vector_store %arg8[%swap3A_494, %swap3A_495], %gather3A_448 {strides = array<i32>} : memref<64x256xf32, #tpu.memory_space<vmem>>, vector<16xf32>,
        %add3A_497 = arith.constant 2 : i32
        %add3A_498 = arith.addi %mul3A_239, %add3A_497 : i32
        %swap3A_499 = arith.index_cast %add3A_498 : i32 to index
        %swap3A_500 = arith.constant 128 : index
        %swap3A_501 = tpu.vector_load %arg8[%swap3A_499, %swap3A_500] {strides = array<i32>} : memref<64x256xf32, #tpu.memory_space<vmem>>, vector<16xf32>,
        tpu.vector_store %arg8[%swap3A_499, %swap3A_500], %gather3A_449 {strides = array<i32>} : memref<64x256xf32, #tpu.memory_space<vmem>>, vector<16xf32>,
        %add3A_502 = arith.constant 2 : i32
        %add3A_503 = arith.addi %mul3A_239, %add3A_502 : i32
        %swap3A_504 = arith.index_cast %add3A_503 : i32 to index
        %swap3A_505 = arith.constant 144 : index
        %swap3A_506 = tpu.vector_load %arg8[%swap3A_504, %swap3A_505] {strides = array<i32>} : memref<64x256xf32, #tpu.memory_space<vmem>>, vector<16xf32>,
        tpu.vector_store %arg8[%swap3A_504, %swap3A_505], %gather3A_450 {strides = array<i32>} : memref<64x256xf32, #tpu.memory_space<vmem>>, vector<16xf32>,
        %add3A_507 = arith.constant 2 : i32
        %add3A_508 = arith.addi %mul3A_239, %add3A_507 : i32
        %swap3A_509 = arith.index_cast %add3A_508 : i32 to index
        %swap3A_510 = arith.constant 160 : index
        %swap3A_511 = tpu.vector_load %arg8[%swap3A_509, %swap3A_510] {strides = array<i32>} : memref<64x256xf32, #tpu.memory_space<vmem>>, vector<16xf32>,
        tpu.vector_store %arg8[%swap3A_509, %swap3A_510], %gather3A_451 {strides = array<i32>} : memref<64x256xf32, #tpu.memory_space<vmem>>, vector<16xf32>,
        %add3A_512 = arith.constant 2 : i32
        %add3A_513 = arith.addi %mul3A_239, %add3A_512 : i32
        %swap3A_514 = arith.index_cast %add3A_513 : i32 to index
        %swap3A_515 = arith.constant 176 : index
        %swap3A_516 = tpu.vector_load %arg8[%swap3A_514, %swap3A_515] {strides = array<i32>} : memref<64x256xf32, #tpu.memory_space<vmem>>, vector<16xf32>,
        tpu.vector_store %arg8[%swap3A_514, %swap3A_515], %gather3A_452 {strides = array<i32>} : memref<64x256xf32, #tpu.memory_space<vmem>>, vector<16xf32>,
        %add3A_517 = arith.constant 2 : i32
        %add3A_518 = arith.addi %mul3A_239, %add3A_517 : i32
        %swap3A_519 = arith.index_cast %add3A_518 : i32 to index
        %swap3A_520 = arith.constant 192 : index
        %swap3A_521 = tpu.vector_load %arg8[%swap3A_519, %swap3A_520] {strides = array<i32>} : memref<64x256xf32, #tpu.memory_space<vmem>>, vector<16xf32>,
        tpu.vector_store %arg8[%swap3A_519, %swap3A_520], %gather3A_453 {strides = array<i32>} : memref<64x256xf32, #tpu.memory_space<vmem>>, vector<16xf32>,
        %add3A_522 = arith.constant 2 : i32
        %add3A_523 = arith.addi %mul3A_239, %add3A_522 : i32
        %swap3A_524 = arith.index_cast %add3A_523 : i32 to index
        %swap3A_525 = arith.constant 208 : index
        %swap3A_526 = tpu.vector_load %arg8[%swap3A_524, %swap3A_525] {strides = array<i32>} : memref<64x256xf32, #tpu.memory_space<vmem>>, vector<16xf32>,
        tpu.vector_store %arg8[%swap3A_524, %swap3A_525], %gather3A_454 {strides = array<i32>} : memref<64x256xf32, #tpu.memory_space<vmem>>, vector<16xf32>,
        %add3A_527 = arith.constant 2 : i32
        %add3A_528 = arith.addi %mul3A_239, %add3A_527 : i32
        %swap3A_529 = arith.index_cast %add3A_528 : i32 to index
        %swap3A_530 = arith.constant 224 : index
        %swap3A_531 = tpu.vector_load %arg8[%swap3A_529, %swap3A_530] {strides = array<i32>} : memref<64x256xf32, #tpu.memory_space<vmem>>, vector<16xf32>,
        tpu.vector_store %arg8[%swap3A_529, %swap3A_530], %gather3A_455 {strides = array<i32>} : memref<64x256xf32, #tpu.memory_space<vmem>>, vector<16xf32>,
        %add3A_532 = arith.constant 2 : i32
        %add3A_533 = arith.addi %mul3A_239, %add3A_532 : i32
        %swap3A_534 = arith.index_cast %add3A_533 : i32 to index
        %swap3A_535 = arith.constant 240 : index
        %swap3A_536 = tpu.vector_load %arg8[%swap3A_534, %swap3A_535] {strides = array<i32>} : memref<64x256xf32, #tpu.memory_space<vmem>>, vector<16xf32>,
        tpu.vector_store %arg8[%swap3A_534, %swap3A_535], %gather3A_456 {strides = array<i32>} : memref<64x256xf32, #tpu.memory_space<vmem>>, vector<16xf32>,
        %broadcast_in_dim3A_537 = arith.constant 3 : i32
        %broadcast_in_dim3A_538 = vector.broadcast %broadcast_in_dim3A_537 : i32 to vector<16xi32>
        %add3A_539 = vector.broadcast %mul3A_239 : i32 to vector<16xi32>
        %add3A_540 = arith.addi %broadcast_in_dim3A_538, %add3A_539 : vector<16xi32>
        %gather3A_541 = tpu.vector_load_idx %arg6[%add3A_7, %add3A_540] : memref<256x128xf32, #tpu.memory_space<vmem>>[vector<16xi32>, vector<16xi32>], vector<16xf32>,
        %gather3A_542 = tpu.vector_load_idx %arg6[%add3A_11, %add3A_540] : memref<256x128xf32, #tpu.memory_space<vmem>>[vector<16xi32>, vector<16xi32>], vector<16xf32>,
        %gather3A_543 = tpu.vector_load_idx %arg6[%add3A_15, %add3A_540] : memref<256x128xf32, #tpu.memory_space<vmem>>[vector<16xi32>, vector<16xi32>], vector<16xf32>,
        %gather3A_544 = tpu.vector_load_idx %arg6[%add3A_19, %add3A_540] : memref<256x128xf32, #tpu.memory_space<vmem>>[vector<16xi32>, vector<16xi32>], vector<16xf32>,
        %gather3A_545 = tpu.vector_load_idx %arg6[%add3A_23, %add3A_540] : memref<256x128xf32, #tpu.memory_space<vmem>>[vector<16xi32>, vector<16xi32>], vector<16xf32>,
        %gather3A_546 = tpu.vector_load_idx %arg6[%add3A_27, %add3A_540] : memref<256x128xf32, #tpu.memory_space<vmem>>[vector<16xi32>, vector<16xi32>], vector<16xf32>,
        %gather3A_547 = tpu.vector_load_idx %arg6[%add3A_31, %add3A_540] : memref<256x128xf32, #tpu.memory_space<vmem>>[vector<16xi32>, vector<16xi32>], vector<16xf32>,
        %gather3A_548 = tpu.vector_load_idx %arg6[%add3A_35, %add3A_540] : memref<256x128xf32, #tpu.memory_space<vmem>>[vector<16xi32>, vector<16xi32>], vector<16xf32>,
        %gather3A_549 = tpu.vector_load_idx %arg6[%add3A_39, %add3A_540] : memref<256x128xf32, #tpu.memory_space<vmem>>[vector<16xi32>, vector<16xi32>], vector<16xf32>,
        %gather3A_550 = tpu.vector_load_idx %arg6[%add3A_43, %add3A_540] : memref<256x128xf32, #tpu.memory_space<vmem>>[vector<16xi32>, vector<16xi32>], vector<16xf32>,
        %gather3A_551 = tpu.vector_load_idx %arg6[%add3A_47, %add3A_540] : memref<256x128xf32, #tpu.memory_space<vmem>>[vector<16xi32>, vector<16xi32>], vector<16xf32>,
        %gather3A_552 = tpu.vector_load_idx %arg6[%add3A_51, %add3A_540] : memref<256x128xf32, #tpu.memory_space<vmem>>[vector<16xi32>, vector<16xi32>], vector<16xf32>,
        %gather3A_553 = tpu.vector_load_idx %arg6[%add3A_55, %add3A_540] : memref<256x128xf32, #tpu.memory_space<vmem>>[vector<16xi32>, vector<16xi32>], vector<16xf32>,
        %gather3A_554 = tpu.vector_load_idx %arg6[%add3A_59, %add3A_540] : memref<256x128xf32, #tpu.memory_space<vmem>>[vector<16xi32>, vector<16xi32>], vector<16xf32>,
        %gather3A_555 = tpu.vector_load_idx %arg6[%add3A_63, %add3A_540] : memref<256x128xf32, #tpu.memory_space<vmem>>[vector<16xi32>, vector<16xi32>], vector<16xf32>,
        %gather3A_556 = tpu.vector_load_idx %arg6[%add3A_67, %add3A_540] : memref<256x128xf32, #tpu.memory_space<vmem>>[vector<16xi32>, vector<16xi32>], vector<16xf32>,
        %add3A_557 = arith.constant 3 : i32
        %add3A_558 = arith.addi %mul3A_239, %add3A_557 : i32
        %swap3A_559 = arith.index_cast %add3A_558 : i32 to index
        %swap3A_560 = arith.constant 0 : index
        %swap3A_561 = tpu.vector_load %arg8[%swap3A_559, %swap3A_560] {strides = array<i32>} : memref<64x256xf32, #tpu.memory_space<vmem>>, vector<16xf32>,
        tpu.vector_store %arg8[%swap3A_559, %swap3A_560], %gather3A_541 {strides = array<i32>} : memref<64x256xf32, #tpu.memory_space<vmem>>, vector<16xf32>,
        %add3A_562 = arith.constant 3 : i32
        %add3A_563 = arith.addi %mul3A_239, %add3A_562 : i32
        %swap3A_564 = arith.index_cast %add3A_563 : i32 to index
        %swap3A_565 = arith.constant 16 : index
        %swap3A_566 = tpu.vector_load %arg8[%swap3A_564, %swap3A_565] {strides = array<i32>} : memref<64x256xf32, #tpu.memory_space<vmem>>, vector<16xf32>,
        tpu.vector_store %arg8[%swap3A_564, %swap3A_565], %gather3A_542 {strides = array<i32>} : memref<64x256xf32, #tpu.memory_space<vmem>>, vector<16xf32>,
        %add3A_567 = arith.constant 3 : i32
        %add3A_568 = arith.addi %mul3A_239, %add3A_567 : i32
        %swap3A_569 = arith.index_cast %add3A_568 : i32 to index
        %swap3A_570 = arith.constant 32 : index
        %swap3A_571 = tpu.vector_load %arg8[%swap3A_569, %swap3A_570] {strides = array<i32>} : memref<64x256xf32, #tpu.memory_space<vmem>>, vector<16xf32>,
        tpu.vector_store %arg8[%swap3A_569, %swap3A_570], %gather3A_543 {strides = array<i32>} : memref<64x256xf32, #tpu.memory_space<vmem>>, vector<16xf32>,
        %add3A_572 = arith.constant 3 : i32
        %add3A_573 = arith.addi %mul3A_239, %add3A_572 : i32
        %swap3A_574 = arith.index_cast %add3A_573 : i32 to index
        %swap3A_575 = arith.constant 48 : index
        %swap3A_576 = tpu.vector_load %arg8[%swap3A_574, %swap3A_575] {strides = array<i32>} : memref<64x256xf32, #tpu.memory_space<vmem>>, vector<16xf32>,
        tpu.vector_store %arg8[%swap3A_574, %swap3A_575], %gather3A_544 {strides = array<i32>} : memref<64x256xf32, #tpu.memory_space<vmem>>, vector<16xf32>,
        %add3A_577 = arith.constant 3 : i32
        %add3A_578 = arith.addi %mul3A_239, %add3A_577 : i32
        %swap3A_579 = arith.index_cast %add3A_578 : i32 to index
        %swap3A_580 = arith.constant 64 : index
        %swap3A_581 = tpu.vector_load %arg8[%swap3A_579, %swap3A_580] {strides = array<i32>} : memref<64x256xf32, #tpu.memory_space<vmem>>, vector<16xf32>,
        tpu.vector_store %arg8[%swap3A_579, %swap3A_580], %gather3A_545 {strides = array<i32>} : memref<64x256xf32, #tpu.memory_space<vmem>>, vector<16xf32>,
        %add3A_582 = arith.constant 3 : i32
        %add3A_583 = arith.addi %mul3A_239, %add3A_582 : i32
        %swap3A_584 = arith.index_cast %add3A_583 : i32 to index
        %swap3A_585 = arith.constant 80 : index
        %swap3A_586 = tpu.vector_load %arg8[%swap3A_584, %swap3A_585] {strides = array<i32>} : memref<64x256xf32, #tpu.memory_space<vmem>>, vector<16xf32>,
        tpu.vector_store %arg8[%swap3A_584, %swap3A_585], %gather3A_546 {strides = array<i32>} : memref<64x256xf32, #tpu.memory_space<vmem>>, vector<16xf32>,
        %add3A_587 = arith.constant 3 : i32
        %add3A_588 = arith.addi %mul3A_239, %add3A_587 : i32
        %swap3A_589 = arith.index_cast %add3A_588 : i32 to index
        %swap3A_590 = arith.constant 96 : index
        %swap3A_591 = tpu.vector_load %arg8[%swap3A_589, %swap3A_590] {strides = array<i32>} : memref<64x256xf32, #tpu.memory_space<vmem>>, vector<16xf32>,
        tpu.vector_store %arg8[%swap3A_589, %swap3A_590], %gather3A_547 {strides = array<i32>} : memref<64x256xf32, #tpu.memory_space<vmem>>, vector<16xf32>,
        %add3A_592 = arith.constant 3 : i32
        %add3A_593 = arith.addi %mul3A_239, %add3A_592 : i32
        %swap3A_594 = arith.index_cast %add3A_593 : i32 to index
        %swap3A_595 = arith.constant 112 : index
        %swap3A_596 = tpu.vector_load %arg8[%swap3A_594, %swap3A_595] {strides = array<i32>} : memref<64x256xf32, #tpu.memory_space<vmem>>, vector<16xf32>,
        tpu.vector_store %arg8[%swap3A_594, %swap3A_595], %gather3A_548 {strides = array<i32>} : memref<64x256xf32, #tpu.memory_space<vmem>>, vector<16xf32>,
        %add3A_597 = arith.constant 3 : i32
        %add3A_598 = arith.addi %mul3A_239, %add3A_597 : i32
        %swap3A_599 = arith.index_cast %add3A_598 : i32 to index
        %swap3A_600 = arith.constant 128 : index
        %swap3A_601 = tpu.vector_load %arg8[%swap3A_599, %swap3A_600] {strides = array<i32>} : memref<64x256xf32, #tpu.memory_space<vmem>>, vector<16xf32>,
        tpu.vector_store %arg8[%swap3A_599, %swap3A_600], %gather3A_549 {strides = array<i32>} : memref<64x256xf32, #tpu.memory_space<vmem>>, vector<16xf32>,
        %add3A_602 = arith.constant 3 : i32
        %add3A_603 = arith.addi %mul3A_239, %add3A_602 : i32
        %swap3A_604 = arith.index_cast %add3A_603 : i32 to index
        %swap3A_605 = arith.constant 144 : index
        %swap3A_606 = tpu.vector_load %arg8[%swap3A_604, %swap3A_605] {strides = array<i32>} : memref<64x256xf32, #tpu.memory_space<vmem>>, vector<16xf32>,
        tpu.vector_store %arg8[%swap3A_604, %swap3A_605], %gather3A_550 {strides = array<i32>} : memref<64x256xf32, #tpu.memory_space<vmem>>, vector<16xf32>,
        %add3A_607 = arith.constant 3 : i32
        %add3A_608 = arith.addi %mul3A_239, %add3A_607 : i32
        %swap3A_609 = arith.index_cast %add3A_608 : i32 to index
        %swap3A_610 = arith.constant 160 : index
        %swap3A_611 = tpu.vector_load %arg8[%swap3A_609, %swap3A_610] {strides = array<i32>} : memref<64x256xf32, #tpu.memory_space<vmem>>, vector<16xf32>,
        tpu.vector_store %arg8[%swap3A_609, %swap3A_610], %gather3A_551 {strides = array<i32>} : memref<64x256xf32, #tpu.memory_space<vmem>>, vector<16xf32>,
        %add3A_612 = arith.constant 3 : i32
        %add3A_613 = arith.addi %mul3A_239, %add3A_612 : i32
        %swap3A_614 = arith.index_cast %add3A_613 : i32 to index
        %swap3A_615 = arith.constant 176 : index
        %swap3A_616 = tpu.vector_load %arg8[%swap3A_614, %swap3A_615] {strides = array<i32>} : memref<64x256xf32, #tpu.memory_space<vmem>>, vector<16xf32>,
        tpu.vector_store %arg8[%swap3A_614, %swap3A_615], %gather3A_552 {strides = array<i32>} : memref<64x256xf32, #tpu.memory_space<vmem>>, vector<16xf32>,
        %add3A_617 = arith.constant 3 : i32
        %add3A_618 = arith.addi %mul3A_239, %add3A_617 : i32
        %swap3A_619 = arith.index_cast %add3A_618 : i32 to index
        %swap3A_620 = arith.constant 192 : index
        %swap3A_621 = tpu.vector_load %arg8[%swap3A_619, %swap3A_620] {strides = array<i32>} : memref<64x256xf32, #tpu.memory_space<vmem>>, vector<16xf32>,
        tpu.vector_store %arg8[%swap3A_619, %swap3A_620], %gather3A_553 {strides = array<i32>} : memref<64x256xf32, #tpu.memory_space<vmem>>, vector<16xf32>,
        %add3A_622 = arith.constant 3 : i32
        %add3A_623 = arith.addi %mul3A_239, %add3A_622 : i32
        %swap3A_624 = arith.index_cast %add3A_623 : i32 to index
        %swap3A_625 = arith.constant 208 : index
        %swap3A_626 = tpu.vector_load %arg8[%swap3A_624, %swap3A_625] {strides = array<i32>} : memref<64x256xf32, #tpu.memory_space<vmem>>, vector<16xf32>,
        tpu.vector_store %arg8[%swap3A_624, %swap3A_625], %gather3A_554 {strides = array<i32>} : memref<64x256xf32, #tpu.memory_space<vmem>>, vector<16xf32>,
        %add3A_627 = arith.constant 3 : i32
        %add3A_628 = arith.addi %mul3A_239, %add3A_627 : i32
        %swap3A_629 = arith.index_cast %add3A_628 : i32 to index
        %swap3A_630 = arith.constant 224 : index
        %swap3A_631 = tpu.vector_load %arg8[%swap3A_629, %swap3A_630] {strides = array<i32>} : memref<64x256xf32, #tpu.memory_space<vmem>>, vector<16xf32>,
        tpu.vector_store %arg8[%swap3A_629, %swap3A_630], %gather3A_555 {strides = array<i32>} : memref<64x256xf32, #tpu.memory_space<vmem>>, vector<16xf32>,
        %add3A_632 = arith.constant 3 : i32
        %add3A_633 = arith.addi %mul3A_239, %add3A_632 : i32
        %swap3A_634 = arith.index_cast %add3A_633 : i32 to index
        %swap3A_635 = arith.constant 240 : index
        %swap3A_636 = tpu.vector_load %arg8[%swap3A_634, %swap3A_635] {strides = array<i32>} : memref<64x256xf32, #tpu.memory_space<vmem>>, vector<16xf32>,
        tpu.vector_store %arg8[%swap3A_634, %swap3A_635], %gather3A_556 {strides = array<i32>} : memref<64x256xf32, #tpu.memory_space<vmem>>, vector<16xf32>,
        %broadcast_in_dim3A_637 = arith.constant 4 : i32
        %broadcast_in_dim3A_638 = vector.broadcast %broadcast_in_dim3A_637 : i32 to vector<16xi32>
        %add3A_639 = vector.broadcast %mul3A_239 : i32 to vector<16xi32>
        %add3A_640 = arith.addi %broadcast_in_dim3A_638, %add3A_639 : vector<16xi32>
        %gather3A_641 = tpu.vector_load_idx %arg6[%add3A_7, %add3A_640] : memref<256x128xf32, #tpu.memory_space<vmem>>[vector<16xi32>, vector<16xi32>], vector<16xf32>,
        %gather3A_642 = tpu.vector_load_idx %arg6[%add3A_11, %add3A_640] : memref<256x128xf32, #tpu.memory_space<vmem>>[vector<16xi32>, vector<16xi32>], vector<16xf32>,
        %gather3A_643 = tpu.vector_load_idx %arg6[%add3A_15, %add3A_640] : memref<256x128xf32, #tpu.memory_space<vmem>>[vector<16xi32>, vector<16xi32>], vector<16xf32>,
        %gather3A_644 = tpu.vector_load_idx %arg6[%add3A_19, %add3A_640] : memref<256x128xf32, #tpu.memory_space<vmem>>[vector<16xi32>, vector<16xi32>], vector<16xf32>,
        %gather3A_645 = tpu.vector_load_idx %arg6[%add3A_23, %add3A_640] : memref<256x128xf32, #tpu.memory_space<vmem>>[vector<16xi32>, vector<16xi32>], vector<16xf32>,
        %gather3A_646 = tpu.vector_load_idx %arg6[%add3A_27, %add3A_640] : memref<256x128xf32, #tpu.memory_space<vmem>>[vector<16xi32>, vector<16xi32>], vector<16xf32>,
        %gather3A_647 = tpu.vector_load_idx %arg6[%add3A_31, %add3A_640] : memref<256x128xf32, #tpu.memory_space<vmem>>[vector<16xi32>, vector<16xi32>], vector<16xf32>,
        %gather3A_648 = tpu.vector_load_idx %arg6[%add3A_35, %add3A_640] : memref<256x128xf32, #tpu.memory_space<vmem>>[vector<16xi32>, vector<16xi32>], vector<16xf32>,
        %gather3A_649 = tpu.vector_load_idx %arg6[%add3A_39, %add3A_640] : memref<256x128xf32, #tpu.memory_space<vmem>>[vector<16xi32>, vector<16xi32>], vector<16xf32>,
        %gather3A_650 = tpu.vector_load_idx %arg6[%add3A_43, %add3A_640] : memref<256x128xf32, #tpu.memory_space<vmem>>[vector<16xi32>, vector<16xi32>], vector<16xf32>,
        %gather3A_651 = tpu.vector_load_idx %arg6[%add3A_47, %add3A_640] : memref<256x128xf32, #tpu.memory_space<vmem>>[vector<16xi32>, vector<16xi32>], vector<16xf32>,
        %gather3A_652 = tpu.vector_load_idx %arg6[%add3A_51, %add3A_640] : memref<256x128xf32, #tpu.memory_space<vmem>>[vector<16xi32>, vector<16xi32>], vector<16xf32>,
        %gather3A_653 = tpu.vector_load_idx %arg6[%add3A_55, %add3A_640] : memref<256x128xf32, #tpu.memory_space<vmem>>[vector<16xi32>, vector<16xi32>], vector<16xf32>,
        %gather3A_654 = tpu.vector_load_idx %arg6[%add3A_59, %add3A_640] : memref<256x128xf32, #tpu.memory_space<vmem>>[vector<16xi32>, vector<16xi32>], vector<16xf32>,
        %gather3A_655 = tpu.vector_load_idx %arg6[%add3A_63, %add3A_640] : memref<256x128xf32, #tpu.memory_space<vmem>>[vector<16xi32>, vector<16xi32>], vector<16xf32>,
        %gather3A_656 = tpu.vector_load_idx %arg6[%add3A_67, %add3A_640] : memref<256x128xf32, #tpu.memory_space<vmem>>[vector<16xi32>, vector<16xi32>], vector<16xf32>,
        %add3A_657 = arith.constant 4 : i32
        %add3A_658 = arith.addi %mul3A_239, %add3A_657 : i32
        %swap3A_659 = arith.index_cast %add3A_658 : i32 to index
        %swap3A_660 = arith.constant 0 : index
        %swap3A_661 = tpu.vector_load %arg8[%swap3A_659, %swap3A_660] {strides = array<i32>} : memref<64x256xf32, #tpu.memory_space<vmem>>, vector<16xf32>,
        tpu.vector_store %arg8[%swap3A_659, %swap3A_660], %gather3A_641 {strides = array<i32>} : memref<64x256xf32, #tpu.memory_space<vmem>>, vector<16xf32>,
        %add3A_662 = arith.constant 4 : i32
        %add3A_663 = arith.addi %mul3A_239, %add3A_662 : i32
        %swap3A_664 = arith.index_cast %add3A_663 : i32 to index
        %swap3A_665 = arith.constant 16 : index
        %swap3A_666 = tpu.vector_load %arg8[%swap3A_664, %swap3A_665] {strides = array<i32>} : memref<64x256xf32, #tpu.memory_space<vmem>>, vector<16xf32>,
        tpu.vector_store %arg8[%swap3A_664, %swap3A_665], %gather3A_642 {strides = array<i32>} : memref<64x256xf32, #tpu.memory_space<vmem>>, vector<16xf32>,
        %add3A_667 = arith.constant 4 : i32
        %add3A_668 = arith.addi %mul3A_239, %add3A_667 : i32
        %swap3A_669 = arith.index_cast %add3A_668 : i32 to index
        %swap3A_670 = arith.constant 32 : index
        %swap3A_671 = tpu.vector_load %arg8[%swap3A_669, %swap3A_670] {strides = array<i32>} : memref<64x256xf32, #tpu.memory_space<vmem>>, vector<16xf32>,
        tpu.vector_store %arg8[%swap3A_669, %swap3A_670], %gather3A_643 {strides = array<i32>} : memref<64x256xf32, #tpu.memory_space<vmem>>, vector<16xf32>,
        %add3A_672 = arith.constant 4 : i32
        %add3A_673 = arith.addi %mul3A_239, %add3A_672 : i32
        %swap3A_674 = arith.index_cast %add3A_673 : i32 to index
        %swap3A_675 = arith.constant 48 : index
        %swap3A_676 = tpu.vector_load %arg8[%swap3A_674, %swap3A_675] {strides = array<i32>} : memref<64x256xf32, #tpu.memory_space<vmem>>, vector<16xf32>,
        tpu.vector_store %arg8[%swap3A_674, %swap3A_675], %gather3A_644 {strides = array<i32>} : memref<64x256xf32, #tpu.memory_space<vmem>>, vector<16xf32>,
        %add3A_677 = arith.constant 4 : i32
        %add3A_678 = arith.addi %mul3A_239, %add3A_677 : i32
        %swap3A_679 = arith.index_cast %add3A_678 : i32 to index
        %swap3A_680 = arith.constant 64 : index
        %swap3A_681 = tpu.vector_load %arg8[%swap3A_679, %swap3A_680] {strides = array<i32>} : memref<64x256xf32, #tpu.memory_space<vmem>>, vector<16xf32>,
        tpu.vector_store %arg8[%swap3A_679, %swap3A_680], %gather3A_645 {strides = array<i32>} : memref<64x256xf32, #tpu.memory_space<vmem>>, vector<16xf32>,
        %add3A_682 = arith.constant 4 : i32
        %add3A_683 = arith.addi %mul3A_239, %add3A_682 : i32
        %swap3A_684 = arith.index_cast %add3A_683 : i32 to index
        %swap3A_685 = arith.constant 80 : index
        %swap3A_686 = tpu.vector_load %arg8[%swap3A_684, %swap3A_685] {strides = array<i32>} : memref<64x256xf32, #tpu.memory_space<vmem>>, vector<16xf32>,
        tpu.vector_store %arg8[%swap3A_684, %swap3A_685], %gather3A_646 {strides = array<i32>} : memref<64x256xf32, #tpu.memory_space<vmem>>, vector<16xf32>,
        %add3A_687 = arith.constant 4 : i32
        %add3A_688 = arith.addi %mul3A_239, %add3A_687 : i32
        %swap3A_689 = arith.index_cast %add3A_688 : i32 to index
        %swap3A_690 = arith.constant 96 : index
        %swap3A_691 = tpu.vector_load %arg8[%swap3A_689, %swap3A_690] {strides = array<i32>} : memref<64x256xf32, #tpu.memory_space<vmem>>, vector<16xf32>,
        tpu.vector_store %arg8[%swap3A_689, %swap3A_690], %gather3A_647 {strides = array<i32>} : memref<64x256xf32, #tpu.memory_space<vmem>>, vector<16xf32>,
        %add3A_692 = arith.constant 4 : i32
        %add3A_693 = arith.addi %mul3A_239, %add3A_692 : i32
        %swap3A_694 = arith.index_cast %add3A_693 : i32 to index
        %swap3A_695 = arith.constant 112 : index
        %swap3A_696 = tpu.vector_load %arg8[%swap3A_694, %swap3A_695] {strides = array<i32>} : memref<64x256xf32, #tpu.memory_space<vmem>>, vector<16xf32>,
        tpu.vector_store %arg8[%swap3A_694, %swap3A_695], %gather3A_648 {strides = array<i32>} : memref<64x256xf32, #tpu.memory_space<vmem>>, vector<16xf32>,
        %add3A_697 = arith.constant 4 : i32
        %add3A_698 = arith.addi %mul3A_239, %add3A_697 : i32
        %swap3A_699 = arith.index_cast %add3A_698 : i32 to index
        %swap3A_700 = arith.constant 128 : index
        %swap3A_701 = tpu.vector_load %arg8[%swap3A_699, %swap3A_700] {strides = array<i32>} : memref<64x256xf32, #tpu.memory_space<vmem>>, vector<16xf32>,
        tpu.vector_store %arg8[%swap3A_699, %swap3A_700], %gather3A_649 {strides = array<i32>} : memref<64x256xf32, #tpu.memory_space<vmem>>, vector<16xf32>,
        %add3A_702 = arith.constant 4 : i32
        %add3A_703 = arith.addi %mul3A_239, %add3A_702 : i32
        %swap3A_704 = arith.index_cast %add3A_703 : i32 to index
        %swap3A_705 = arith.constant 144 : index
        %swap3A_706 = tpu.vector_load %arg8[%swap3A_704, %swap3A_705] {strides = array<i32>} : memref<64x256xf32, #tpu.memory_space<vmem>>, vector<16xf32>,
        tpu.vector_store %arg8[%swap3A_704, %swap3A_705], %gather3A_650 {strides = array<i32>} : memref<64x256xf32, #tpu.memory_space<vmem>>, vector<16xf32>,
        %add3A_707 = arith.constant 4 : i32
        %add3A_708 = arith.addi %mul3A_239, %add3A_707 : i32
        %swap3A_709 = arith.index_cast %add3A_708 : i32 to index
        %swap3A_710 = arith.constant 160 : index
        %swap3A_711 = tpu.vector_load %arg8[%swap3A_709, %swap3A_710] {strides = array<i32>} : memref<64x256xf32, #tpu.memory_space<vmem>>, vector<16xf32>,
        tpu.vector_store %arg8[%swap3A_709, %swap3A_710], %gather3A_651 {strides = array<i32>} : memref<64x256xf32, #tpu.memory_space<vmem>>, vector<16xf32>,
        %add3A_712 = arith.constant 4 : i32
        %add3A_713 = arith.addi %mul3A_239, %add3A_712 : i32
        %swap3A_714 = arith.index_cast %add3A_713 : i32 to index
        %swap3A_715 = arith.constant 176 : index
        %swap3A_716 = tpu.vector_load %arg8[%swap3A_714, %swap3A_715] {strides = array<i32>} : memref<64x256xf32, #tpu.memory_space<vmem>>, vector<16xf32>,
        tpu.vector_store %arg8[%swap3A_714, %swap3A_715], %gather3A_652 {strides = array<i32>} : memref<64x256xf32, #tpu.memory_space<vmem>>, vector<16xf32>,
        %add3A_717 = arith.constant 4 : i32
        %add3A_718 = arith.addi %mul3A_239, %add3A_717 : i32
        %swap3A_719 = arith.index_cast %add3A_718 : i32 to index
        %swap3A_720 = arith.constant 192 : index
        %swap3A_721 = tpu.vector_load %arg8[%swap3A_719, %swap3A_720] {strides = array<i32>} : memref<64x256xf32, #tpu.memory_space<vmem>>, vector<16xf32>,
        tpu.vector_store %arg8[%swap3A_719, %swap3A_720], %gather3A_653 {strides = array<i32>} : memref<64x256xf32, #tpu.memory_space<vmem>>, vector<16xf32>,
        %add3A_722 = arith.constant 4 : i32
        %add3A_723 = arith.addi %mul3A_239, %add3A_722 : i32
        %swap3A_724 = arith.index_cast %add3A_723 : i32 to index
        %swap3A_725 = arith.constant 208 : index
        %swap3A_726 = tpu.vector_load %arg8[%swap3A_724, %swap3A_725] {strides = array<i32>} : memref<64x256xf32, #tpu.memory_space<vmem>>, vector<16xf32>,
        tpu.vector_store %arg8[%swap3A_724, %swap3A_725], %gather3A_654 {strides = array<i32>} : memref<64x256xf32, #tpu.memory_space<vmem>>, vector<16xf32>,
        %add3A_727 = arith.constant 4 : i32
        %add3A_728 = arith.addi %mul3A_239, %add3A_727 : i32
        %swap3A_729 = arith.index_cast %add3A_728 : i32 to index
        %swap3A_730 = arith.constant 224 : index
        %swap3A_731 = tpu.vector_load %arg8[%swap3A_729, %swap3A_730] {strides = array<i32>} : memref<64x256xf32, #tpu.memory_space<vmem>>, vector<16xf32>,
        tpu.vector_store %arg8[%swap3A_729, %swap3A_730], %gather3A_655 {strides = array<i32>} : memref<64x256xf32, #tpu.memory_space<vmem>>, vector<16xf32>,
        %add3A_732 = arith.constant 4 : i32
        %add3A_733 = arith.addi %mul3A_239, %add3A_732 : i32
        %swap3A_734 = arith.index_cast %add3A_733 : i32 to index
        %swap3A_735 = arith.constant 240 : index
        %swap3A_736 = tpu.vector_load %arg8[%swap3A_734, %swap3A_735] {strides = array<i32>} : memref<64x256xf32, #tpu.memory_space<vmem>>, vector<16xf32>,
        tpu.vector_store %arg8[%swap3A_734, %swap3A_735], %gather3A_656 {strides = array<i32>} : memref<64x256xf32, #tpu.memory_space<vmem>>, vector<16xf32>,
        %broadcast_in_dim3A_737 = arith.constant 5 : i32
        %broadcast_in_dim3A_738 = vector.broadcast %broadcast_in_dim3A_737 : i32 to vector<16xi32>
        %add3A_739 = vector.broadcast %mul3A_239 : i32 to vector<16xi32>
        %add3A_740 = arith.addi %broadcast_in_dim3A_738, %add3A_739 : vector<16xi32>
        %gather3A_741 = tpu.vector_load_idx %arg6[%add3A_7, %add3A_740] : memref<256x128xf32, #tpu.memory_space<vmem>>[vector<16xi32>, vector<16xi32>], vector<16xf32>,
        %gather3A_742 = tpu.vector_load_idx %arg6[%add3A_11, %add3A_740] : memref<256x128xf32, #tpu.memory_space<vmem>>[vector<16xi32>, vector<16xi32>], vector<16xf32>,
        %gather3A_743 = tpu.vector_load_idx %arg6[%add3A_15, %add3A_740] : memref<256x128xf32, #tpu.memory_space<vmem>>[vector<16xi32>, vector<16xi32>], vector<16xf32>,
        %gather3A_744 = tpu.vector_load_idx %arg6[%add3A_19, %add3A_740] : memref<256x128xf32, #tpu.memory_space<vmem>>[vector<16xi32>, vector<16xi32>], vector<16xf32>,
        %gather3A_745 = tpu.vector_load_idx %arg6[%add3A_23, %add3A_740] : memref<256x128xf32, #tpu.memory_space<vmem>>[vector<16xi32>, vector<16xi32>], vector<16xf32>,
        %gather3A_746 = tpu.vector_load_idx %arg6[%add3A_27, %add3A_740] : memref<256x128xf32, #tpu.memory_space<vmem>>[vector<16xi32>, vector<16xi32>], vector<16xf32>,
        %gather3A_747 = tpu.vector_load_idx %arg6[%add3A_31, %add3A_740] : memref<256x128xf32, #tpu.memory_space<vmem>>[vector<16xi32>, vector<16xi32>], vector<16xf32>,
        %gather3A_748 = tpu.vector_load_idx %arg6[%add3A_35, %add3A_740] : memref<256x128xf32, #tpu.memory_space<vmem>>[vector<16xi32>, vector<16xi32>], vector<16xf32>,
        %gather3A_749 = tpu.vector_load_idx %arg6[%add3A_39, %add3A_740] : memref<256x128xf32, #tpu.memory_space<vmem>>[vector<16xi32>, vector<16xi32>], vector<16xf32>,
        %gather3A_750 = tpu.vector_load_idx %arg6[%add3A_43, %add3A_740] : memref<256x128xf32, #tpu.memory_space<vmem>>[vector<16xi32>, vector<16xi32>], vector<16xf32>,
        %gather3A_751 = tpu.vector_load_idx %arg6[%add3A_47, %add3A_740] : memref<256x128xf32, #tpu.memory_space<vmem>>[vector<16xi32>, vector<16xi32>], vector<16xf32>,
        %gather3A_752 = tpu.vector_load_idx %arg6[%add3A_51, %add3A_740] : memref<256x128xf32, #tpu.memory_space<vmem>>[vector<16xi32>, vector<16xi32>], vector<16xf32>,
        %gather3A_753 = tpu.vector_load_idx %arg6[%add3A_55, %add3A_740] : memref<256x128xf32, #tpu.memory_space<vmem>>[vector<16xi32>, vector<16xi32>], vector<16xf32>,
        %gather3A_754 = tpu.vector_load_idx %arg6[%add3A_59, %add3A_740] : memref<256x128xf32, #tpu.memory_space<vmem>>[vector<16xi32>, vector<16xi32>], vector<16xf32>,
        %gather3A_755 = tpu.vector_load_idx %arg6[%add3A_63, %add3A_740] : memref<256x128xf32, #tpu.memory_space<vmem>>[vector<16xi32>, vector<16xi32>], vector<16xf32>,
        %gather3A_756 = tpu.vector_load_idx %arg6[%add3A_67, %add3A_740] : memref<256x128xf32, #tpu.memory_space<vmem>>[vector<16xi32>, vector<16xi32>], vector<16xf32>,
        %add3A_757 = arith.constant 5 : i32
        %add3A_758 = arith.addi %mul3A_239, %add3A_757 : i32
        %swap3A_759 = arith.index_cast %add3A_758 : i32 to index
        %swap3A_760 = arith.constant 0 : index
        %swap3A_761 = tpu.vector_load %arg8[%swap3A_759, %swap3A_760] {strides = array<i32>} : memref<64x256xf32, #tpu.memory_space<vmem>>, vector<16xf32>,
        tpu.vector_store %arg8[%swap3A_759, %swap3A_760], %gather3A_741 {strides = array<i32>} : memref<64x256xf32, #tpu.memory_space<vmem>>, vector<16xf32>,
        %add3A_762 = arith.constant 5 : i32
        %add3A_763 = arith.addi %mul3A_239, %add3A_762 : i32
        %swap3A_764 = arith.index_cast %add3A_763 : i32 to index
        %swap3A_765 = arith.constant 16 : index
        %swap3A_766 = tpu.vector_load %arg8[%swap3A_764, %swap3A_765] {strides = array<i32>} : memref<64x256xf32, #tpu.memory_space<vmem>>, vector<16xf32>,
        tpu.vector_store %arg8[%swap3A_764, %swap3A_765], %gather3A_742 {strides = array<i32>} : memref<64x256xf32, #tpu.memory_space<vmem>>, vector<16xf32>,
        %add3A_767 = arith.constant 5 : i32
        %add3A_768 = arith.addi %mul3A_239, %add3A_767 : i32
        %swap3A_769 = arith.index_cast %add3A_768 : i32 to index
        %swap3A_770 = arith.constant 32 : index
        %swap3A_771 = tpu.vector_load %arg8[%swap3A_769, %swap3A_770] {strides = array<i32>} : memref<64x256xf32, #tpu.memory_space<vmem>>, vector<16xf32>,
        tpu.vector_store %arg8[%swap3A_769, %swap3A_770], %gather3A_743 {strides = array<i32>} : memref<64x256xf32, #tpu.memory_space<vmem>>, vector<16xf32>,
        %add3A_772 = arith.constant 5 : i32
        %add3A_773 = arith.addi %mul3A_239, %add3A_772 : i32
        %swap3A_774 = arith.index_cast %add3A_773 : i32 to index
        %swap3A_775 = arith.constant 48 : index
        %swap3A_776 = tpu.vector_load %arg8[%swap3A_774, %swap3A_775] {strides = array<i32>} : memref<64x256xf32, #tpu.memory_space<vmem>>, vector<16xf32>,
        tpu.vector_store %arg8[%swap3A_774, %swap3A_775], %gather3A_744 {strides = array<i32>} : memref<64x256xf32, #tpu.memory_space<vmem>>, vector<16xf32>,
        %add3A_777 = arith.constant 5 : i32
        %add3A_778 = arith.addi %mul3A_239, %add3A_777 : i32
        %swap3A_779 = arith.index_cast %add3A_778 : i32 to index
        %swap3A_780 = arith.constant 64 : index
        %swap3A_781 = tpu.vector_load %arg8[%swap3A_779, %swap3A_780] {strides = array<i32>} : memref<64x256xf32, #tpu.memory_space<vmem>>, vector<16xf32>,
        tpu.vector_store %arg8[%swap3A_779, %swap3A_780], %gather3A_745 {strides = array<i32>} : memref<64x256xf32, #tpu.memory_space<vmem>>, vector<16xf32>,
        %add3A_782 = arith.constant 5 : i32
        %add3A_783 = arith.addi %mul3A_239, %add3A_782 : i32
        %swap3A_784 = arith.index_cast %add3A_783 : i32 to index
        %swap3A_785 = arith.constant 80 : index
        %swap3A_786 = tpu.vector_load %arg8[%swap3A_784, %swap3A_785] {strides = array<i32>} : memref<64x256xf32, #tpu.memory_space<vmem>>, vector<16xf32>,
        tpu.vector_store %arg8[%swap3A_784, %swap3A_785], %gather3A_746 {strides = array<i32>} : memref<64x256xf32, #tpu.memory_space<vmem>>, vector<16xf32>,
        %add3A_787 = arith.constant 5 : i32
        %add3A_788 = arith.addi %mul3A_239, %add3A_787 : i32
        %swap3A_789 = arith.index_cast %add3A_788 : i32 to index
        %swap3A_790 = arith.constant 96 : index
        %swap3A_791 = tpu.vector_load %arg8[%swap3A_789, %swap3A_790] {strides = array<i32>} : memref<64x256xf32, #tpu.memory_space<vmem>>, vector<16xf32>,
        tpu.vector_store %arg8[%swap3A_789, %swap3A_790], %gather3A_747 {strides = array<i32>} : memref<64x256xf32, #tpu.memory_space<vmem>>, vector<16xf32>,
        %add3A_792 = arith.constant 5 : i32
        %add3A_793 = arith.addi %mul3A_239, %add3A_792 : i32
        %swap3A_794 = arith.index_cast %add3A_793 : i32 to index
        %swap3A_795 = arith.constant 112 : index
        %swap3A_796 = tpu.vector_load %arg8[%swap3A_794, %swap3A_795] {strides = array<i32>} : memref<64x256xf32, #tpu.memory_space<vmem>>, vector<16xf32>,
        tpu.vector_store %arg8[%swap3A_794, %swap3A_795], %gather3A_748 {strides = array<i32>} : memref<64x256xf32, #tpu.memory_space<vmem>>, vector<16xf32>,
        %add3A_797 = arith.constant 5 : i32
        %add3A_798 = arith.addi %mul3A_239, %add3A_797 : i32
        %swap3A_799 = arith.index_cast %add3A_798 : i32 to index
        %swap3A_800 = arith.constant 128 : index
        %swap3A_801 = tpu.vector_load %arg8[%swap3A_799, %swap3A_800] {strides = array<i32>} : memref<64x256xf32, #tpu.memory_space<vmem>>, vector<16xf32>,
        tpu.vector_store %arg8[%swap3A_799, %swap3A_800], %gather3A_749 {strides = array<i32>} : memref<64x256xf32, #tpu.memory_space<vmem>>, vector<16xf32>,
        %add3A_802 = arith.constant 5 : i32
        %add3A_803 = arith.addi %mul3A_239, %add3A_802 : i32
        %swap3A_804 = arith.index_cast %add3A_803 : i32 to index
        %swap3A_805 = arith.constant 144 : index
        %swap3A_806 = tpu.vector_load %arg8[%swap3A_804, %swap3A_805] {strides = array<i32>} : memref<64x256xf32, #tpu.memory_space<vmem>>, vector<16xf32>,
        tpu.vector_store %arg8[%swap3A_804, %swap3A_805], %gather3A_750 {strides = array<i32>} : memref<64x256xf32, #tpu.memory_space<vmem>>, vector<16xf32>,
        %add3A_807 = arith.constant 5 : i32
        %add3A_808 = arith.addi %mul3A_239, %add3A_807 : i32
        %swap3A_809 = arith.index_cast %add3A_808 : i32 to index
        %swap3A_810 = arith.constant 160 : index
        %swap3A_811 = tpu.vector_load %arg8[%swap3A_809, %swap3A_810] {strides = array<i32>} : memref<64x256xf32, #tpu.memory_space<vmem>>, vector<16xf32>,
        tpu.vector_store %arg8[%swap3A_809, %swap3A_810], %gather3A_751 {strides = array<i32>} : memref<64x256xf32, #tpu.memory_space<vmem>>, vector<16xf32>,
        %add3A_812 = arith.constant 5 : i32
        %add3A_813 = arith.addi %mul3A_239, %add3A_812 : i32
        %swap3A_814 = arith.index_cast %add3A_813 : i32 to index
        %swap3A_815 = arith.constant 176 : index
        %swap3A_816 = tpu.vector_load %arg8[%swap3A_814, %swap3A_815] {strides = array<i32>} : memref<64x256xf32, #tpu.memory_space<vmem>>, vector<16xf32>,
        tpu.vector_store %arg8[%swap3A_814, %swap3A_815], %gather3A_752 {strides = array<i32>} : memref<64x256xf32, #tpu.memory_space<vmem>>, vector<16xf32>,
        %add3A_817 = arith.constant 5 : i32
        %add3A_818 = arith.addi %mul3A_239, %add3A_817 : i32
        %swap3A_819 = arith.index_cast %add3A_818 : i32 to index
        %swap3A_820 = arith.constant 192 : index
        %swap3A_821 = tpu.vector_load %arg8[%swap3A_819, %swap3A_820] {strides = array<i32>} : memref<64x256xf32, #tpu.memory_space<vmem>>, vector<16xf32>,
        tpu.vector_store %arg8[%swap3A_819, %swap3A_820], %gather3A_753 {strides = array<i32>} : memref<64x256xf32, #tpu.memory_space<vmem>>, vector<16xf32>,
        %add3A_822 = arith.constant 5 : i32
        %add3A_823 = arith.addi %mul3A_239, %add3A_822 : i32
        %swap3A_824 = arith.index_cast %add3A_823 : i32 to index
        %swap3A_825 = arith.constant 208 : index
        %swap3A_826 = tpu.vector_load %arg8[%swap3A_824, %swap3A_825] {strides = array<i32>} : memref<64x256xf32, #tpu.memory_space<vmem>>, vector<16xf32>,
        tpu.vector_store %arg8[%swap3A_824, %swap3A_825], %gather3A_754 {strides = array<i32>} : memref<64x256xf32, #tpu.memory_space<vmem>>, vector<16xf32>,
        %add3A_827 = arith.constant 5 : i32
        %add3A_828 = arith.addi %mul3A_239, %add3A_827 : i32
        %swap3A_829 = arith.index_cast %add3A_828 : i32 to index
        %swap3A_830 = arith.constant 224 : index
        %swap3A_831 = tpu.vector_load %arg8[%swap3A_829, %swap3A_830] {strides = array<i32>} : memref<64x256xf32, #tpu.memory_space<vmem>>, vector<16xf32>,
        tpu.vector_store %arg8[%swap3A_829, %swap3A_830], %gather3A_755 {strides = array<i32>} : memref<64x256xf32, #tpu.memory_space<vmem>>, vector<16xf32>,
        %add3A_832 = arith.constant 5 : i32
        %add3A_833 = arith.addi %mul3A_239, %add3A_832 : i32
        %swap3A_834 = arith.index_cast %add3A_833 : i32 to index
        %swap3A_835 = arith.constant 240 : index
        %swap3A_836 = tpu.vector_load %arg8[%swap3A_834, %swap3A_835] {strides = array<i32>} : memref<64x256xf32, #tpu.memory_space<vmem>>, vector<16xf32>,
        tpu.vector_store %arg8[%swap3A_834, %swap3A_835], %gather3A_756 {strides = array<i32>} : memref<64x256xf32, #tpu.memory_space<vmem>>, vector<16xf32>,
        %broadcast_in_dim3A_837 = arith.constant 6 : i32
        %broadcast_in_dim3A_838 = vector.broadcast %broadcast_in_dim3A_837 : i32 to vector<16xi32>
        %add3A_839 = vector.broadcast %mul3A_239 : i32 to vector<16xi32>
        %add3A_840 = arith.addi %broadcast_in_dim3A_838, %add3A_839 : vector<16xi32>
        %gather3A_841 = tpu.vector_load_idx %arg6[%add3A_7, %add3A_840] : memref<256x128xf32, #tpu.memory_space<vmem>>[vector<16xi32>, vector<16xi32>], vector<16xf32>,
        %gather3A_842 = tpu.vector_load_idx %arg6[%add3A_11, %add3A_840] : memref<256x128xf32, #tpu.memory_space<vmem>>[vector<16xi32>, vector<16xi32>], vector<16xf32>,
        %gather3A_843 = tpu.vector_load_idx %arg6[%add3A_15, %add3A_840] : memref<256x128xf32, #tpu.memory_space<vmem>>[vector<16xi32>, vector<16xi32>], vector<16xf32>,
        %gather3A_844 = tpu.vector_load_idx %arg6[%add3A_19, %add3A_840] : memref<256x128xf32, #tpu.memory_space<vmem>>[vector<16xi32>, vector<16xi32>], vector<16xf32>,
        %gather3A_845 = tpu.vector_load_idx %arg6[%add3A_23, %add3A_840] : memref<256x128xf32, #tpu.memory_space<vmem>>[vector<16xi32>, vector<16xi32>], vector<16xf32>,
        %gather3A_846 = tpu.vector_load_idx %arg6[%add3A_27, %add3A_840] : memref<256x128xf32, #tpu.memory_space<vmem>>[vector<16xi32>, vector<16xi32>], vector<16xf32>,
        %gather3A_847 = tpu.vector_load_idx %arg6[%add3A_31, %add3A_840] : memref<256x128xf32, #tpu.memory_space<vmem>>[vector<16xi32>, vector<16xi32>], vector<16xf32>,
        %gather3A_848 = tpu.vector_load_idx %arg6[%add3A_35, %add3A_840] : memref<256x128xf32, #tpu.memory_space<vmem>>[vector<16xi32>, vector<16xi32>], vector<16xf32>,
        %gather3A_849 = tpu.vector_load_idx %arg6[%add3A_39, %add3A_840] : memref<256x128xf32, #tpu.memory_space<vmem>>[vector<16xi32>, vector<16xi32>], vector<16xf32>,
        %gather3A_850 = tpu.vector_load_idx %arg6[%add3A_43, %add3A_840] : memref<256x128xf32, #tpu.memory_space<vmem>>[vector<16xi32>, vector<16xi32>], vector<16xf32>,
        %gather3A_851 = tpu.vector_load_idx %arg6[%add3A_47, %add3A_840] : memref<256x128xf32, #tpu.memory_space<vmem>>[vector<16xi32>, vector<16xi32>], vector<16xf32>,
        %gather3A_852 = tpu.vector_load_idx %arg6[%add3A_51, %add3A_840] : memref<256x128xf32, #tpu.memory_space<vmem>>[vector<16xi32>, vector<16xi32>], vector<16xf32>,
        %gather3A_853 = tpu.vector_load_idx %arg6[%add3A_55, %add3A_840] : memref<256x128xf32, #tpu.memory_space<vmem>>[vector<16xi32>, vector<16xi32>], vector<16xf32>,
        %gather3A_854 = tpu.vector_load_idx %arg6[%add3A_59, %add3A_840] : memref<256x128xf32, #tpu.memory_space<vmem>>[vector<16xi32>, vector<16xi32>], vector<16xf32>,
        %gather3A_855 = tpu.vector_load_idx %arg6[%add3A_63, %add3A_840] : memref<256x128xf32, #tpu.memory_space<vmem>>[vector<16xi32>, vector<16xi32>], vector<16xf32>,
        %gather3A_856 = tpu.vector_load_idx %arg6[%add3A_67, %add3A_840] : memref<256x128xf32, #tpu.memory_space<vmem>>[vector<16xi32>, vector<16xi32>], vector<16xf32>,
        %add3A_857 = arith.constant 6 : i32
        %add3A_858 = arith.addi %mul3A_239, %add3A_857 : i32
        %swap3A_859 = arith.index_cast %add3A_858 : i32 to index
        %swap3A_860 = arith.constant 0 : index
        %swap3A_861 = tpu.vector_load %arg8[%swap3A_859, %swap3A_860] {strides = array<i32>} : memref<64x256xf32, #tpu.memory_space<vmem>>, vector<16xf32>,
        tpu.vector_store %arg8[%swap3A_859, %swap3A_860], %gather3A_841 {strides = array<i32>} : memref<64x256xf32, #tpu.memory_space<vmem>>, vector<16xf32>,
        %add3A_862 = arith.constant 6 : i32
        %add3A_863 = arith.addi %mul3A_239, %add3A_862 : i32
        %swap3A_864 = arith.index_cast %add3A_863 : i32 to index
        %swap3A_865 = arith.constant 16 : index
        %swap3A_866 = tpu.vector_load %arg8[%swap3A_864, %swap3A_865] {strides = array<i32>} : memref<64x256xf32, #tpu.memory_space<vmem>>, vector<16xf32>,
        tpu.vector_store %arg8[%swap3A_864, %swap3A_865], %gather3A_842 {strides = array<i32>} : memref<64x256xf32, #tpu.memory_space<vmem>>, vector<16xf32>,
        %add3A_867 = arith.constant 6 : i32
        %add3A_868 = arith.addi %mul3A_239, %add3A_867 : i32
        %swap3A_869 = arith.index_cast %add3A_868 : i32 to index
        %swap3A_870 = arith.constant 32 : index
        %swap3A_871 = tpu.vector_load %arg8[%swap3A_869, %swap3A_870] {strides = array<i32>} : memref<64x256xf32, #tpu.memory_space<vmem>>, vector<16xf32>,
        tpu.vector_store %arg8[%swap3A_869, %swap3A_870], %gather3A_843 {strides = array<i32>} : memref<64x256xf32, #tpu.memory_space<vmem>>, vector<16xf32>,
        %add3A_872 = arith.constant 6 : i32
        %add3A_873 = arith.addi %mul3A_239, %add3A_872 : i32
        %swap3A_874 = arith.index_cast %add3A_873 : i32 to index
        %swap3A_875 = arith.constant 48 : index
        %swap3A_876 = tpu.vector_load %arg8[%swap3A_874, %swap3A_875] {strides = array<i32>} : memref<64x256xf32, #tpu.memory_space<vmem>>, vector<16xf32>,
        tpu.vector_store %arg8[%swap3A_874, %swap3A_875], %gather3A_844 {strides = array<i32>} : memref<64x256xf32, #tpu.memory_space<vmem>>, vector<16xf32>,
        %add3A_877 = arith.constant 6 : i32
        %add3A_878 = arith.addi %mul3A_239, %add3A_877 : i32
        %swap3A_879 = arith.index_cast %add3A_878 : i32 to index
        %swap3A_880 = arith.constant 64 : index
        %swap3A_881 = tpu.vector_load %arg8[%swap3A_879, %swap3A_880] {strides = array<i32>} : memref<64x256xf32, #tpu.memory_space<vmem>>, vector<16xf32>,
        tpu.vector_store %arg8[%swap3A_879, %swap3A_880], %gather3A_845 {strides = array<i32>} : memref<64x256xf32, #tpu.memory_space<vmem>>, vector<16xf32>,
        %add3A_882 = arith.constant 6 : i32
        %add3A_883 = arith.addi %mul3A_239, %add3A_882 : i32
        %swap3A_884 = arith.index_cast %add3A_883 : i32 to index
        %swap3A_885 = arith.constant 80 : index
        %swap3A_886 = tpu.vector_load %arg8[%swap3A_884, %swap3A_885] {strides = array<i32>} : memref<64x256xf32, #tpu.memory_space<vmem>>, vector<16xf32>,
        tpu.vector_store %arg8[%swap3A_884, %swap3A_885], %gather3A_846 {strides = array<i32>} : memref<64x256xf32, #tpu.memory_space<vmem>>, vector<16xf32>,
        %add3A_887 = arith.constant 6 : i32
        %add3A_888 = arith.addi %mul3A_239, %add3A_887 : i32
        %swap3A_889 = arith.index_cast %add3A_888 : i32 to index
        %swap3A_890 = arith.constant 96 : index
        %swap3A_891 = tpu.vector_load %arg8[%swap3A_889, %swap3A_890] {strides = array<i32>} : memref<64x256xf32, #tpu.memory_space<vmem>>, vector<16xf32>,
        tpu.vector_store %arg8[%swap3A_889, %swap3A_890], %gather3A_847 {strides = array<i32>} : memref<64x256xf32, #tpu.memory_space<vmem>>, vector<16xf32>,
        %add3A_892 = arith.constant 6 : i32
        %add3A_893 = arith.addi %mul3A_239, %add3A_892 : i32
        %swap3A_894 = arith.index_cast %add3A_893 : i32 to index
        %swap3A_895 = arith.constant 112 : index
        %swap3A_896 = tpu.vector_load %arg8[%swap3A_894, %swap3A_895] {strides = array<i32>} : memref<64x256xf32, #tpu.memory_space<vmem>>, vector<16xf32>,
        tpu.vector_store %arg8[%swap3A_894, %swap3A_895], %gather3A_848 {strides = array<i32>} : memref<64x256xf32, #tpu.memory_space<vmem>>, vector<16xf32>,
        %add3A_897 = arith.constant 6 : i32
        %add3A_898 = arith.addi %mul3A_239, %add3A_897 : i32
        %swap3A_899 = arith.index_cast %add3A_898 : i32 to index
        %swap3A_900 = arith.constant 128 : index
        %swap3A_901 = tpu.vector_load %arg8[%swap3A_899, %swap3A_900] {strides = array<i32>} : memref<64x256xf32, #tpu.memory_space<vmem>>, vector<16xf32>,
        tpu.vector_store %arg8[%swap3A_899, %swap3A_900], %gather3A_849 {strides = array<i32>} : memref<64x256xf32, #tpu.memory_space<vmem>>, vector<16xf32>,
        %add3A_902 = arith.constant 6 : i32
        %add3A_903 = arith.addi %mul3A_239, %add3A_902 : i32
        %swap3A_904 = arith.index_cast %add3A_903 : i32 to index
        %swap3A_905 = arith.constant 144 : index
        %swap3A_906 = tpu.vector_load %arg8[%swap3A_904, %swap3A_905] {strides = array<i32>} : memref<64x256xf32, #tpu.memory_space<vmem>>, vector<16xf32>,
        tpu.vector_store %arg8[%swap3A_904, %swap3A_905], %gather3A_850 {strides = array<i32>} : memref<64x256xf32, #tpu.memory_space<vmem>>, vector<16xf32>,
        %add3A_907 = arith.constant 6 : i32
        %add3A_908 = arith.addi %mul3A_239, %add3A_907 : i32
        %swap3A_909 = arith.index_cast %add3A_908 : i32 to index
        %swap3A_910 = arith.constant 160 : index
        %swap3A_911 = tpu.vector_load %arg8[%swap3A_909, %swap3A_910] {strides = array<i32>} : memref<64x256xf32, #tpu.memory_space<vmem>>, vector<16xf32>,
        tpu.vector_store %arg8[%swap3A_909, %swap3A_910], %gather3A_851 {strides = array<i32>} : memref<64x256xf32, #tpu.memory_space<vmem>>, vector<16xf32>,
        %add3A_912 = arith.constant 6 : i32
        %add3A_913 = arith.addi %mul3A_239, %add3A_912 : i32
        %swap3A_914 = arith.index_cast %add3A_913 : i32 to index
        %swap3A_915 = arith.constant 176 : index
        %swap3A_916 = tpu.vector_load %arg8[%swap3A_914, %swap3A_915] {strides = array<i32>} : memref<64x256xf32, #tpu.memory_space<vmem>>, vector<16xf32>,
        tpu.vector_store %arg8[%swap3A_914, %swap3A_915], %gather3A_852 {strides = array<i32>} : memref<64x256xf32, #tpu.memory_space<vmem>>, vector<16xf32>,
        %add3A_917 = arith.constant 6 : i32
        %add3A_918 = arith.addi %mul3A_239, %add3A_917 : i32
        %swap3A_919 = arith.index_cast %add3A_918 : i32 to index
        %swap3A_920 = arith.constant 192 : index
        %swap3A_921 = tpu.vector_load %arg8[%swap3A_919, %swap3A_920] {strides = array<i32>} : memref<64x256xf32, #tpu.memory_space<vmem>>, vector<16xf32>,
        tpu.vector_store %arg8[%swap3A_919, %swap3A_920], %gather3A_853 {strides = array<i32>} : memref<64x256xf32, #tpu.memory_space<vmem>>, vector<16xf32>,
        %add3A_922 = arith.constant 6 : i32
        %add3A_923 = arith.addi %mul3A_239, %add3A_922 : i32
        %swap3A_924 = arith.index_cast %add3A_923 : i32 to index
        %swap3A_925 = arith.constant 208 : index
        %swap3A_926 = tpu.vector_load %arg8[%swap3A_924, %swap3A_925] {strides = array<i32>} : memref<64x256xf32, #tpu.memory_space<vmem>>, vector<16xf32>,
        tpu.vector_store %arg8[%swap3A_924, %swap3A_925], %gather3A_854 {strides = array<i32>} : memref<64x256xf32, #tpu.memory_space<vmem>>, vector<16xf32>,
        %add3A_927 = arith.constant 6 : i32
        %add3A_928 = arith.addi %mul3A_239, %add3A_927 : i32
        %swap3A_929 = arith.index_cast %add3A_928 : i32 to index
        %swap3A_930 = arith.constant 224 : index
        %swap3A_931 = tpu.vector_load %arg8[%swap3A_929, %swap3A_930] {strides = array<i32>} : memref<64x256xf32, #tpu.memory_space<vmem>>, vector<16xf32>,
        tpu.vector_store %arg8[%swap3A_929, %swap3A_930], %gather3A_855 {strides = array<i32>} : memref<64x256xf32, #tpu.memory_space<vmem>>, vector<16xf32>,
        %add3A_932 = arith.constant 6 : i32
        %add3A_933 = arith.addi %mul3A_239, %add3A_932 : i32
        %swap3A_934 = arith.index_cast %add3A_933 : i32 to index
        %swap3A_935 = arith.constant 240 : index
        %swap3A_936 = tpu.vector_load %arg8[%swap3A_934, %swap3A_935] {strides = array<i32>} : memref<64x256xf32, #tpu.memory_space<vmem>>, vector<16xf32>,
        tpu.vector_store %arg8[%swap3A_934, %swap3A_935], %gather3A_856 {strides = array<i32>} : memref<64x256xf32, #tpu.memory_space<vmem>>, vector<16xf32>,
        %broadcast_in_dim3A_937 = arith.constant 7 : i32
        %broadcast_in_dim3A_938 = vector.broadcast %broadcast_in_dim3A_937 : i32 to vector<16xi32>
        %add3A_939 = vector.broadcast %mul3A_239 : i32 to vector<16xi32>
        %add3A_940 = arith.addi %broadcast_in_dim3A_938, %add3A_939 : vector<16xi32>
        %gather3A_941 = tpu.vector_load_idx %arg6[%add3A_7, %add3A_940] : memref<256x128xf32, #tpu.memory_space<vmem>>[vector<16xi32>, vector<16xi32>], vector<16xf32>,
        %gather3A_942 = tpu.vector_load_idx %arg6[%add3A_11, %add3A_940] : memref<256x128xf32, #tpu.memory_space<vmem>>[vector<16xi32>, vector<16xi32>], vector<16xf32>,
        %gather3A_943 = tpu.vector_load_idx %arg6[%add3A_15, %add3A_940] : memref<256x128xf32, #tpu.memory_space<vmem>>[vector<16xi32>, vector<16xi32>], vector<16xf32>,
        %gather3A_944 = tpu.vector_load_idx %arg6[%add3A_19, %add3A_940] : memref<256x128xf32, #tpu.memory_space<vmem>>[vector<16xi32>, vector<16xi32>], vector<16xf32>,
        %gather3A_945 = tpu.vector_load_idx %arg6[%add3A_23, %add3A_940] : memref<256x128xf32, #tpu.memory_space<vmem>>[vector<16xi32>, vector<16xi32>], vector<16xf32>,
        %gather3A_946 = tpu.vector_load_idx %arg6[%add3A_27, %add3A_940] : memref<256x128xf32, #tpu.memory_space<vmem>>[vector<16xi32>, vector<16xi32>], vector<16xf32>,
        %gather3A_947 = tpu.vector_load_idx %arg6[%add3A_31, %add3A_940] : memref<256x128xf32, #tpu.memory_space<vmem>>[vector<16xi32>, vector<16xi32>], vector<16xf32>,
        %gather3A_948 = tpu.vector_load_idx %arg6[%add3A_35, %add3A_940] : memref<256x128xf32, #tpu.memory_space<vmem>>[vector<16xi32>, vector<16xi32>], vector<16xf32>,
        %gather3A_949 = tpu.vector_load_idx %arg6[%add3A_39, %add3A_940] : memref<256x128xf32, #tpu.memory_space<vmem>>[vector<16xi32>, vector<16xi32>], vector<16xf32>,
        %gather3A_950 = tpu.vector_load_idx %arg6[%add3A_43, %add3A_940] : memref<256x128xf32, #tpu.memory_space<vmem>>[vector<16xi32>, vector<16xi32>], vector<16xf32>,
        %gather3A_951 = tpu.vector_load_idx %arg6[%add3A_47, %add3A_940] : memref<256x128xf32, #tpu.memory_space<vmem>>[vector<16xi32>, vector<16xi32>], vector<16xf32>,
        %gather3A_952 = tpu.vector_load_idx %arg6[%add3A_51, %add3A_940] : memref<256x128xf32, #tpu.memory_space<vmem>>[vector<16xi32>, vector<16xi32>], vector<16xf32>,
        %gather3A_953 = tpu.vector_load_idx %arg6[%add3A_55, %add3A_940] : memref<256x128xf32, #tpu.memory_space<vmem>>[vector<16xi32>, vector<16xi32>], vector<16xf32>,
        %gather3A_954 = tpu.vector_load_idx %arg6[%add3A_59, %add3A_940] : memref<256x128xf32, #tpu.memory_space<vmem>>[vector<16xi32>, vector<16xi32>], vector<16xf32>,
        %gather3A_955 = tpu.vector_load_idx %arg6[%add3A_63, %add3A_940] : memref<256x128xf32, #tpu.memory_space<vmem>>[vector<16xi32>, vector<16xi32>], vector<16xf32>,
        %gather3A_956 = tpu.vector_load_idx %arg6[%add3A_67, %add3A_940] : memref<256x128xf32, #tpu.memory_space<vmem>>[vector<16xi32>, vector<16xi32>], vector<16xf32>,
        %add3A_957 = arith.constant 7 : i32
        %add3A_958 = arith.addi %mul3A_239, %add3A_957 : i32
        %swap3A_959 = arith.index_cast %add3A_958 : i32 to index
        %swap3A_960 = arith.constant 0 : index
        %swap3A_961 = tpu.vector_load %arg8[%swap3A_959, %swap3A_960] {strides = array<i32>} : memref<64x256xf32, #tpu.memory_space<vmem>>, vector<16xf32>,
        tpu.vector_store %arg8[%swap3A_959, %swap3A_960], %gather3A_941 {strides = array<i32>} : memref<64x256xf32, #tpu.memory_space<vmem>>, vector<16xf32>,
        %add3A_962 = arith.constant 7 : i32
        %add3A_963 = arith.addi %mul3A_239, %add3A_962 : i32
        %swap3A_964 = arith.index_cast %add3A_963 : i32 to index
        %swap3A_965 = arith.constant 16 : index
        %swap3A_966 = tpu.vector_load %arg8[%swap3A_964, %swap3A_965] {strides = array<i32>} : memref<64x256xf32, #tpu.memory_space<vmem>>, vector<16xf32>,
        tpu.vector_store %arg8[%swap3A_964, %swap3A_965], %gather3A_942 {strides = array<i32>} : memref<64x256xf32, #tpu.memory_space<vmem>>, vector<16xf32>,
        %add3A_967 = arith.constant 7 : i32
        %add3A_968 = arith.addi %mul3A_239, %add3A_967 : i32
        %swap3A_969 = arith.index_cast %add3A_968 : i32 to index
        %swap3A_970 = arith.constant 32 : index
        %swap3A_971 = tpu.vector_load %arg8[%swap3A_969, %swap3A_970] {strides = array<i32>} : memref<64x256xf32, #tpu.memory_space<vmem>>, vector<16xf32>,
        tpu.vector_store %arg8[%swap3A_969, %swap3A_970], %gather3A_943 {strides = array<i32>} : memref<64x256xf32, #tpu.memory_space<vmem>>, vector<16xf32>,
        %add3A_972 = arith.constant 7 : i32
        %add3A_973 = arith.addi %mul3A_239, %add3A_972 : i32
        %swap3A_974 = arith.index_cast %add3A_973 : i32 to index
        %swap3A_975 = arith.constant 48 : index
        %swap3A_976 = tpu.vector_load %arg8[%swap3A_974, %swap3A_975] {strides = array<i32>} : memref<64x256xf32, #tpu.memory_space<vmem>>, vector<16xf32>,
        tpu.vector_store %arg8[%swap3A_974, %swap3A_975], %gather3A_944 {strides = array<i32>} : memref<64x256xf32, #tpu.memory_space<vmem>>, vector<16xf32>,
        %add3A_977 = arith.constant 7 : i32
        %add3A_978 = arith.addi %mul3A_239, %add3A_977 : i32
        %swap3A_979 = arith.index_cast %add3A_978 : i32 to index
        %swap3A_980 = arith.constant 64 : index
        %swap3A_981 = tpu.vector_load %arg8[%swap3A_979, %swap3A_980] {strides = array<i32>} : memref<64x256xf32, #tpu.memory_space<vmem>>, vector<16xf32>,
        tpu.vector_store %arg8[%swap3A_979, %swap3A_980], %gather3A_945 {strides = array<i32>} : memref<64x256xf32, #tpu.memory_space<vmem>>, vector<16xf32>,
        %add3A_982 = arith.constant 7 : i32
        %add3A_983 = arith.addi %mul3A_239, %add3A_982 : i32
        %swap3A_984 = arith.index_cast %add3A_983 : i32 to index
        %swap3A_985 = arith.constant 80 : index
        %swap3A_986 = tpu.vector_load %arg8[%swap3A_984, %swap3A_985] {strides = array<i32>} : memref<64x256xf32, #tpu.memory_space<vmem>>, vector<16xf32>,
        tpu.vector_store %arg8[%swap3A_984, %swap3A_985], %gather3A_946 {strides = array<i32>} : memref<64x256xf32, #tpu.memory_space<vmem>>, vector<16xf32>,
        %add3A_987 = arith.constant 7 : i32
        %add3A_988 = arith.addi %mul3A_239, %add3A_987 : i32
        %swap3A_989 = arith.index_cast %add3A_988 : i32 to index
        %swap3A_990 = arith.constant 96 : index
        %swap3A_991 = tpu.vector_load %arg8[%swap3A_989, %swap3A_990] {strides = array<i32>} : memref<64x256xf32, #tpu.memory_space<vmem>>, vector<16xf32>,
        tpu.vector_store %arg8[%swap3A_989, %swap3A_990], %gather3A_947 {strides = array<i32>} : memref<64x256xf32, #tpu.memory_space<vmem>>, vector<16xf32>,
        %add3A_992 = arith.constant 7 : i32
        %add3A_993 = arith.addi %mul3A_239, %add3A_992 : i32
        %swap3A_994 = arith.index_cast %add3A_993 : i32 to index
        %swap3A_995 = arith.constant 112 : index
        %swap3A_996 = tpu.vector_load %arg8[%swap3A_994, %swap3A_995] {strides = array<i32>} : memref<64x256xf32, #tpu.memory_space<vmem>>, vector<16xf32>,
        tpu.vector_store %arg8[%swap3A_994, %swap3A_995], %gather3A_948 {strides = array<i32>} : memref<64x256xf32, #tpu.memory_space<vmem>>, vector<16xf32>,
        %add3A_997 = arith.constant 7 : i32
        %add3A_998 = arith.addi %mul3A_239, %add3A_997 : i32
        %swap3A_999 = arith.index_cast %add3A_998 : i32 to index
        %swap3A_1000 = arith.constant 128 : index
        %swap3A_1001 = tpu.vector_load %arg8[%swap3A_999, %swap3A_1000] {strides = array<i32>} : memref<64x256xf32, #tpu.memory_space<vmem>>, vector<16xf32>,
        tpu.vector_store %arg8[%swap3A_999, %swap3A_1000], %gather3A_949 {strides = array<i32>} : memref<64x256xf32, #tpu.memory_space<vmem>>, vector<16xf32>,
        %add3A_1002 = arith.constant 7 : i32
        %add3A_1003 = arith.addi %mul3A_239, %add3A_1002 : i32
        %swap3A_1004 = arith.index_cast %add3A_1003 : i32 to index
        %swap3A_1005 = arith.constant 144 : index
        %swap3A_1006 = tpu.vector_load %arg8[%swap3A_1004, %swap3A_1005] {strides = array<i32>} : memref<64x256xf32, #tpu.memory_space<vmem>>, vector<16xf32>,
        tpu.vector_store %arg8[%swap3A_1004, %swap3A_1005], %gather3A_950 {strides = array<i32>} : memref<64x256xf32, #tpu.memory_space<vmem>>, vector<16xf32>,
        %add3A_1007 = arith.constant 7 : i32
        %add3A_1008 = arith.addi %mul3A_239, %add3A_1007 : i32
        %swap3A_1009 = arith.index_cast %add3A_1008 : i32 to index
        %swap3A_1010 = arith.constant 160 : index
        %swap3A_1011 = tpu.vector_load %arg8[%swap3A_1009, %swap3A_1010] {strides = array<i32>} : memref<64x256xf32, #tpu.memory_space<vmem>>, vector<16xf32>,
        tpu.vector_store %arg8[%swap3A_1009, %swap3A_1010], %gather3A_951 {strides = array<i32>} : memref<64x256xf32, #tpu.memory_space<vmem>>, vector<16xf32>,
        %add3A_1012 = arith.constant 7 : i32
        %add3A_1013 = arith.addi %mul3A_239, %add3A_1012 : i32
        %swap3A_1014 = arith.index_cast %add3A_1013 : i32 to index
        %swap3A_1015 = arith.constant 176 : index
        %swap3A_1016 = tpu.vector_load %arg8[%swap3A_1014, %swap3A_1015] {strides = array<i32>} : memref<64x256xf32, #tpu.memory_space<vmem>>, vector<16xf32>,
        tpu.vector_store %arg8[%swap3A_1014, %swap3A_1015], %gather3A_952 {strides = array<i32>} : memref<64x256xf32, #tpu.memory_space<vmem>>, vector<16xf32>,
        %add3A_1017 = arith.constant 7 : i32
        %add3A_1018 = arith.addi %mul3A_239, %add3A_1017 : i32
        %swap3A_1019 = arith.index_cast %add3A_1018 : i32 to index
        %swap3A_1020 = arith.constant 192 : index
        %swap3A_1021 = tpu.vector_load %arg8[%swap3A_1019, %swap3A_1020] {strides = array<i32>} : memref<64x256xf32, #tpu.memory_space<vmem>>, vector<16xf32>,
        tpu.vector_store %arg8[%swap3A_1019, %swap3A_1020], %gather3A_953 {strides = array<i32>} : memref<64x256xf32, #tpu.memory_space<vmem>>, vector<16xf32>,
        %add3A_1022 = arith.constant 7 : i32
        %add3A_1023 = arith.addi %mul3A_239, %add3A_1022 : i32
        %swap3A_1024 = arith.index_cast %add3A_1023 : i32 to index
        %swap3A_1025 = arith.constant 208 : index
        %swap3A_1026 = tpu.vector_load %arg8[%swap3A_1024, %swap3A_1025] {strides = array<i32>} : memref<64x256xf32, #tpu.memory_space<vmem>>, vector<16xf32>,
        tpu.vector_store %arg8[%swap3A_1024, %swap3A_1025], %gather3A_954 {strides = array<i32>} : memref<64x256xf32, #tpu.memory_space<vmem>>, vector<16xf32>,
        %add3A_1027 = arith.constant 7 : i32
        %add3A_1028 = arith.addi %mul3A_239, %add3A_1027 : i32
        %swap3A_1029 = arith.index_cast %add3A_1028 : i32 to index
        %swap3A_1030 = arith.constant 224 : index
        %swap3A_1031 = tpu.vector_load %arg8[%swap3A_1029, %swap3A_1030] {strides = array<i32>} : memref<64x256xf32, #tpu.memory_space<vmem>>, vector<16xf32>,
        tpu.vector_store %arg8[%swap3A_1029, %swap3A_1030], %gather3A_955 {strides = array<i32>} : memref<64x256xf32, #tpu.memory_space<vmem>>, vector<16xf32>,
        %add3A_1032 = arith.constant 7 : i32
        %add3A_1033 = arith.addi %mul3A_239, %add3A_1032 : i32
        %swap3A_1034 = arith.index_cast %add3A_1033 : i32 to index
        %swap3A_1035 = arith.constant 240 : index
        %swap3A_1036 = tpu.vector_load %arg8[%swap3A_1034, %swap3A_1035] {strides = array<i32>} : memref<64x256xf32, #tpu.memory_space<vmem>>, vector<16xf32>,
        tpu.vector_store %arg8[%swap3A_1034, %swap3A_1035], %gather3A_956 {strides = array<i32>} : memref<64x256xf32, #tpu.memory_space<vmem>>, vector<16xf32>,
      }
      %scan3A_148 = arith.constant 8 : i32
      %mul3A_149 = arith.constant 256 : i32
      %mul3A_150 = arith.muli %select_n3A_134, %mul3A_149 : i32
      %dma_start3A_151 = arith.constant 0 : i32
      %dma_start3A_152 = tpu.memref_slice %arg4[%select_n3A, %dma_start3A_151, %mul3A_150] : memref<26x64x16384xf32, #tpu.memory_space<hbm>> -> memref<1x64x256xf32, #tpu.memory_space<hbm>>
      %dma_start3A_153 = tpu.memref_squeeze %dma_start3A_152 : memref<1x64x256xf32, #tpu.memory_space<hbm>> -> memref<64x256xf32, #tpu.memory_space<hbm>>
      %dma_start3A_154 = arith.constant 0 : i32
      %dma_start3A_155 = tpu.memref_slice %arg4[%select_n3A, %dma_start3A_154, %mul3A_150] : memref<26x64x16384xf32, #tpu.memory_space<hbm>> -> memref<1x64x256xf32, #tpu.memory_space<hbm>>
      %dma_start3A_156 = tpu.memref_squeeze %dma_start3A_155 : memref<1x64x256xf32, #tpu.memory_space<hbm>> -> memref<64x256xf32, #tpu.memory_space<hbm>>
      tpu.enqueue_dma source(%arg8 : memref<64x256xf32, #tpu.memory_space<vmem>>) target(%dma_start3A_156 : memref<64x256xf32, #tpu.memory_space<hbm>>) target_semaphore(%arg12 : memref<!tpu.dma_semaphore, #tpu.memory_space<semaphore_mem>>)
      %lt3A_157 = arith.constant 25 : i32
      %lt3A_158 = arith.cmpi slt, %scan3A_99, %lt3A_157 : i32
      %convert_element_type3A_159 = arith.extui %lt3A_158 : i1 to i32
      %cond3A_160 = arith.constant 0 : i32
      %cond3A_161 = arith.cmpi ne, %convert_element_type3A_159, %cond3A_160 : i32
      scf.if %cond3A_161 {
        %add3A_237 = arith.constant 2 : i32
        %add3A_238 = arith.addi %add3A_103, %add3A_237 : i32
        %mul3A_239 = arith.constant 256 : i32
        %mul3A_240 = arith.muli %add3A_238, %mul3A_239 : i32
        %dma_start3A_241 = tpu.memref_slice %arg5[%mul3A_240] : memref<13312xi32, #tpu.memory_space<vmem>> -> memref<256xi32, #tpu.memory_space<vmem>>
        %dma_start3A_242 = arith.constant 0 : i32
        %dma_start3A_243 = arith.constant 0 : i32
        %dma_start3A_244 = tpu.memref_slice %arg2[%dma_start3A_242, %dma_start3A_243] : memref<1000000x128xf32, #tpu.memory_space<hbm>> -> memref<1000000x128xf32, #tpu.memory_space<hbm>>
        tpu.enqueue_indirect_dma source(%dma_start3A_244 : memref<1000000x128xf32, #tpu.memory_space<hbm>>) target(%arg6 : memref<256x128xf32, #tpu.memory_space<vmem>>) offsets(%dma_start3A_241 : memref<256xi32, #tpu.memory_space<vmem>>) semaphore(%arg10 : memref<!tpu.dma_semaphore, #tpu.memory_space<semaphore_mem>>)
      } else {
      }
      %mul3A_162 = arith.constant 2 : i32
      %mul3A_163 = arith.muli %mul3A_162, %scan3A_99 : i32
      %add3A_164 = arith.constant 1 : i32
      %add3A_165 = arith.addi %mul3A_163, %add3A_164 : i32
      %add3A_166 = arith.addi %mul3A_2, %add3A_165 : i32
      %jit3A_167 = arith.constant 64 : i32
      %div3A_168 = arith.divsi %add3A_166, %jit3A_167 : i32
      %sign3A_169 = arith.constant 0 : i32
      %sign3A_170 = arith.cmpi sgt, %add3A_166, %sign3A_169 : i32
      %sign3A_171 = arith.extui %sign3A_170 : i1 to i32
      %sign3A_172 = arith.constant 0 : i32
      %sign3A_173 = arith.cmpi slt, %add3A_166, %sign3A_172 : i32
      %sign3A_174 = arith.extui %sign3A_173 : i1 to i32
      %sign3A_175 = arith.subi %sign3A_171, %sign3A_174 : i32
      %sign3A_176 = arith.constant 0 : i32
      %sign3A_177 = arith.cmpi sgt, %jit3A_167, %sign3A_176 : i32
      %sign3A_178 = arith.extui %sign3A_177 : i1 to i32
      %sign3A_179 = arith.constant 0 : i32
      %sign3A_180 = arith.cmpi slt, %jit3A_167, %sign3A_179 : i32
      %sign3A_181 = arith.extui %sign3A_180 : i1 to i32
      %sign3A_182 = arith.subi %sign3A_178, %sign3A_181 : i32
      %ne3A_183 = arith.cmpi ne, %sign3A_175, %sign3A_182 : i32
      %rem3A_184 = arith.remsi %add3A_166, %jit3A_167 : i32
      %ne3A_185 = arith.constant 0 : i32
      %ne3A_186 = arith.cmpi ne, %rem3A_184, %ne3A_185 : i32
      %and3A_187 = arith.andi %ne3A_183, %ne3A_186 : i1
      %sub3A_188 = arith.constant 1 : i32
      %sub3A_189 = arith.subi %div3A_168, %sub3A_188 : i32
      %select_n3A_190 = arith.select %and3A_187, %sub3A_189, %div3A_168 : i32
      %jit3A_191 = arith.constant 64 : i32
      %eq3A_192 = arith.constant 0 : i32
      %eq3A_193 = arith.cmpi eq, %jit3A_191, %eq3A_192 : i32
      %jit3A_194 = arith.constant 1 : i32
      %select_n3A_195 = arith.select %eq3A_193, %jit3A_194, %jit3A_191 : i32
      %rem3A_196 = arith.remsi %add3A_166, %select_n3A_195 : i32
      %ne3A_197 = arith.constant 0 : i32
      %ne3A_198 = arith.cmpi ne, %rem3A_196, %ne3A_197 : i32
      %lt3A_199 = arith.constant 0 : i32
      %lt3A_200 = arith.cmpi slt, %rem3A_196, %lt3A_199 : i32
      %lt3A_201 = arith.constant 0 : i32
      %lt3A_202 = arith.cmpi slt, %select_n3A_195, %lt3A_201 : i32
      %ne3A_203 = arith.xori %lt3A_200, %lt3A_202 : i1
      %and3A_204 = arith.andi %ne3A_203, %ne3A_198 : i1
      %add3A_205 = arith.addi %rem3A_196, %select_n3A_195 : i32
      %select_n3A_206 = arith.select %and3A_204, %add3A_205, %rem3A_196 : i32
      %mul3A_207 = arith.constant 256 : i32
      %mul3A_208 = arith.muli %add3A_165, %mul3A_207 : i32
      %dma_wait3A_209 = tpu.memref_slice %arg5[%mul3A_208] : memref<13312xi32, #tpu.memory_space<vmem>> -> memref<256xi32, #tpu.memory_space<vmem>>
      %dma_wait3A_210 = arith.constant 0 : i32
      %dma_wait3A_211 = arith.constant 0 : i32
      %dma_wait3A_212 = tpu.memref_slice %arg2[%dma_wait3A_210, %dma_wait3A_211] : memref<1000000x128xf32, #tpu.memory_space<hbm>> -> memref<1000000x128xf32, #tpu.memory_space<hbm>>
      tpu.wait_indirect_dma semaphore(%arg11 : memref<!tpu.dma_semaphore, #tpu.memory_space<semaphore_mem>>) src(%dma_wait3A_212 : memref<1000000x128xf32, #tpu.memory_space<hbm>>) dst(%arg7 : memref<256x128xf32, #tpu.memory_space<vmem>>)
      %gt3A_213 = arith.constant 0 : i32
      %gt3A_214 = arith.cmpi sgt, %scan3A_99, %gt3A_213 : i32
      %convert_element_type3A_215 = arith.extui %gt3A_214 : i1 to i32
      %cond3A_216 = arith.constant 0 : i32
      %cond3A_217 = arith.cmpi ne, %convert_element_type3A_215, %cond3A_216 : i32
      scf.if %cond3A_217 {
        %dma_wait3A_237 = arith.constant 0 : i32
        %dma_wait3A_238 = arith.constant 0 : i32
        %dma_wait3A_239 = arith.constant 0 : i32
        %dma_wait3A_240 = tpu.memref_slice %arg4[%dma_wait3A_237, %dma_wait3A_238, %dma_wait3A_239] : memref<26x64x16384xf32, #tpu.memory_space<hbm>> -> memref<1x64x256xf32, #tpu.memory_space<hbm>>
        %dma_wait3A_241 = tpu.memref_squeeze %dma_wait3A_240 : memref<1x64x256xf32, #tpu.memory_space<hbm>> -> memref<64x256xf32, #tpu.memory_space<hbm>>
        %dma_wait3A_242 = arith.constant 0 : i32
        %dma_wait3A_243 = arith.constant 0 : i32
        %dma_wait3A_244 = tpu.memref_slice %arg4[%dma_wait3A_237, %dma_wait3A_242, %dma_wait3A_243] : memref<26x64x16384xf32, #tpu.memory_space<hbm>> -> memref<1x64x256xf32, #tpu.memory_space<hbm>>
        %dma_wait3A_245 = tpu.memref_squeeze %dma_wait3A_244 : memref<1x64x256xf32, #tpu.memory_space<hbm>> -> memref<64x256xf32, #tpu.memory_space<hbm>>
        tpu.wait_dma2 semaphore(%arg13 : memref<!tpu.dma_semaphore, #tpu.memory_space<semaphore_mem>>) src(%dma_wait3A_245 : memref<64x256xf32, #tpu.memory_space<hbm>>) dst(%arg9 : memref<64x256xf32, #tpu.memory_space<vmem>>)
      } else {
      }
      %scan3A_218 = arith.constant 0 : i32
      %scan3A_219 = arith.constant 0 : i32
      %scan3A_220 = arith.constant 8 : i32
      %scan3A_221 = arith.addi %scan3A_219, %scan3A_220 : i32
      %scan3A_222 = arith.constant 1 : i32
      scf.for %scan3A_237 = %scan3A_219 to %scan3A_221 step %scan3A_222  : i32 {
        %mul3A_238 = arith.constant 8 : i32
        %mul3A_239 = arith.muli %scan3A_237, %mul3A_238 : i32
        %broadcast_in_dim3A = arith.constant 0 : i32
        %broadcast_in_dim3A_240 = vector.broadcast %broadcast_in_dim3A : i32 to vector<16xi32>
        %add3A_241 = vector.broadcast %mul3A_239 : i32 to vector<16xi32>
        %add3A_242 = arith.addi %broadcast_in_dim3A_240, %add3A_241 : vector<16xi32>
        %gather3A = tpu.vector_load_idx %arg7[%add3A_7, %add3A_242] : memref<256x128xf32, #tpu.memory_space<vmem>>[vector<16xi32>, vector<16xi32>], vector<16xf32>,
        %gather3A_243 = tpu.vector_load_idx %arg7[%add3A_11, %add3A_242] : memref<256x128xf32, #tpu.memory_space<vmem>>[vector<16xi32>, vector<16xi32>], vector<16xf32>,
        %gather3A_244 = tpu.vector_load_idx %arg7[%add3A_15, %add3A_242] : memref<256x128xf32, #tpu.memory_space<vmem>>[vector<16xi32>, vector<16xi32>], vector<16xf32>,
        %gather3A_245 = tpu.vector_load_idx %arg7[%add3A_19, %add3A_242] : memref<256x128xf32, #tpu.memory_space<vmem>>[vector<16xi32>, vector<16xi32>], vector<16xf32>,
        %gather3A_246 = tpu.vector_load_idx %arg7[%add3A_23, %add3A_242] : memref<256x128xf32, #tpu.memory_space<vmem>>[vector<16xi32>, vector<16xi32>], vector<16xf32>,
        %gather3A_247 = tpu.vector_load_idx %arg7[%add3A_27, %add3A_242] : memref<256x128xf32, #tpu.memory_space<vmem>>[vector<16xi32>, vector<16xi32>], vector<16xf32>,
        %gather3A_248 = tpu.vector_load_idx %arg7[%add3A_31, %add3A_242] : memref<256x128xf32, #tpu.memory_space<vmem>>[vector<16xi32>, vector<16xi32>], vector<16xf32>,
        %gather3A_249 = tpu.vector_load_idx %arg7[%add3A_35, %add3A_242] : memref<256x128xf32, #tpu.memory_space<vmem>>[vector<16xi32>, vector<16xi32>], vector<16xf32>,
        %gather3A_250 = tpu.vector_load_idx %arg7[%add3A_39, %add3A_242] : memref<256x128xf32, #tpu.memory_space<vmem>>[vector<16xi32>, vector<16xi32>], vector<16xf32>,
        %gather3A_251 = tpu.vector_load_idx %arg7[%add3A_43, %add3A_242] : memref<256x128xf32, #tpu.memory_space<vmem>>[vector<16xi32>, vector<16xi32>], vector<16xf32>,
        %gather3A_252 = tpu.vector_load_idx %arg7[%add3A_47, %add3A_242] : memref<256x128xf32, #tpu.memory_space<vmem>>[vector<16xi32>, vector<16xi32>], vector<16xf32>,
        %gather3A_253 = tpu.vector_load_idx %arg7[%add3A_51, %add3A_242] : memref<256x128xf32, #tpu.memory_space<vmem>>[vector<16xi32>, vector<16xi32>], vector<16xf32>,
        %gather3A_254 = tpu.vector_load_idx %arg7[%add3A_55, %add3A_242] : memref<256x128xf32, #tpu.memory_space<vmem>>[vector<16xi32>, vector<16xi32>], vector<16xf32>,
        %gather3A_255 = tpu.vector_load_idx %arg7[%add3A_59, %add3A_242] : memref<256x128xf32, #tpu.memory_space<vmem>>[vector<16xi32>, vector<16xi32>], vector<16xf32>,
        %gather3A_256 = tpu.vector_load_idx %arg7[%add3A_63, %add3A_242] : memref<256x128xf32, #tpu.memory_space<vmem>>[vector<16xi32>, vector<16xi32>], vector<16xf32>,
        %gather3A_257 = tpu.vector_load_idx %arg7[%add3A_67, %add3A_242] : memref<256x128xf32, #tpu.memory_space<vmem>>[vector<16xi32>, vector<16xi32>], vector<16xf32>,
        %add3A_258 = arith.constant 0 : i32
        %add3A_259 = arith.addi %mul3A_239, %add3A_258 : i32
        %swap3A = arith.index_cast %add3A_259 : i32 to index
        %swap3A_260 = arith.constant 0 : index
        %swap3A_261 = tpu.vector_load %arg9[%swap3A, %swap3A_260] {strides = array<i32>} : memref<64x256xf32, #tpu.memory_space<vmem>>, vector<16xf32>,
        tpu.vector_store %arg9[%swap3A, %swap3A_260], %gather3A {strides = array<i32>} : memref<64x256xf32, #tpu.memory_space<vmem>>, vector<16xf32>,
        %add3A_262 = arith.constant 0 : i32
        %add3A_263 = arith.addi %mul3A_239, %add3A_262 : i32
        %swap3A_264 = arith.index_cast %add3A_263 : i32 to index
        %swap3A_265 = arith.constant 16 : index
        %swap3A_266 = tpu.vector_load %arg9[%swap3A_264, %swap3A_265] {strides = array<i32>} : memref<64x256xf32, #tpu.memory_space<vmem>>, vector<16xf32>,
        tpu.vector_store %arg9[%swap3A_264, %swap3A_265], %gather3A_243 {strides = array<i32>} : memref<64x256xf32, #tpu.memory_space<vmem>>, vector<16xf32>,
        %add3A_267 = arith.constant 0 : i32
        %add3A_268 = arith.addi %mul3A_239, %add3A_267 : i32
        %swap3A_269 = arith.index_cast %add3A_268 : i32 to index
        %swap3A_270 = arith.constant 32 : index
        %swap3A_271 = tpu.vector_load %arg9[%swap3A_269, %swap3A_270] {strides = array<i32>} : memref<64x256xf32, #tpu.memory_space<vmem>>, vector<16xf32>,
        tpu.vector_store %arg9[%swap3A_269, %swap3A_270], %gather3A_244 {strides = array<i32>} : memref<64x256xf32, #tpu.memory_space<vmem>>, vector<16xf32>,
        %add3A_272 = arith.constant 0 : i32
        %add3A_273 = arith.addi %mul3A_239, %add3A_272 : i32
        %swap3A_274 = arith.index_cast %add3A_273 : i32 to index
        %swap3A_275 = arith.constant 48 : index
        %swap3A_276 = tpu.vector_load %arg9[%swap3A_274, %swap3A_275] {strides = array<i32>} : memref<64x256xf32, #tpu.memory_space<vmem>>, vector<16xf32>,
        tpu.vector_store %arg9[%swap3A_274, %swap3A_275], %gather3A_245 {strides = array<i32>} : memref<64x256xf32, #tpu.memory_space<vmem>>, vector<16xf32>,
        %add3A_277 = arith.constant 0 : i32
        %add3A_278 = arith.addi %mul3A_239, %add3A_277 : i32
        %swap3A_279 = arith.index_cast %add3A_278 : i32 to index
        %swap3A_280 = arith.constant 64 : index
        %swap3A_281 = tpu.vector_load %arg9[%swap3A_279, %swap3A_280] {strides = array<i32>} : memref<64x256xf32, #tpu.memory_space<vmem>>, vector<16xf32>,
        tpu.vector_store %arg9[%swap3A_279, %swap3A_280], %gather3A_246 {strides = array<i32>} : memref<64x256xf32, #tpu.memory_space<vmem>>, vector<16xf32>,
        %add3A_282 = arith.constant 0 : i32
        %add3A_283 = arith.addi %mul3A_239, %add3A_282 : i32
        %swap3A_284 = arith.index_cast %add3A_283 : i32 to index
        %swap3A_285 = arith.constant 80 : index
        %swap3A_286 = tpu.vector_load %arg9[%swap3A_284, %swap3A_285] {strides = array<i32>} : memref<64x256xf32, #tpu.memory_space<vmem>>, vector<16xf32>,
        tpu.vector_store %arg9[%swap3A_284, %swap3A_285], %gather3A_247 {strides = array<i32>} : memref<64x256xf32, #tpu.memory_space<vmem>>, vector<16xf32>,
        %add3A_287 = arith.constant 0 : i32
        %add3A_288 = arith.addi %mul3A_239, %add3A_287 : i32
        %swap3A_289 = arith.index_cast %add3A_288 : i32 to index
        %swap3A_290 = arith.constant 96 : index
        %swap3A_291 = tpu.vector_load %arg9[%swap3A_289, %swap3A_290] {strides = array<i32>} : memref<64x256xf32, #tpu.memory_space<vmem>>, vector<16xf32>,
        tpu.vector_store %arg9[%swap3A_289, %swap3A_290], %gather3A_248 {strides = array<i32>} : memref<64x256xf32, #tpu.memory_space<vmem>>, vector<16xf32>,
        %add3A_292 = arith.constant 0 : i32
        %add3A_293 = arith.addi %mul3A_239, %add3A_292 : i32
        %swap3A_294 = arith.index_cast %add3A_293 : i32 to index
        %swap3A_295 = arith.constant 112 : index
        %swap3A_296 = tpu.vector_load %arg9[%swap3A_294, %swap3A_295] {strides = array<i32>} : memref<64x256xf32, #tpu.memory_space<vmem>>, vector<16xf32>,
        tpu.vector_store %arg9[%swap3A_294, %swap3A_295], %gather3A_249 {strides = array<i32>} : memref<64x256xf32, #tpu.memory_space<vmem>>, vector<16xf32>,
        %add3A_297 = arith.constant 0 : i32
        %add3A_298 = arith.addi %mul3A_239, %add3A_297 : i32
        %swap3A_299 = arith.index_cast %add3A_298 : i32 to index
        %swap3A_300 = arith.constant 128 : index
        %swap3A_301 = tpu.vector_load %arg9[%swap3A_299, %swap3A_300] {strides = array<i32>} : memref<64x256xf32, #tpu.memory_space<vmem>>, vector<16xf32>,
        tpu.vector_store %arg9[%swap3A_299, %swap3A_300], %gather3A_250 {strides = array<i32>} : memref<64x256xf32, #tpu.memory_space<vmem>>, vector<16xf32>,
        %add3A_302 = arith.constant 0 : i32
        %add3A_303 = arith.addi %mul3A_239, %add3A_302 : i32
        %swap3A_304 = arith.index_cast %add3A_303 : i32 to index
        %swap3A_305 = arith.constant 144 : index
        %swap3A_306 = tpu.vector_load %arg9[%swap3A_304, %swap3A_305] {strides = array<i32>} : memref<64x256xf32, #tpu.memory_space<vmem>>, vector<16xf32>,
        tpu.vector_store %arg9[%swap3A_304, %swap3A_305], %gather3A_251 {strides = array<i32>} : memref<64x256xf32, #tpu.memory_space<vmem>>, vector<16xf32>,
        %add3A_307 = arith.constant 0 : i32
        %add3A_308 = arith.addi %mul3A_239, %add3A_307 : i32
        %swap3A_309 = arith.index_cast %add3A_308 : i32 to index
        %swap3A_310 = arith.constant 160 : index
        %swap3A_311 = tpu.vector_load %arg9[%swap3A_309, %swap3A_310] {strides = array<i32>} : memref<64x256xf32, #tpu.memory_space<vmem>>, vector<16xf32>,
        tpu.vector_store %arg9[%swap3A_309, %swap3A_310], %gather3A_252 {strides = array<i32>} : memref<64x256xf32, #tpu.memory_space<vmem>>, vector<16xf32>,
        %add3A_312 = arith.constant 0 : i32
        %add3A_313 = arith.addi %mul3A_239, %add3A_312 : i32
        %swap3A_314 = arith.index_cast %add3A_313 : i32 to index
        %swap3A_315 = arith.constant 176 : index
        %swap3A_316 = tpu.vector_load %arg9[%swap3A_314, %swap3A_315] {strides = array<i32>} : memref<64x256xf32, #tpu.memory_space<vmem>>, vector<16xf32>,
        tpu.vector_store %arg9[%swap3A_314, %swap3A_315], %gather3A_253 {strides = array<i32>} : memref<64x256xf32, #tpu.memory_space<vmem>>, vector<16xf32>,
        %add3A_317 = arith.constant 0 : i32
        %add3A_318 = arith.addi %mul3A_239, %add3A_317 : i32
        %swap3A_319 = arith.index_cast %add3A_318 : i32 to index
        %swap3A_320 = arith.constant 192 : index
        %swap3A_321 = tpu.vector_load %arg9[%swap3A_319, %swap3A_320] {strides = array<i32>} : memref<64x256xf32, #tpu.memory_space<vmem>>, vector<16xf32>,
        tpu.vector_store %arg9[%swap3A_319, %swap3A_320], %gather3A_254 {strides = array<i32>} : memref<64x256xf32, #tpu.memory_space<vmem>>, vector<16xf32>,
        %add3A_322 = arith.constant 0 : i32
        %add3A_323 = arith.addi %mul3A_239, %add3A_322 : i32
        %swap3A_324 = arith.index_cast %add3A_323 : i32 to index
        %swap3A_325 = arith.constant 208 : index
        %swap3A_326 = tpu.vector_load %arg9[%swap3A_324, %swap3A_325] {strides = array<i32>} : memref<64x256xf32, #tpu.memory_space<vmem>>, vector<16xf32>,
        tpu.vector_store %arg9[%swap3A_324, %swap3A_325], %gather3A_255 {strides = array<i32>} : memref<64x256xf32, #tpu.memory_space<vmem>>, vector<16xf32>,
        %add3A_327 = arith.constant 0 : i32
        %add3A_328 = arith.addi %mul3A_239, %add3A_327 : i32
        %swap3A_329 = arith.index_cast %add3A_328 : i32 to index
        %swap3A_330 = arith.constant 224 : index
        %swap3A_331 = tpu.vector_load %arg9[%swap3A_329, %swap3A_330] {strides = array<i32>} : memref<64x256xf32, #tpu.memory_space<vmem>>, vector<16xf32>,
        tpu.vector_store %arg9[%swap3A_329, %swap3A_330], %gather3A_256 {strides = array<i32>} : memref<64x256xf32, #tpu.memory_space<vmem>>, vector<16xf32>,
        %add3A_332 = arith.constant 0 : i32
        %add3A_333 = arith.addi %mul3A_239, %add3A_332 : i32
        %swap3A_334 = arith.index_cast %add3A_333 : i32 to index
        %swap3A_335 = arith.constant 240 : index
        %swap3A_336 = tpu.vector_load %arg9[%swap3A_334, %swap3A_335] {strides = array<i32>} : memref<64x256xf32, #tpu.memory_space<vmem>>, vector<16xf32>,
        tpu.vector_store %arg9[%swap3A_334, %swap3A_335], %gather3A_257 {strides = array<i32>} : memref<64x256xf32, #tpu.memory_space<vmem>>, vector<16xf32>,
        %broadcast_in_dim3A_337 = arith.constant 1 : i32
        %broadcast_in_dim3A_338 = vector.broadcast %broadcast_in_dim3A_337 : i32 to vector<16xi32>
        %add3A_339 = vector.broadcast %mul3A_239 : i32 to vector<16xi32>
        %add3A_340 = arith.addi %broadcast_in_dim3A_338, %add3A_339 : vector<16xi32>
        %gather3A_341 = tpu.vector_load_idx %arg7[%add3A_7, %add3A_340] : memref<256x128xf32, #tpu.memory_space<vmem>>[vector<16xi32>, vector<16xi32>], vector<16xf32>,
        %gather3A_342 = tpu.vector_load_idx %arg7[%add3A_11, %add3A_340] : memref<256x128xf32, #tpu.memory_space<vmem>>[vector<16xi32>, vector<16xi32>], vector<16xf32>,
        %gather3A_343 = tpu.vector_load_idx %arg7[%add3A_15, %add3A_340] : memref<256x128xf32, #tpu.memory_space<vmem>>[vector<16xi32>, vector<16xi32>], vector<16xf32>,
        %gather3A_344 = tpu.vector_load_idx %arg7[%add3A_19, %add3A_340] : memref<256x128xf32, #tpu.memory_space<vmem>>[vector<16xi32>, vector<16xi32>], vector<16xf32>,
        %gather3A_345 = tpu.vector_load_idx %arg7[%add3A_23, %add3A_340] : memref<256x128xf32, #tpu.memory_space<vmem>>[vector<16xi32>, vector<16xi32>], vector<16xf32>,
        %gather3A_346 = tpu.vector_load_idx %arg7[%add3A_27, %add3A_340] : memref<256x128xf32, #tpu.memory_space<vmem>>[vector<16xi32>, vector<16xi32>], vector<16xf32>,
        %gather3A_347 = tpu.vector_load_idx %arg7[%add3A_31, %add3A_340] : memref<256x128xf32, #tpu.memory_space<vmem>>[vector<16xi32>, vector<16xi32>], vector<16xf32>,
        %gather3A_348 = tpu.vector_load_idx %arg7[%add3A_35, %add3A_340] : memref<256x128xf32, #tpu.memory_space<vmem>>[vector<16xi32>, vector<16xi32>], vector<16xf32>,
        %gather3A_349 = tpu.vector_load_idx %arg7[%add3A_39, %add3A_340] : memref<256x128xf32, #tpu.memory_space<vmem>>[vector<16xi32>, vector<16xi32>], vector<16xf32>,
        %gather3A_350 = tpu.vector_load_idx %arg7[%add3A_43, %add3A_340] : memref<256x128xf32, #tpu.memory_space<vmem>>[vector<16xi32>, vector<16xi32>], vector<16xf32>,
        %gather3A_351 = tpu.vector_load_idx %arg7[%add3A_47, %add3A_340] : memref<256x128xf32, #tpu.memory_space<vmem>>[vector<16xi32>, vector<16xi32>], vector<16xf32>,
        %gather3A_352 = tpu.vector_load_idx %arg7[%add3A_51, %add3A_340] : memref<256x128xf32, #tpu.memory_space<vmem>>[vector<16xi32>, vector<16xi32>], vector<16xf32>,
        %gather3A_353 = tpu.vector_load_idx %arg7[%add3A_55, %add3A_340] : memref<256x128xf32, #tpu.memory_space<vmem>>[vector<16xi32>, vector<16xi32>], vector<16xf32>,
        %gather3A_354 = tpu.vector_load_idx %arg7[%add3A_59, %add3A_340] : memref<256x128xf32, #tpu.memory_space<vmem>>[vector<16xi32>, vector<16xi32>], vector<16xf32>,
        %gather3A_355 = tpu.vector_load_idx %arg7[%add3A_63, %add3A_340] : memref<256x128xf32, #tpu.memory_space<vmem>>[vector<16xi32>, vector<16xi32>], vector<16xf32>,
        %gather3A_356 = tpu.vector_load_idx %arg7[%add3A_67, %add3A_340] : memref<256x128xf32, #tpu.memory_space<vmem>>[vector<16xi32>, vector<16xi32>], vector<16xf32>,
        %add3A_357 = arith.constant 1 : i32
        %add3A_358 = arith.addi %mul3A_239, %add3A_357 : i32
        %swap3A_359 = arith.index_cast %add3A_358 : i32 to index
        %swap3A_360 = arith.constant 0 : index
        %swap3A_361 = tpu.vector_load %arg9[%swap3A_359, %swap3A_360] {strides = array<i32>} : memref<64x256xf32, #tpu.memory_space<vmem>>, vector<16xf32>,
        tpu.vector_store %arg9[%swap3A_359, %swap3A_360], %gather3A_341 {strides = array<i32>} : memref<64x256xf32, #tpu.memory_space<vmem>>, vector<16xf32>,
        %add3A_362 = arith.constant 1 : i32
        %add3A_363 = arith.addi %mul3A_239, %add3A_362 : i32
        %swap3A_364 = arith.index_cast %add3A_363 : i32 to index
        %swap3A_365 = arith.constant 16 : index
        %swap3A_366 = tpu.vector_load %arg9[%swap3A_364, %swap3A_365] {strides = array<i32>} : memref<64x256xf32, #tpu.memory_space<vmem>>, vector<16xf32>,
        tpu.vector_store %arg9[%swap3A_364, %swap3A_365], %gather3A_342 {strides = array<i32>} : memref<64x256xf32, #tpu.memory_space<vmem>>, vector<16xf32>,
        %add3A_367 = arith.constant 1 : i32
        %add3A_368 = arith.addi %mul3A_239, %add3A_367 : i32
        %swap3A_369 = arith.index_cast %add3A_368 : i32 to index
        %swap3A_370 = arith.constant 32 : index
        %swap3A_371 = tpu.vector_load %arg9[%swap3A_369, %swap3A_370] {strides = array<i32>} : memref<64x256xf32, #tpu.memory_space<vmem>>, vector<16xf32>,
        tpu.vector_store %arg9[%swap3A_369, %swap3A_370], %gather3A_343 {strides = array<i32>} : memref<64x256xf32, #tpu.memory_space<vmem>>, vector<16xf32>,
        %add3A_372 = arith.constant 1 : i32
        %add3A_373 = arith.addi %mul3A_239, %add3A_372 : i32
        %swap3A_374 = arith.index_cast %add3A_373 : i32 to index
        %swap3A_375 = arith.constant 48 : index
        %swap3A_376 = tpu.vector_load %arg9[%swap3A_374, %swap3A_375] {strides = array<i32>} : memref<64x256xf32, #tpu.memory_space<vmem>>, vector<16xf32>,
        tpu.vector_store %arg9[%swap3A_374, %swap3A_375], %gather3A_344 {strides = array<i32>} : memref<64x256xf32, #tpu.memory_space<vmem>>, vector<16xf32>,
        %add3A_377 = arith.constant 1 : i32
        %add3A_378 = arith.addi %mul3A_239, %add3A_377 : i32
        %swap3A_379 = arith.index_cast %add3A_378 : i32 to index
        %swap3A_380 = arith.constant 64 : index
        %swap3A_381 = tpu.vector_load %arg9[%swap3A_379, %swap3A_380] {strides = array<i32>} : memref<64x256xf32, #tpu.memory_space<vmem>>, vector<16xf32>,
        tpu.vector_store %arg9[%swap3A_379, %swap3A_380], %gather3A_345 {strides = array<i32>} : memref<64x256xf32, #tpu.memory_space<vmem>>, vector<16xf32>,
        %add3A_382 = arith.constant 1 : i32
        %add3A_383 = arith.addi %mul3A_239, %add3A_382 : i32
        %swap3A_384 = arith.index_cast %add3A_383 : i32 to index
        %swap3A_385 = arith.constant 80 : index
        %swap3A_386 = tpu.vector_load %arg9[%swap3A_384, %swap3A_385] {strides = array<i32>} : memref<64x256xf32, #tpu.memory_space<vmem>>, vector<16xf32>,
        tpu.vector_store %arg9[%swap3A_384, %swap3A_385], %gather3A_346 {strides = array<i32>} : memref<64x256xf32, #tpu.memory_space<vmem>>, vector<16xf32>,
        %add3A_387 = arith.constant 1 : i32
        %add3A_388 = arith.addi %mul3A_239, %add3A_387 : i32
        %swap3A_389 = arith.index_cast %add3A_388 : i32 to index
        %swap3A_390 = arith.constant 96 : index
        %swap3A_391 = tpu.vector_load %arg9[%swap3A_389, %swap3A_390] {strides = array<i32>} : memref<64x256xf32, #tpu.memory_space<vmem>>, vector<16xf32>,
        tpu.vector_store %arg9[%swap3A_389, %swap3A_390], %gather3A_347 {strides = array<i32>} : memref<64x256xf32, #tpu.memory_space<vmem>>, vector<16xf32>,
        %add3A_392 = arith.constant 1 : i32
        %add3A_393 = arith.addi %mul3A_239, %add3A_392 : i32
        %swap3A_394 = arith.index_cast %add3A_393 : i32 to index
        %swap3A_395 = arith.constant 112 : index
        %swap3A_396 = tpu.vector_load %arg9[%swap3A_394, %swap3A_395] {strides = array<i32>} : memref<64x256xf32, #tpu.memory_space<vmem>>, vector<16xf32>,
        tpu.vector_store %arg9[%swap3A_394, %swap3A_395], %gather3A_348 {strides = array<i32>} : memref<64x256xf32, #tpu.memory_space<vmem>>, vector<16xf32>,
        %add3A_397 = arith.constant 1 : i32
        %add3A_398 = arith.addi %mul3A_239, %add3A_397 : i32
        %swap3A_399 = arith.index_cast %add3A_398 : i32 to index
        %swap3A_400 = arith.constant 128 : index
        %swap3A_401 = tpu.vector_load %arg9[%swap3A_399, %swap3A_400] {strides = array<i32>} : memref<64x256xf32, #tpu.memory_space<vmem>>, vector<16xf32>,
        tpu.vector_store %arg9[%swap3A_399, %swap3A_400], %gather3A_349 {strides = array<i32>} : memref<64x256xf32, #tpu.memory_space<vmem>>, vector<16xf32>,
        %add3A_402 = arith.constant 1 : i32
        %add3A_403 = arith.addi %mul3A_239, %add3A_402 : i32
        %swap3A_404 = arith.index_cast %add3A_403 : i32 to index
        %swap3A_405 = arith.constant 144 : index
        %swap3A_406 = tpu.vector_load %arg9[%swap3A_404, %swap3A_405] {strides = array<i32>} : memref<64x256xf32, #tpu.memory_space<vmem>>, vector<16xf32>,
        tpu.vector_store %arg9[%swap3A_404, %swap3A_405], %gather3A_350 {strides = array<i32>} : memref<64x256xf32, #tpu.memory_space<vmem>>, vector<16xf32>,
        %add3A_407 = arith.constant 1 : i32
        %add3A_408 = arith.addi %mul3A_239, %add3A_407 : i32
        %swap3A_409 = arith.index_cast %add3A_408 : i32 to index
        %swap3A_410 = arith.constant 160 : index
        %swap3A_411 = tpu.vector_load %arg9[%swap3A_409, %swap3A_410] {strides = array<i32>} : memref<64x256xf32, #tpu.memory_space<vmem>>, vector<16xf32>,
        tpu.vector_store %arg9[%swap3A_409, %swap3A_410], %gather3A_351 {strides = array<i32>} : memref<64x256xf32, #tpu.memory_space<vmem>>, vector<16xf32>,
        %add3A_412 = arith.constant 1 : i32
        %add3A_413 = arith.addi %mul3A_239, %add3A_412 : i32
        %swap3A_414 = arith.index_cast %add3A_413 : i32 to index
        %swap3A_415 = arith.constant 176 : index
        %swap3A_416 = tpu.vector_load %arg9[%swap3A_414, %swap3A_415] {strides = array<i32>} : memref<64x256xf32, #tpu.memory_space<vmem>>, vector<16xf32>,
        tpu.vector_store %arg9[%swap3A_414, %swap3A_415], %gather3A_352 {strides = array<i32>} : memref<64x256xf32, #tpu.memory_space<vmem>>, vector<16xf32>,
        %add3A_417 = arith.constant 1 : i32
        %add3A_418 = arith.addi %mul3A_239, %add3A_417 : i32
        %swap3A_419 = arith.index_cast %add3A_418 : i32 to index
        %swap3A_420 = arith.constant 192 : index
        %swap3A_421 = tpu.vector_load %arg9[%swap3A_419, %swap3A_420] {strides = array<i32>} : memref<64x256xf32, #tpu.memory_space<vmem>>, vector<16xf32>,
        tpu.vector_store %arg9[%swap3A_419, %swap3A_420], %gather3A_353 {strides = array<i32>} : memref<64x256xf32, #tpu.memory_space<vmem>>, vector<16xf32>,
        %add3A_422 = arith.constant 1 : i32
        %add3A_423 = arith.addi %mul3A_239, %add3A_422 : i32
        %swap3A_424 = arith.index_cast %add3A_423 : i32 to index
        %swap3A_425 = arith.constant 208 : index
        %swap3A_426 = tpu.vector_load %arg9[%swap3A_424, %swap3A_425] {strides = array<i32>} : memref<64x256xf32, #tpu.memory_space<vmem>>, vector<16xf32>,
        tpu.vector_store %arg9[%swap3A_424, %swap3A_425], %gather3A_354 {strides = array<i32>} : memref<64x256xf32, #tpu.memory_space<vmem>>, vector<16xf32>,
        %add3A_427 = arith.constant 1 : i32
        %add3A_428 = arith.addi %mul3A_239, %add3A_427 : i32
        %swap3A_429 = arith.index_cast %add3A_428 : i32 to index
        %swap3A_430 = arith.constant 224 : index
        %swap3A_431 = tpu.vector_load %arg9[%swap3A_429, %swap3A_430] {strides = array<i32>} : memref<64x256xf32, #tpu.memory_space<vmem>>, vector<16xf32>,
        tpu.vector_store %arg9[%swap3A_429, %swap3A_430], %gather3A_355 {strides = array<i32>} : memref<64x256xf32, #tpu.memory_space<vmem>>, vector<16xf32>,
        %add3A_432 = arith.constant 1 : i32
        %add3A_433 = arith.addi %mul3A_239, %add3A_432 : i32
        %swap3A_434 = arith.index_cast %add3A_433 : i32 to index
        %swap3A_435 = arith.constant 240 : index
        %swap3A_436 = tpu.vector_load %arg9[%swap3A_434, %swap3A_435] {strides = array<i32>} : memref<64x256xf32, #tpu.memory_space<vmem>>, vector<16xf32>,
        tpu.vector_store %arg9[%swap3A_434, %swap3A_435], %gather3A_356 {strides = array<i32>} : memref<64x256xf32, #tpu.memory_space<vmem>>, vector<16xf32>,
        %broadcast_in_dim3A_437 = arith.constant 2 : i32
        %broadcast_in_dim3A_438 = vector.broadcast %broadcast_in_dim3A_437 : i32 to vector<16xi32>
        %add3A_439 = vector.broadcast %mul3A_239 : i32 to vector<16xi32>
        %add3A_440 = arith.addi %broadcast_in_dim3A_438, %add3A_439 : vector<16xi32>
        %gather3A_441 = tpu.vector_load_idx %arg7[%add3A_7, %add3A_440] : memref<256x128xf32, #tpu.memory_space<vmem>>[vector<16xi32>, vector<16xi32>], vector<16xf32>,
        %gather3A_442 = tpu.vector_load_idx %arg7[%add3A_11, %add3A_440] : memref<256x128xf32, #tpu.memory_space<vmem>>[vector<16xi32>, vector<16xi32>], vector<16xf32>,
        %gather3A_443 = tpu.vector_load_idx %arg7[%add3A_15, %add3A_440] : memref<256x128xf32, #tpu.memory_space<vmem>>[vector<16xi32>, vector<16xi32>], vector<16xf32>,
        %gather3A_444 = tpu.vector_load_idx %arg7[%add3A_19, %add3A_440] : memref<256x128xf32, #tpu.memory_space<vmem>>[vector<16xi32>, vector<16xi32>], vector<16xf32>,
        %gather3A_445 = tpu.vector_load_idx %arg7[%add3A_23, %add3A_440] : memref<256x128xf32, #tpu.memory_space<vmem>>[vector<16xi32>, vector<16xi32>], vector<16xf32>,
        %gather3A_446 = tpu.vector_load_idx %arg7[%add3A_27, %add3A_440] : memref<256x128xf32, #tpu.memory_space<vmem>>[vector<16xi32>, vector<16xi32>], vector<16xf32>,
        %gather3A_447 = tpu.vector_load_idx %arg7[%add3A_31, %add3A_440] : memref<256x128xf32, #tpu.memory_space<vmem>>[vector<16xi32>, vector<16xi32>], vector<16xf32>,
        %gather3A_448 = tpu.vector_load_idx %arg7[%add3A_35, %add3A_440] : memref<256x128xf32, #tpu.memory_space<vmem>>[vector<16xi32>, vector<16xi32>], vector<16xf32>,
        %gather3A_449 = tpu.vector_load_idx %arg7[%add3A_39, %add3A_440] : memref<256x128xf32, #tpu.memory_space<vmem>>[vector<16xi32>, vector<16xi32>], vector<16xf32>,
        %gather3A_450 = tpu.vector_load_idx %arg7[%add3A_43, %add3A_440] : memref<256x128xf32, #tpu.memory_space<vmem>>[vector<16xi32>, vector<16xi32>], vector<16xf32>,
        %gather3A_451 = tpu.vector_load_idx %arg7[%add3A_47, %add3A_440] : memref<256x128xf32, #tpu.memory_space<vmem>>[vector<16xi32>, vector<16xi32>], vector<16xf32>,
        %gather3A_452 = tpu.vector_load_idx %arg7[%add3A_51, %add3A_440] : memref<256x128xf32, #tpu.memory_space<vmem>>[vector<16xi32>, vector<16xi32>], vector<16xf32>,
        %gather3A_453 = tpu.vector_load_idx %arg7[%add3A_55, %add3A_440] : memref<256x128xf32, #tpu.memory_space<vmem>>[vector<16xi32>, vector<16xi32>], vector<16xf32>,
        %gather3A_454 = tpu.vector_load_idx %arg7[%add3A_59, %add3A_440] : memref<256x128xf32, #tpu.memory_space<vmem>>[vector<16xi32>, vector<16xi32>], vector<16xf32>,
        %gather3A_455 = tpu.vector_load_idx %arg7[%add3A_63, %add3A_440] : memref<256x128xf32, #tpu.memory_space<vmem>>[vector<16xi32>, vector<16xi32>], vector<16xf32>,
        %gather3A_456 = tpu.vector_load_idx %arg7[%add3A_67, %add3A_440] : memref<256x128xf32, #tpu.memory_space<vmem>>[vector<16xi32>, vector<16xi32>], vector<16xf32>,
        %add3A_457 = arith.constant 2 : i32
        %add3A_458 = arith.addi %mul3A_239, %add3A_457 : i32
        %swap3A_459 = arith.index_cast %add3A_458 : i32 to index
        %swap3A_460 = arith.constant 0 : index
        %swap3A_461 = tpu.vector_load %arg9[%swap3A_459, %swap3A_460] {strides = array<i32>} : memref<64x256xf32, #tpu.memory_space<vmem>>, vector<16xf32>,
        tpu.vector_store %arg9[%swap3A_459, %swap3A_460], %gather3A_441 {strides = array<i32>} : memref<64x256xf32, #tpu.memory_space<vmem>>, vector<16xf32>,
        %add3A_462 = arith.constant 2 : i32
        %add3A_463 = arith.addi %mul3A_239, %add3A_462 : i32
        %swap3A_464 = arith.index_cast %add3A_463 : i32 to index
        %swap3A_465 = arith.constant 16 : index
        %swap3A_466 = tpu.vector_load %arg9[%swap3A_464, %swap3A_465] {strides = array<i32>} : memref<64x256xf32, #tpu.memory_space<vmem>>, vector<16xf32>,
        tpu.vector_store %arg9[%swap3A_464, %swap3A_465], %gather3A_442 {strides = array<i32>} : memref<64x256xf32, #tpu.memory_space<vmem>>, vector<16xf32>,
        %add3A_467 = arith.constant 2 : i32
        %add3A_468 = arith.addi %mul3A_239, %add3A_467 : i32
        %swap3A_469 = arith.index_cast %add3A_468 : i32 to index
        %swap3A_470 = arith.constant 32 : index
        %swap3A_471 = tpu.vector_load %arg9[%swap3A_469, %swap3A_470] {strides = array<i32>} : memref<64x256xf32, #tpu.memory_space<vmem>>, vector<16xf32>,
        tpu.vector_store %arg9[%swap3A_469, %swap3A_470], %gather3A_443 {strides = array<i32>} : memref<64x256xf32, #tpu.memory_space<vmem>>, vector<16xf32>,
        %add3A_472 = arith.constant 2 : i32
        %add3A_473 = arith.addi %mul3A_239, %add3A_472 : i32
        %swap3A_474 = arith.index_cast %add3A_473 : i32 to index
        %swap3A_475 = arith.constant 48 : index
        %swap3A_476 = tpu.vector_load %arg9[%swap3A_474, %swap3A_475] {strides = array<i32>} : memref<64x256xf32, #tpu.memory_space<vmem>>, vector<16xf32>,
        tpu.vector_store %arg9[%swap3A_474, %swap3A_475], %gather3A_444 {strides = array<i32>} : memref<64x256xf32, #tpu.memory_space<vmem>>, vector<16xf32>,
        %add3A_477 = arith.constant 2 : i32
        %add3A_478 = arith.addi %mul3A_239, %add3A_477 : i32
        %swap3A_479 = arith.index_cast %add3A_478 : i32 to index
        %swap3A_480 = arith.constant 64 : index
        %swap3A_481 = tpu.vector_load %arg9[%swap3A_479, %swap3A_480] {strides = array<i32>} : memref<64x256xf32, #tpu.memory_space<vmem>>, vector<16xf32>,
        tpu.vector_store %arg9[%swap3A_479, %swap3A_480], %gather3A_445 {strides = array<i32>} : memref<64x256xf32, #tpu.memory_space<vmem>>, vector<16xf32>,
        %add3A_482 = arith.constant 2 : i32
        %add3A_483 = arith.addi %mul3A_239, %add3A_482 : i32
        %swap3A_484 = arith.index_cast %add3A_483 : i32 to index
        %swap3A_485 = arith.constant 80 : index
        %swap3A_486 = tpu.vector_load %arg9[%swap3A_484, %swap3A_485] {strides = array<i32>} : memref<64x256xf32, #tpu.memory_space<vmem>>, vector<16xf32>,
        tpu.vector_store %arg9[%swap3A_484, %swap3A_485], %gather3A_446 {strides = array<i32>} : memref<64x256xf32, #tpu.memory_space<vmem>>, vector<16xf32>,
        %add3A_487 = arith.constant 2 : i32
        %add3A_488 = arith.addi %mul3A_239, %add3A_487 : i32
        %swap3A_489 = arith.index_cast %add3A_488 : i32 to index
        %swap3A_490 = arith.constant 96 : index
        %swap3A_491 = tpu.vector_load %arg9[%swap3A_489, %swap3A_490] {strides = array<i32>} : memref<64x256xf32, #tpu.memory_space<vmem>>, vector<16xf32>,
        tpu.vector_store %arg9[%swap3A_489, %swap3A_490], %gather3A_447 {strides = array<i32>} : memref<64x256xf32, #tpu.memory_space<vmem>>, vector<16xf32>,
        %add3A_492 = arith.constant 2 : i32
        %add3A_493 = arith.addi %mul3A_239, %add3A_492 : i32
        %swap3A_494 = arith.index_cast %add3A_493 : i32 to index
        %swap3A_495 = arith.constant 112 : index
        %swap3A_496 = tpu.vector_load %arg9[%swap3A_494, %swap3A_495] {strides = array<i32>} : memref<64x256xf32, #tpu.memory_space<vmem>>, vector<16xf32>,
        tpu.vector_store %arg9[%swap3A_494, %swap3A_495], %gather3A_448 {strides = array<i32>} : memref<64x256xf32, #tpu.memory_space<vmem>>, vector<16xf32>,
        %add3A_497 = arith.constant 2 : i32
        %add3A_498 = arith.addi %mul3A_239, %add3A_497 : i32
        %swap3A_499 = arith.index_cast %add3A_498 : i32 to index
        %swap3A_500 = arith.constant 128 : index
        %swap3A_501 = tpu.vector_load %arg9[%swap3A_499, %swap3A_500] {strides = array<i32>} : memref<64x256xf32, #tpu.memory_space<vmem>>, vector<16xf32>,
        tpu.vector_store %arg9[%swap3A_499, %swap3A_500], %gather3A_449 {strides = array<i32>} : memref<64x256xf32, #tpu.memory_space<vmem>>, vector<16xf32>,
        %add3A_502 = arith.constant 2 : i32
        %add3A_503 = arith.addi %mul3A_239, %add3A_502 : i32
        %swap3A_504 = arith.index_cast %add3A_503 : i32 to index
        %swap3A_505 = arith.constant 144 : index
        %swap3A_506 = tpu.vector_load %arg9[%swap3A_504, %swap3A_505] {strides = array<i32>} : memref<64x256xf32, #tpu.memory_space<vmem>>, vector<16xf32>,
        tpu.vector_store %arg9[%swap3A_504, %swap3A_505], %gather3A_450 {strides = array<i32>} : memref<64x256xf32, #tpu.memory_space<vmem>>, vector<16xf32>,
        %add3A_507 = arith.constant 2 : i32
        %add3A_508 = arith.addi %mul3A_239, %add3A_507 : i32
        %swap3A_509 = arith.index_cast %add3A_508 : i32 to index
        %swap3A_510 = arith.constant 160 : index
        %swap3A_511 = tpu.vector_load %arg9[%swap3A_509, %swap3A_510] {strides = array<i32>} : memref<64x256xf32, #tpu.memory_space<vmem>>, vector<16xf32>,
        tpu.vector_store %arg9[%swap3A_509, %swap3A_510], %gather3A_451 {strides = array<i32>} : memref<64x256xf32, #tpu.memory_space<vmem>>, vector<16xf32>,
        %add3A_512 = arith.constant 2 : i32
        %add3A_513 = arith.addi %mul3A_239, %add3A_512 : i32
        %swap3A_514 = arith.index_cast %add3A_513 : i32 to index
        %swap3A_515 = arith.constant 176 : index
        %swap3A_516 = tpu.vector_load %arg9[%swap3A_514, %swap3A_515] {strides = array<i32>} : memref<64x256xf32, #tpu.memory_space<vmem>>, vector<16xf32>,
        tpu.vector_store %arg9[%swap3A_514, %swap3A_515], %gather3A_452 {strides = array<i32>} : memref<64x256xf32, #tpu.memory_space<vmem>>, vector<16xf32>,
        %add3A_517 = arith.constant 2 : i32
        %add3A_518 = arith.addi %mul3A_239, %add3A_517 : i32
        %swap3A_519 = arith.index_cast %add3A_518 : i32 to index
        %swap3A_520 = arith.constant 192 : index
        %swap3A_521 = tpu.vector_load %arg9[%swap3A_519, %swap3A_520] {strides = array<i32>} : memref<64x256xf32, #tpu.memory_space<vmem>>, vector<16xf32>,
        tpu.vector_store %arg9[%swap3A_519, %swap3A_520], %gather3A_453 {strides = array<i32>} : memref<64x256xf32, #tpu.memory_space<vmem>>, vector<16xf32>,
        %add3A_522 = arith.constant 2 : i32
        %add3A_523 = arith.addi %mul3A_239, %add3A_522 : i32
        %swap3A_524 = arith.index_cast %add3A_523 : i32 to index
        %swap3A_525 = arith.constant 208 : index
        %swap3A_526 = tpu.vector_load %arg9[%swap3A_524, %swap3A_525] {strides = array<i32>} : memref<64x256xf32, #tpu.memory_space<vmem>>, vector<16xf32>,
        tpu.vector_store %arg9[%swap3A_524, %swap3A_525], %gather3A_454 {strides = array<i32>} : memref<64x256xf32, #tpu.memory_space<vmem>>, vector<16xf32>,
        %add3A_527 = arith.constant 2 : i32
        %add3A_528 = arith.addi %mul3A_239, %add3A_527 : i32
        %swap3A_529 = arith.index_cast %add3A_528 : i32 to index
        %swap3A_530 = arith.constant 224 : index
        %swap3A_531 = tpu.vector_load %arg9[%swap3A_529, %swap3A_530] {strides = array<i32>} : memref<64x256xf32, #tpu.memory_space<vmem>>, vector<16xf32>,
        tpu.vector_store %arg9[%swap3A_529, %swap3A_530], %gather3A_455 {strides = array<i32>} : memref<64x256xf32, #tpu.memory_space<vmem>>, vector<16xf32>,
        %add3A_532 = arith.constant 2 : i32
        %add3A_533 = arith.addi %mul3A_239, %add3A_532 : i32
        %swap3A_534 = arith.index_cast %add3A_533 : i32 to index
        %swap3A_535 = arith.constant 240 : index
        %swap3A_536 = tpu.vector_load %arg9[%swap3A_534, %swap3A_535] {strides = array<i32>} : memref<64x256xf32, #tpu.memory_space<vmem>>, vector<16xf32>,
        tpu.vector_store %arg9[%swap3A_534, %swap3A_535], %gather3A_456 {strides = array<i32>} : memref<64x256xf32, #tpu.memory_space<vmem>>, vector<16xf32>,
        %broadcast_in_dim3A_537 = arith.constant 3 : i32
        %broadcast_in_dim3A_538 = vector.broadcast %broadcast_in_dim3A_537 : i32 to vector<16xi32>
        %add3A_539 = vector.broadcast %mul3A_239 : i32 to vector<16xi32>
        %add3A_540 = arith.addi %broadcast_in_dim3A_538, %add3A_539 : vector<16xi32>
        %gather3A_541 = tpu.vector_load_idx %arg7[%add3A_7, %add3A_540] : memref<256x128xf32, #tpu.memory_space<vmem>>[vector<16xi32>, vector<16xi32>], vector<16xf32>,
        %gather3A_542 = tpu.vector_load_idx %arg7[%add3A_11, %add3A_540] : memref<256x128xf32, #tpu.memory_space<vmem>>[vector<16xi32>, vector<16xi32>], vector<16xf32>,
        %gather3A_543 = tpu.vector_load_idx %arg7[%add3A_15, %add3A_540] : memref<256x128xf32, #tpu.memory_space<vmem>>[vector<16xi32>, vector<16xi32>], vector<16xf32>,
        %gather3A_544 = tpu.vector_load_idx %arg7[%add3A_19, %add3A_540] : memref<256x128xf32, #tpu.memory_space<vmem>>[vector<16xi32>, vector<16xi32>], vector<16xf32>,
        %gather3A_545 = tpu.vector_load_idx %arg7[%add3A_23, %add3A_540] : memref<256x128xf32, #tpu.memory_space<vmem>>[vector<16xi32>, vector<16xi32>], vector<16xf32>,
        %gather3A_546 = tpu.vector_load_idx %arg7[%add3A_27, %add3A_540] : memref<256x128xf32, #tpu.memory_space<vmem>>[vector<16xi32>, vector<16xi32>], vector<16xf32>,
        %gather3A_547 = tpu.vector_load_idx %arg7[%add3A_31, %add3A_540] : memref<256x128xf32, #tpu.memory_space<vmem>>[vector<16xi32>, vector<16xi32>], vector<16xf32>,
        %gather3A_548 = tpu.vector_load_idx %arg7[%add3A_35, %add3A_540] : memref<256x128xf32, #tpu.memory_space<vmem>>[vector<16xi32>, vector<16xi32>], vector<16xf32>,
        %gather3A_549 = tpu.vector_load_idx %arg7[%add3A_39, %add3A_540] : memref<256x128xf32, #tpu.memory_space<vmem>>[vector<16xi32>, vector<16xi32>], vector<16xf32>,
        %gather3A_550 = tpu.vector_load_idx %arg7[%add3A_43, %add3A_540] : memref<256x128xf32, #tpu.memory_space<vmem>>[vector<16xi32>, vector<16xi32>], vector<16xf32>,
        %gather3A_551 = tpu.vector_load_idx %arg7[%add3A_47, %add3A_540] : memref<256x128xf32, #tpu.memory_space<vmem>>[vector<16xi32>, vector<16xi32>], vector<16xf32>,
        %gather3A_552 = tpu.vector_load_idx %arg7[%add3A_51, %add3A_540] : memref<256x128xf32, #tpu.memory_space<vmem>>[vector<16xi32>, vector<16xi32>], vector<16xf32>,
        %gather3A_553 = tpu.vector_load_idx %arg7[%add3A_55, %add3A_540] : memref<256x128xf32, #tpu.memory_space<vmem>>[vector<16xi32>, vector<16xi32>], vector<16xf32>,
        %gather3A_554 = tpu.vector_load_idx %arg7[%add3A_59, %add3A_540] : memref<256x128xf32, #tpu.memory_space<vmem>>[vector<16xi32>, vector<16xi32>], vector<16xf32>,
        %gather3A_555 = tpu.vector_load_idx %arg7[%add3A_63, %add3A_540] : memref<256x128xf32, #tpu.memory_space<vmem>>[vector<16xi32>, vector<16xi32>], vector<16xf32>,
        %gather3A_556 = tpu.vector_load_idx %arg7[%add3A_67, %add3A_540] : memref<256x128xf32, #tpu.memory_space<vmem>>[vector<16xi32>, vector<16xi32>], vector<16xf32>,
        %add3A_557 = arith.constant 3 : i32
        %add3A_558 = arith.addi %mul3A_239, %add3A_557 : i32
        %swap3A_559 = arith.index_cast %add3A_558 : i32 to index
        %swap3A_560 = arith.constant 0 : index
        %swap3A_561 = tpu.vector_load %arg9[%swap3A_559, %swap3A_560] {strides = array<i32>} : memref<64x256xf32, #tpu.memory_space<vmem>>, vector<16xf32>,
        tpu.vector_store %arg9[%swap3A_559, %swap3A_560], %gather3A_541 {strides = array<i32>} : memref<64x256xf32, #tpu.memory_space<vmem>>, vector<16xf32>,
        %add3A_562 = arith.constant 3 : i32
        %add3A_563 = arith.addi %mul3A_239, %add3A_562 : i32
        %swap3A_564 = arith.index_cast %add3A_563 : i32 to index
        %swap3A_565 = arith.constant 16 : index
        %swap3A_566 = tpu.vector_load %arg9[%swap3A_564, %swap3A_565] {strides = array<i32>} : memref<64x256xf32, #tpu.memory_space<vmem>>, vector<16xf32>,
        tpu.vector_store %arg9[%swap3A_564, %swap3A_565], %gather3A_542 {strides = array<i32>} : memref<64x256xf32, #tpu.memory_space<vmem>>, vector<16xf32>,
        %add3A_567 = arith.constant 3 : i32
        %add3A_568 = arith.addi %mul3A_239, %add3A_567 : i32
        %swap3A_569 = arith.index_cast %add3A_568 : i32 to index
        %swap3A_570 = arith.constant 32 : index
        %swap3A_571 = tpu.vector_load %arg9[%swap3A_569, %swap3A_570] {strides = array<i32>} : memref<64x256xf32, #tpu.memory_space<vmem>>, vector<16xf32>,
        tpu.vector_store %arg9[%swap3A_569, %swap3A_570], %gather3A_543 {strides = array<i32>} : memref<64x256xf32, #tpu.memory_space<vmem>>, vector<16xf32>,
        %add3A_572 = arith.constant 3 : i32
        %add3A_573 = arith.addi %mul3A_239, %add3A_572 : i32
        %swap3A_574 = arith.index_cast %add3A_573 : i32 to index
        %swap3A_575 = arith.constant 48 : index
        %swap3A_576 = tpu.vector_load %arg9[%swap3A_574, %swap3A_575] {strides = array<i32>} : memref<64x256xf32, #tpu.memory_space<vmem>>, vector<16xf32>,
        tpu.vector_store %arg9[%swap3A_574, %swap3A_575], %gather3A_544 {strides = array<i32>} : memref<64x256xf32, #tpu.memory_space<vmem>>, vector<16xf32>,
        %add3A_577 = arith.constant 3 : i32
        %add3A_578 = arith.addi %mul3A_239, %add3A_577 : i32
        %swap3A_579 = arith.index_cast %add3A_578 : i32 to index
        %swap3A_580 = arith.constant 64 : index
        %swap3A_581 = tpu.vector_load %arg9[%swap3A_579, %swap3A_580] {strides = array<i32>} : memref<64x256xf32, #tpu.memory_space<vmem>>, vector<16xf32>,
        tpu.vector_store %arg9[%swap3A_579, %swap3A_580], %gather3A_545 {strides = array<i32>} : memref<64x256xf32, #tpu.memory_space<vmem>>, vector<16xf32>,
        %add3A_582 = arith.constant 3 : i32
        %add3A_583 = arith.addi %mul3A_239, %add3A_582 : i32
        %swap3A_584 = arith.index_cast %add3A_583 : i32 to index
        %swap3A_585 = arith.constant 80 : index
        %swap3A_586 = tpu.vector_load %arg9[%swap3A_584, %swap3A_585] {strides = array<i32>} : memref<64x256xf32, #tpu.memory_space<vmem>>, vector<16xf32>,
        tpu.vector_store %arg9[%swap3A_584, %swap3A_585], %gather3A_546 {strides = array<i32>} : memref<64x256xf32, #tpu.memory_space<vmem>>, vector<16xf32>,
        %add3A_587 = arith.constant 3 : i32
        %add3A_588 = arith.addi %mul3A_239, %add3A_587 : i32
        %swap3A_589 = arith.index_cast %add3A_588 : i32 to index
        %swap3A_590 = arith.constant 96 : index
        %swap3A_591 = tpu.vector_load %arg9[%swap3A_589, %swap3A_590] {strides = array<i32>} : memref<64x256xf32, #tpu.memory_space<vmem>>, vector<16xf32>,
        tpu.vector_store %arg9[%swap3A_589, %swap3A_590], %gather3A_547 {strides = array<i32>} : memref<64x256xf32, #tpu.memory_space<vmem>>, vector<16xf32>,
        %add3A_592 = arith.constant 3 : i32
        %add3A_593 = arith.addi %mul3A_239, %add3A_592 : i32
        %swap3A_594 = arith.index_cast %add3A_593 : i32 to index
        %swap3A_595 = arith.constant 112 : index
        %swap3A_596 = tpu.vector_load %arg9[%swap3A_594, %swap3A_595] {strides = array<i32>} : memref<64x256xf32, #tpu.memory_space<vmem>>, vector<16xf32>,
        tpu.vector_store %arg9[%swap3A_594, %swap3A_595], %gather3A_548 {strides = array<i32>} : memref<64x256xf32, #tpu.memory_space<vmem>>, vector<16xf32>,
        %add3A_597 = arith.constant 3 : i32
        %add3A_598 = arith.addi %mul3A_239, %add3A_597 : i32
        %swap3A_599 = arith.index_cast %add3A_598 : i32 to index
        %swap3A_600 = arith.constant 128 : index
        %swap3A_601 = tpu.vector_load %arg9[%swap3A_599, %swap3A_600] {strides = array<i32>} : memref<64x256xf32, #tpu.memory_space<vmem>>, vector<16xf32>,
        tpu.vector_store %arg9[%swap3A_599, %swap3A_600], %gather3A_549 {strides = array<i32>} : memref<64x256xf32, #tpu.memory_space<vmem>>, vector<16xf32>,
        %add3A_602 = arith.constant 3 : i32
        %add3A_603 = arith.addi %mul3A_239, %add3A_602 : i32
        %swap3A_604 = arith.index_cast %add3A_603 : i32 to index
        %swap3A_605 = arith.constant 144 : index
        %swap3A_606 = tpu.vector_load %arg9[%swap3A_604, %swap3A_605] {strides = array<i32>} : memref<64x256xf32, #tpu.memory_space<vmem>>, vector<16xf32>,
        tpu.vector_store %arg9[%swap3A_604, %swap3A_605], %gather3A_550 {strides = array<i32>} : memref<64x256xf32, #tpu.memory_space<vmem>>, vector<16xf32>,
        %add3A_607 = arith.constant 3 : i32
        %add3A_608 = arith.addi %mul3A_239, %add3A_607 : i32
        %swap3A_609 = arith.index_cast %add3A_608 : i32 to index
        %swap3A_610 = arith.constant 160 : index
        %swap3A_611 = tpu.vector_load %arg9[%swap3A_609, %swap3A_610] {strides = array<i32>} : memref<64x256xf32, #tpu.memory_space<vmem>>, vector<16xf32>,
        tpu.vector_store %arg9[%swap3A_609, %swap3A_610], %gather3A_551 {strides = array<i32>} : memref<64x256xf32, #tpu.memory_space<vmem>>, vector<16xf32>,
        %add3A_612 = arith.constant 3 : i32
        %add3A_613 = arith.addi %mul3A_239, %add3A_612 : i32
        %swap3A_614 = arith.index_cast %add3A_613 : i32 to index
        %swap3A_615 = arith.constant 176 : index
        %swap3A_616 = tpu.vector_load %arg9[%swap3A_614, %swap3A_615] {strides = array<i32>} : memref<64x256xf32, #tpu.memory_space<vmem>>, vector<16xf32>,
        tpu.vector_store %arg9[%swap3A_614, %swap3A_615], %gather3A_552 {strides = array<i32>} : memref<64x256xf32, #tpu.memory_space<vmem>>, vector<16xf32>,
        %add3A_617 = arith.constant 3 : i32
        %add3A_618 = arith.addi %mul3A_239, %add3A_617 : i32
        %swap3A_619 = arith.index_cast %add3A_618 : i32 to index
        %swap3A_620 = arith.constant 192 : index
        %swap3A_621 = tpu.vector_load %arg9[%swap3A_619, %swap3A_620] {strides = array<i32>} : memref<64x256xf32, #tpu.memory_space<vmem>>, vector<16xf32>,
        tpu.vector_store %arg9[%swap3A_619, %swap3A_620], %gather3A_553 {strides = array<i32>} : memref<64x256xf32, #tpu.memory_space<vmem>>, vector<16xf32>,
        %add3A_622 = arith.constant 3 : i32
        %add3A_623 = arith.addi %mul3A_239, %add3A_622 : i32
        %swap3A_624 = arith.index_cast %add3A_623 : i32 to index
        %swap3A_625 = arith.constant 208 : index
        %swap3A_626 = tpu.vector_load %arg9[%swap3A_624, %swap3A_625] {strides = array<i32>} : memref<64x256xf32, #tpu.memory_space<vmem>>, vector<16xf32>,
        tpu.vector_store %arg9[%swap3A_624, %swap3A_625], %gather3A_554 {strides = array<i32>} : memref<64x256xf32, #tpu.memory_space<vmem>>, vector<16xf32>,
        %add3A_627 = arith.constant 3 : i32
        %add3A_628 = arith.addi %mul3A_239, %add3A_627 : i32
        %swap3A_629 = arith.index_cast %add3A_628 : i32 to index
        %swap3A_630 = arith.constant 224 : index
        %swap3A_631 = tpu.vector_load %arg9[%swap3A_629, %swap3A_630] {strides = array<i32>} : memref<64x256xf32, #tpu.memory_space<vmem>>, vector<16xf32>,
        tpu.vector_store %arg9[%swap3A_629, %swap3A_630], %gather3A_555 {strides = array<i32>} : memref<64x256xf32, #tpu.memory_space<vmem>>, vector<16xf32>,
        %add3A_632 = arith.constant 3 : i32
        %add3A_633 = arith.addi %mul3A_239, %add3A_632 : i32
        %swap3A_634 = arith.index_cast %add3A_633 : i32 to index
        %swap3A_635 = arith.constant 240 : index
        %swap3A_636 = tpu.vector_load %arg9[%swap3A_634, %swap3A_635] {strides = array<i32>} : memref<64x256xf32, #tpu.memory_space<vmem>>, vector<16xf32>,
        tpu.vector_store %arg9[%swap3A_634, %swap3A_635], %gather3A_556 {strides = array<i32>} : memref<64x256xf32, #tpu.memory_space<vmem>>, vector<16xf32>,
        %broadcast_in_dim3A_637 = arith.constant 4 : i32
        %broadcast_in_dim3A_638 = vector.broadcast %broadcast_in_dim3A_637 : i32 to vector<16xi32>
        %add3A_639 = vector.broadcast %mul3A_239 : i32 to vector<16xi32>
        %add3A_640 = arith.addi %broadcast_in_dim3A_638, %add3A_639 : vector<16xi32>
        %gather3A_641 = tpu.vector_load_idx %arg7[%add3A_7, %add3A_640] : memref<256x128xf32, #tpu.memory_space<vmem>>[vector<16xi32>, vector<16xi32>], vector<16xf32>,
        %gather3A_642 = tpu.vector_load_idx %arg7[%add3A_11, %add3A_640] : memref<256x128xf32, #tpu.memory_space<vmem>>[vector<16xi32>, vector<16xi32>], vector<16xf32>,
        %gather3A_643 = tpu.vector_load_idx %arg7[%add3A_15, %add3A_640] : memref<256x128xf32, #tpu.memory_space<vmem>>[vector<16xi32>, vector<16xi32>], vector<16xf32>,
        %gather3A_644 = tpu.vector_load_idx %arg7[%add3A_19, %add3A_640] : memref<256x128xf32, #tpu.memory_space<vmem>>[vector<16xi32>, vector<16xi32>], vector<16xf32>,
        %gather3A_645 = tpu.vector_load_idx %arg7[%add3A_23, %add3A_640] : memref<256x128xf32, #tpu.memory_space<vmem>>[vector<16xi32>, vector<16xi32>], vector<16xf32>,
        %gather3A_646 = tpu.vector_load_idx %arg7[%add3A_27, %add3A_640] : memref<256x128xf32, #tpu.memory_space<vmem>>[vector<16xi32>, vector<16xi32>], vector<16xf32>,
        %gather3A_647 = tpu.vector_load_idx %arg7[%add3A_31, %add3A_640] : memref<256x128xf32, #tpu.memory_space<vmem>>[vector<16xi32>, vector<16xi32>], vector<16xf32>,
        %gather3A_648 = tpu.vector_load_idx %arg7[%add3A_35, %add3A_640] : memref<256x128xf32, #tpu.memory_space<vmem>>[vector<16xi32>, vector<16xi32>], vector<16xf32>,
        %gather3A_649 = tpu.vector_load_idx %arg7[%add3A_39, %add3A_640] : memref<256x128xf32, #tpu.memory_space<vmem>>[vector<16xi32>, vector<16xi32>], vector<16xf32>,
        %gather3A_650 = tpu.vector_load_idx %arg7[%add3A_43, %add3A_640] : memref<256x128xf32, #tpu.memory_space<vmem>>[vector<16xi32>, vector<16xi32>], vector<16xf32>,
        %gather3A_651 = tpu.vector_load_idx %arg7[%add3A_47, %add3A_640] : memref<256x128xf32, #tpu.memory_space<vmem>>[vector<16xi32>, vector<16xi32>], vector<16xf32>,
        %gather3A_652 = tpu.vector_load_idx %arg7[%add3A_51, %add3A_640] : memref<256x128xf32, #tpu.memory_space<vmem>>[vector<16xi32>, vector<16xi32>], vector<16xf32>,
        %gather3A_653 = tpu.vector_load_idx %arg7[%add3A_55, %add3A_640] : memref<256x128xf32, #tpu.memory_space<vmem>>[vector<16xi32>, vector<16xi32>], vector<16xf32>,
        %gather3A_654 = tpu.vector_load_idx %arg7[%add3A_59, %add3A_640] : memref<256x128xf32, #tpu.memory_space<vmem>>[vector<16xi32>, vector<16xi32>], vector<16xf32>,
        %gather3A_655 = tpu.vector_load_idx %arg7[%add3A_63, %add3A_640] : memref<256x128xf32, #tpu.memory_space<vmem>>[vector<16xi32>, vector<16xi32>], vector<16xf32>,
        %gather3A_656 = tpu.vector_load_idx %arg7[%add3A_67, %add3A_640] : memref<256x128xf32, #tpu.memory_space<vmem>>[vector<16xi32>, vector<16xi32>], vector<16xf32>,
        %add3A_657 = arith.constant 4 : i32
        %add3A_658 = arith.addi %mul3A_239, %add3A_657 : i32
        %swap3A_659 = arith.index_cast %add3A_658 : i32 to index
        %swap3A_660 = arith.constant 0 : index
        %swap3A_661 = tpu.vector_load %arg9[%swap3A_659, %swap3A_660] {strides = array<i32>} : memref<64x256xf32, #tpu.memory_space<vmem>>, vector<16xf32>,
        tpu.vector_store %arg9[%swap3A_659, %swap3A_660], %gather3A_641 {strides = array<i32>} : memref<64x256xf32, #tpu.memory_space<vmem>>, vector<16xf32>,
        %add3A_662 = arith.constant 4 : i32
        %add3A_663 = arith.addi %mul3A_239, %add3A_662 : i32
        %swap3A_664 = arith.index_cast %add3A_663 : i32 to index
        %swap3A_665 = arith.constant 16 : index
        %swap3A_666 = tpu.vector_load %arg9[%swap3A_664, %swap3A_665] {strides = array<i32>} : memref<64x256xf32, #tpu.memory_space<vmem>>, vector<16xf32>,
        tpu.vector_store %arg9[%swap3A_664, %swap3A_665], %gather3A_642 {strides = array<i32>} : memref<64x256xf32, #tpu.memory_space<vmem>>, vector<16xf32>,
        %add3A_667 = arith.constant 4 : i32
        %add3A_668 = arith.addi %mul3A_239, %add3A_667 : i32
        %swap3A_669 = arith.index_cast %add3A_668 : i32 to index
        %swap3A_670 = arith.constant 32 : index
        %swap3A_671 = tpu.vector_load %arg9[%swap3A_669, %swap3A_670] {strides = array<i32>} : memref<64x256xf32, #tpu.memory_space<vmem>>, vector<16xf32>,
        tpu.vector_store %arg9[%swap3A_669, %swap3A_670], %gather3A_643 {strides = array<i32>} : memref<64x256xf32, #tpu.memory_space<vmem>>, vector<16xf32>,
        %add3A_672 = arith.constant 4 : i32
        %add3A_673 = arith.addi %mul3A_239, %add3A_672 : i32
        %swap3A_674 = arith.index_cast %add3A_673 : i32 to index
        %swap3A_675 = arith.constant 48 : index
        %swap3A_676 = tpu.vector_load %arg9[%swap3A_674, %swap3A_675] {strides = array<i32>} : memref<64x256xf32, #tpu.memory_space<vmem>>, vector<16xf32>,
        tpu.vector_store %arg9[%swap3A_674, %swap3A_675], %gather3A_644 {strides = array<i32>} : memref<64x256xf32, #tpu.memory_space<vmem>>, vector<16xf32>,
        %add3A_677 = arith.constant 4 : i32
        %add3A_678 = arith.addi %mul3A_239, %add3A_677 : i32
        %swap3A_679 = arith.index_cast %add3A_678 : i32 to index
        %swap3A_680 = arith.constant 64 : index
        %swap3A_681 = tpu.vector_load %arg9[%swap3A_679, %swap3A_680] {strides = array<i32>} : memref<64x256xf32, #tpu.memory_space<vmem>>, vector<16xf32>,
        tpu.vector_store %arg9[%swap3A_679, %swap3A_680], %gather3A_645 {strides = array<i32>} : memref<64x256xf32, #tpu.memory_space<vmem>>, vector<16xf32>,
        %add3A_682 = arith.constant 4 : i32
        %add3A_683 = arith.addi %mul3A_239, %add3A_682 : i32
        %swap3A_684 = arith.index_cast %add3A_683 : i32 to index
        %swap3A_685 = arith.constant 80 : index
        %swap3A_686 = tpu.vector_load %arg9[%swap3A_684, %swap3A_685] {strides = array<i32>} : memref<64x256xf32, #tpu.memory_space<vmem>>, vector<16xf32>,
        tpu.vector_store %arg9[%swap3A_684, %swap3A_685], %gather3A_646 {strides = array<i32>} : memref<64x256xf32, #tpu.memory_space<vmem>>, vector<16xf32>,
        %add3A_687 = arith.constant 4 : i32
        %add3A_688 = arith.addi %mul3A_239, %add3A_687 : i32
        %swap3A_689 = arith.index_cast %add3A_688 : i32 to index
        %swap3A_690 = arith.constant 96 : index
        %swap3A_691 = tpu.vector_load %arg9[%swap3A_689, %swap3A_690] {strides = array<i32>} : memref<64x256xf32, #tpu.memory_space<vmem>>, vector<16xf32>,
        tpu.vector_store %arg9[%swap3A_689, %swap3A_690], %gather3A_647 {strides = array<i32>} : memref<64x256xf32, #tpu.memory_space<vmem>>, vector<16xf32>,
        %add3A_692 = arith.constant 4 : i32
        %add3A_693 = arith.addi %mul3A_239, %add3A_692 : i32
        %swap3A_694 = arith.index_cast %add3A_693 : i32 to index
        %swap3A_695 = arith.constant 112 : index
        %swap3A_696 = tpu.vector_load %arg9[%swap3A_694, %swap3A_695] {strides = array<i32>} : memref<64x256xf32, #tpu.memory_space<vmem>>, vector<16xf32>,
        tpu.vector_store %arg9[%swap3A_694, %swap3A_695], %gather3A_648 {strides = array<i32>} : memref<64x256xf32, #tpu.memory_space<vmem>>, vector<16xf32>,
        %add3A_697 = arith.constant 4 : i32
        %add3A_698 = arith.addi %mul3A_239, %add3A_697 : i32
        %swap3A_699 = arith.index_cast %add3A_698 : i32 to index
        %swap3A_700 = arith.constant 128 : index
        %swap3A_701 = tpu.vector_load %arg9[%swap3A_699, %swap3A_700] {strides = array<i32>} : memref<64x256xf32, #tpu.memory_space<vmem>>, vector<16xf32>,
        tpu.vector_store %arg9[%swap3A_699, %swap3A_700], %gather3A_649 {strides = array<i32>} : memref<64x256xf32, #tpu.memory_space<vmem>>, vector<16xf32>,
        %add3A_702 = arith.constant 4 : i32
        %add3A_703 = arith.addi %mul3A_239, %add3A_702 : i32
        %swap3A_704 = arith.index_cast %add3A_703 : i32 to index
        %swap3A_705 = arith.constant 144 : index
        %swap3A_706 = tpu.vector_load %arg9[%swap3A_704, %swap3A_705] {strides = array<i32>} : memref<64x256xf32, #tpu.memory_space<vmem>>, vector<16xf32>,
        tpu.vector_store %arg9[%swap3A_704, %swap3A_705], %gather3A_650 {strides = array<i32>} : memref<64x256xf32, #tpu.memory_space<vmem>>, vector<16xf32>,
        %add3A_707 = arith.constant 4 : i32
        %add3A_708 = arith.addi %mul3A_239, %add3A_707 : i32
        %swap3A_709 = arith.index_cast %add3A_708 : i32 to index
        %swap3A_710 = arith.constant 160 : index
        %swap3A_711 = tpu.vector_load %arg9[%swap3A_709, %swap3A_710] {strides = array<i32>} : memref<64x256xf32, #tpu.memory_space<vmem>>, vector<16xf32>,
        tpu.vector_store %arg9[%swap3A_709, %swap3A_710], %gather3A_651 {strides = array<i32>} : memref<64x256xf32, #tpu.memory_space<vmem>>, vector<16xf32>,
        %add3A_712 = arith.constant 4 : i32
        %add3A_713 = arith.addi %mul3A_239, %add3A_712 : i32
        %swap3A_714 = arith.index_cast %add3A_713 : i32 to index
        %swap3A_715 = arith.constant 176 : index
        %swap3A_716 = tpu.vector_load %arg9[%swap3A_714, %swap3A_715] {strides = array<i32>} : memref<64x256xf32, #tpu.memory_space<vmem>>, vector<16xf32>,
        tpu.vector_store %arg9[%swap3A_714, %swap3A_715], %gather3A_652 {strides = array<i32>} : memref<64x256xf32, #tpu.memory_space<vmem>>, vector<16xf32>,
        %add3A_717 = arith.constant 4 : i32
        %add3A_718 = arith.addi %mul3A_239, %add3A_717 : i32
        %swap3A_719 = arith.index_cast %add3A_718 : i32 to index
        %swap3A_720 = arith.constant 192 : index
        %swap3A_721 = tpu.vector_load %arg9[%swap3A_719, %swap3A_720] {strides = array<i32>} : memref<64x256xf32, #tpu.memory_space<vmem>>, vector<16xf32>,
        tpu.vector_store %arg9[%swap3A_719, %swap3A_720], %gather3A_653 {strides = array<i32>} : memref<64x256xf32, #tpu.memory_space<vmem>>, vector<16xf32>,
        %add3A_722 = arith.constant 4 : i32
        %add3A_723 = arith.addi %mul3A_239, %add3A_722 : i32
        %swap3A_724 = arith.index_cast %add3A_723 : i32 to index
        %swap3A_725 = arith.constant 208 : index
        %swap3A_726 = tpu.vector_load %arg9[%swap3A_724, %swap3A_725] {strides = array<i32>} : memref<64x256xf32, #tpu.memory_space<vmem>>, vector<16xf32>,
        tpu.vector_store %arg9[%swap3A_724, %swap3A_725], %gather3A_654 {strides = array<i32>} : memref<64x256xf32, #tpu.memory_space<vmem>>, vector<16xf32>,
        %add3A_727 = arith.constant 4 : i32
        %add3A_728 = arith.addi %mul3A_239, %add3A_727 : i32
        %swap3A_729 = arith.index_cast %add3A_728 : i32 to index
        %swap3A_730 = arith.constant 224 : index
        %swap3A_731 = tpu.vector_load %arg9[%swap3A_729, %swap3A_730] {strides = array<i32>} : memref<64x256xf32, #tpu.memory_space<vmem>>, vector<16xf32>,
        tpu.vector_store %arg9[%swap3A_729, %swap3A_730], %gather3A_655 {strides = array<i32>} : memref<64x256xf32, #tpu.memory_space<vmem>>, vector<16xf32>,
        %add3A_732 = arith.constant 4 : i32
        %add3A_733 = arith.addi %mul3A_239, %add3A_732 : i32
        %swap3A_734 = arith.index_cast %add3A_733 : i32 to index
        %swap3A_735 = arith.constant 240 : index
        %swap3A_736 = tpu.vector_load %arg9[%swap3A_734, %swap3A_735] {strides = array<i32>} : memref<64x256xf32, #tpu.memory_space<vmem>>, vector<16xf32>,
        tpu.vector_store %arg9[%swap3A_734, %swap3A_735], %gather3A_656 {strides = array<i32>} : memref<64x256xf32, #tpu.memory_space<vmem>>, vector<16xf32>,
        %broadcast_in_dim3A_737 = arith.constant 5 : i32
        %broadcast_in_dim3A_738 = vector.broadcast %broadcast_in_dim3A_737 : i32 to vector<16xi32>
        %add3A_739 = vector.broadcast %mul3A_239 : i32 to vector<16xi32>
        %add3A_740 = arith.addi %broadcast_in_dim3A_738, %add3A_739 : vector<16xi32>
        %gather3A_741 = tpu.vector_load_idx %arg7[%add3A_7, %add3A_740] : memref<256x128xf32, #tpu.memory_space<vmem>>[vector<16xi32>, vector<16xi32>], vector<16xf32>,
        %gather3A_742 = tpu.vector_load_idx %arg7[%add3A_11, %add3A_740] : memref<256x128xf32, #tpu.memory_space<vmem>>[vector<16xi32>, vector<16xi32>], vector<16xf32>,
        %gather3A_743 = tpu.vector_load_idx %arg7[%add3A_15, %add3A_740] : memref<256x128xf32, #tpu.memory_space<vmem>>[vector<16xi32>, vector<16xi32>], vector<16xf32>,
        %gather3A_744 = tpu.vector_load_idx %arg7[%add3A_19, %add3A_740] : memref<256x128xf32, #tpu.memory_space<vmem>>[vector<16xi32>, vector<16xi32>], vector<16xf32>,
        %gather3A_745 = tpu.vector_load_idx %arg7[%add3A_23, %add3A_740] : memref<256x128xf32, #tpu.memory_space<vmem>>[vector<16xi32>, vector<16xi32>], vector<16xf32>,
        %gather3A_746 = tpu.vector_load_idx %arg7[%add3A_27, %add3A_740] : memref<256x128xf32, #tpu.memory_space<vmem>>[vector<16xi32>, vector<16xi32>], vector<16xf32>,
        %gather3A_747 = tpu.vector_load_idx %arg7[%add3A_31, %add3A_740] : memref<256x128xf32, #tpu.memory_space<vmem>>[vector<16xi32>, vector<16xi32>], vector<16xf32>,
        %gather3A_748 = tpu.vector_load_idx %arg7[%add3A_35, %add3A_740] : memref<256x128xf32, #tpu.memory_space<vmem>>[vector<16xi32>, vector<16xi32>], vector<16xf32>,
        %gather3A_749 = tpu.vector_load_idx %arg7[%add3A_39, %add3A_740] : memref<256x128xf32, #tpu.memory_space<vmem>>[vector<16xi32>, vector<16xi32>], vector<16xf32>,
        %gather3A_750 = tpu.vector_load_idx %arg7[%add3A_43, %add3A_740] : memref<256x128xf32, #tpu.memory_space<vmem>>[vector<16xi32>, vector<16xi32>], vector<16xf32>,
        %gather3A_751 = tpu.vector_load_idx %arg7[%add3A_47, %add3A_740] : memref<256x128xf32, #tpu.memory_space<vmem>>[vector<16xi32>, vector<16xi32>], vector<16xf32>,
        %gather3A_752 = tpu.vector_load_idx %arg7[%add3A_51, %add3A_740] : memref<256x128xf32, #tpu.memory_space<vmem>>[vector<16xi32>, vector<16xi32>], vector<16xf32>,
        %gather3A_753 = tpu.vector_load_idx %arg7[%add3A_55, %add3A_740] : memref<256x128xf32, #tpu.memory_space<vmem>>[vector<16xi32>, vector<16xi32>], vector<16xf32>,
        %gather3A_754 = tpu.vector_load_idx %arg7[%add3A_59, %add3A_740] : memref<256x128xf32, #tpu.memory_space<vmem>>[vector<16xi32>, vector<16xi32>], vector<16xf32>,
        %gather3A_755 = tpu.vector_load_idx %arg7[%add3A_63, %add3A_740] : memref<256x128xf32, #tpu.memory_space<vmem>>[vector<16xi32>, vector<16xi32>], vector<16xf32>,
        %gather3A_756 = tpu.vector_load_idx %arg7[%add3A_67, %add3A_740] : memref<256x128xf32, #tpu.memory_space<vmem>>[vector<16xi32>, vector<16xi32>], vector<16xf32>,
        %add3A_757 = arith.constant 5 : i32
        %add3A_758 = arith.addi %mul3A_239, %add3A_757 : i32
        %swap3A_759 = arith.index_cast %add3A_758 : i32 to index
        %swap3A_760 = arith.constant 0 : index
        %swap3A_761 = tpu.vector_load %arg9[%swap3A_759, %swap3A_760] {strides = array<i32>} : memref<64x256xf32, #tpu.memory_space<vmem>>, vector<16xf32>,
        tpu.vector_store %arg9[%swap3A_759, %swap3A_760], %gather3A_741 {strides = array<i32>} : memref<64x256xf32, #tpu.memory_space<vmem>>, vector<16xf32>,
        %add3A_762 = arith.constant 5 : i32
        %add3A_763 = arith.addi %mul3A_239, %add3A_762 : i32
        %swap3A_764 = arith.index_cast %add3A_763 : i32 to index
        %swap3A_765 = arith.constant 16 : index
        %swap3A_766 = tpu.vector_load %arg9[%swap3A_764, %swap3A_765] {strides = array<i32>} : memref<64x256xf32, #tpu.memory_space<vmem>>, vector<16xf32>,
        tpu.vector_store %arg9[%swap3A_764, %swap3A_765], %gather3A_742 {strides = array<i32>} : memref<64x256xf32, #tpu.memory_space<vmem>>, vector<16xf32>,
        %add3A_767 = arith.constant 5 : i32
        %add3A_768 = arith.addi %mul3A_239, %add3A_767 : i32
        %swap3A_769 = arith.index_cast %add3A_768 : i32 to index
        %swap3A_770 = arith.constant 32 : index
        %swap3A_771 = tpu.vector_load %arg9[%swap3A_769, %swap3A_770] {strides = array<i32>} : memref<64x256xf32, #tpu.memory_space<vmem>>, vector<16xf32>,
        tpu.vector_store %arg9[%swap3A_769, %swap3A_770], %gather3A_743 {strides = array<i32>} : memref<64x256xf32, #tpu.memory_space<vmem>>, vector<16xf32>,
        %add3A_772 = arith.constant 5 : i32
        %add3A_773 = arith.addi %mul3A_239, %add3A_772 : i32
        %swap3A_774 = arith.index_cast %add3A_773 : i32 to index
        %swap3A_775 = arith.constant 48 : index
        %swap3A_776 = tpu.vector_load %arg9[%swap3A_774, %swap3A_775] {strides = array<i32>} : memref<64x256xf32, #tpu.memory_space<vmem>>, vector<16xf32>,
        tpu.vector_store %arg9[%swap3A_774, %swap3A_775], %gather3A_744 {strides = array<i32>} : memref<64x256xf32, #tpu.memory_space<vmem>>, vector<16xf32>,
        %add3A_777 = arith.constant 5 : i32
        %add3A_778 = arith.addi %mul3A_239, %add3A_777 : i32
        %swap3A_779 = arith.index_cast %add3A_778 : i32 to index
        %swap3A_780 = arith.constant 64 : index
        %swap3A_781 = tpu.vector_load %arg9[%swap3A_779, %swap3A_780] {strides = array<i32>} : memref<64x256xf32, #tpu.memory_space<vmem>>, vector<16xf32>,
        tpu.vector_store %arg9[%swap3A_779, %swap3A_780], %gather3A_745 {strides = array<i32>} : memref<64x256xf32, #tpu.memory_space<vmem>>, vector<16xf32>,
        %add3A_782 = arith.constant 5 : i32
        %add3A_783 = arith.addi %mul3A_239, %add3A_782 : i32
        %swap3A_784 = arith.index_cast %add3A_783 : i32 to index
        %swap3A_785 = arith.constant 80 : index
        %swap3A_786 = tpu.vector_load %arg9[%swap3A_784, %swap3A_785] {strides = array<i32>} : memref<64x256xf32, #tpu.memory_space<vmem>>, vector<16xf32>,
        tpu.vector_store %arg9[%swap3A_784, %swap3A_785], %gather3A_746 {strides = array<i32>} : memref<64x256xf32, #tpu.memory_space<vmem>>, vector<16xf32>,
        %add3A_787 = arith.constant 5 : i32
        %add3A_788 = arith.addi %mul3A_239, %add3A_787 : i32
        %swap3A_789 = arith.index_cast %add3A_788 : i32 to index
        %swap3A_790 = arith.constant 96 : index
        %swap3A_791 = tpu.vector_load %arg9[%swap3A_789, %swap3A_790] {strides = array<i32>} : memref<64x256xf32, #tpu.memory_space<vmem>>, vector<16xf32>,
        tpu.vector_store %arg9[%swap3A_789, %swap3A_790], %gather3A_747 {strides = array<i32>} : memref<64x256xf32, #tpu.memory_space<vmem>>, vector<16xf32>,
        %add3A_792 = arith.constant 5 : i32
        %add3A_793 = arith.addi %mul3A_239, %add3A_792 : i32
        %swap3A_794 = arith.index_cast %add3A_793 : i32 to index
        %swap3A_795 = arith.constant 112 : index
        %swap3A_796 = tpu.vector_load %arg9[%swap3A_794, %swap3A_795] {strides = array<i32>} : memref<64x256xf32, #tpu.memory_space<vmem>>, vector<16xf32>,
        tpu.vector_store %arg9[%swap3A_794, %swap3A_795], %gather3A_748 {strides = array<i32>} : memref<64x256xf32, #tpu.memory_space<vmem>>, vector<16xf32>,
        %add3A_797 = arith.constant 5 : i32
        %add3A_798 = arith.addi %mul3A_239, %add3A_797 : i32
        %swap3A_799 = arith.index_cast %add3A_798 : i32 to index
        %swap3A_800 = arith.constant 128 : index
        %swap3A_801 = tpu.vector_load %arg9[%swap3A_799, %swap3A_800] {strides = array<i32>} : memref<64x256xf32, #tpu.memory_space<vmem>>, vector<16xf32>,
        tpu.vector_store %arg9[%swap3A_799, %swap3A_800], %gather3A_749 {strides = array<i32>} : memref<64x256xf32, #tpu.memory_space<vmem>>, vector<16xf32>,
        %add3A_802 = arith.constant 5 : i32
        %add3A_803 = arith.addi %mul3A_239, %add3A_802 : i32
        %swap3A_804 = arith.index_cast %add3A_803 : i32 to index
        %swap3A_805 = arith.constant 144 : index
        %swap3A_806 = tpu.vector_load %arg9[%swap3A_804, %swap3A_805] {strides = array<i32>} : memref<64x256xf32, #tpu.memory_space<vmem>>, vector<16xf32>,
        tpu.vector_store %arg9[%swap3A_804, %swap3A_805], %gather3A_750 {strides = array<i32>} : memref<64x256xf32, #tpu.memory_space<vmem>>, vector<16xf32>,
        %add3A_807 = arith.constant 5 : i32
        %add3A_808 = arith.addi %mul3A_239, %add3A_807 : i32
        %swap3A_809 = arith.index_cast %add3A_808 : i32 to index
        %swap3A_810 = arith.constant 160 : index
        %swap3A_811 = tpu.vector_load %arg9[%swap3A_809, %swap3A_810] {strides = array<i32>} : memref<64x256xf32, #tpu.memory_space<vmem>>, vector<16xf32>,
        tpu.vector_store %arg9[%swap3A_809, %swap3A_810], %gather3A_751 {strides = array<i32>} : memref<64x256xf32, #tpu.memory_space<vmem>>, vector<16xf32>,
        %add3A_812 = arith.constant 5 : i32
        %add3A_813 = arith.addi %mul3A_239, %add3A_812 : i32
        %swap3A_814 = arith.index_cast %add3A_813 : i32 to index
        %swap3A_815 = arith.constant 176 : index
        %swap3A_816 = tpu.vector_load %arg9[%swap3A_814, %swap3A_815] {strides = array<i32>} : memref<64x256xf32, #tpu.memory_space<vmem>>, vector<16xf32>,
        tpu.vector_store %arg9[%swap3A_814, %swap3A_815], %gather3A_752 {strides = array<i32>} : memref<64x256xf32, #tpu.memory_space<vmem>>, vector<16xf32>,
        %add3A_817 = arith.constant 5 : i32
        %add3A_818 = arith.addi %mul3A_239, %add3A_817 : i32
        %swap3A_819 = arith.index_cast %add3A_818 : i32 to index
        %swap3A_820 = arith.constant 192 : index
        %swap3A_821 = tpu.vector_load %arg9[%swap3A_819, %swap3A_820] {strides = array<i32>} : memref<64x256xf32, #tpu.memory_space<vmem>>, vector<16xf32>,
        tpu.vector_store %arg9[%swap3A_819, %swap3A_820], %gather3A_753 {strides = array<i32>} : memref<64x256xf32, #tpu.memory_space<vmem>>, vector<16xf32>,
        %add3A_822 = arith.constant 5 : i32
        %add3A_823 = arith.addi %mul3A_239, %add3A_822 : i32
        %swap3A_824 = arith.index_cast %add3A_823 : i32 to index
        %swap3A_825 = arith.constant 208 : index
        %swap3A_826 = tpu.vector_load %arg9[%swap3A_824, %swap3A_825] {strides = array<i32>} : memref<64x256xf32, #tpu.memory_space<vmem>>, vector<16xf32>,
        tpu.vector_store %arg9[%swap3A_824, %swap3A_825], %gather3A_754 {strides = array<i32>} : memref<64x256xf32, #tpu.memory_space<vmem>>, vector<16xf32>,
        %add3A_827 = arith.constant 5 : i32
        %add3A_828 = arith.addi %mul3A_239, %add3A_827 : i32
        %swap3A_829 = arith.index_cast %add3A_828 : i32 to index
        %swap3A_830 = arith.constant 224 : index
        %swap3A_831 = tpu.vector_load %arg9[%swap3A_829, %swap3A_830] {strides = array<i32>} : memref<64x256xf32, #tpu.memory_space<vmem>>, vector<16xf32>,
        tpu.vector_store %arg9[%swap3A_829, %swap3A_830], %gather3A_755 {strides = array<i32>} : memref<64x256xf32, #tpu.memory_space<vmem>>, vector<16xf32>,
        %add3A_832 = arith.constant 5 : i32
        %add3A_833 = arith.addi %mul3A_239, %add3A_832 : i32
        %swap3A_834 = arith.index_cast %add3A_833 : i32 to index
        %swap3A_835 = arith.constant 240 : index
        %swap3A_836 = tpu.vector_load %arg9[%swap3A_834, %swap3A_835] {strides = array<i32>} : memref<64x256xf32, #tpu.memory_space<vmem>>, vector<16xf32>,
        tpu.vector_store %arg9[%swap3A_834, %swap3A_835], %gather3A_756 {strides = array<i32>} : memref<64x256xf32, #tpu.memory_space<vmem>>, vector<16xf32>,
        %broadcast_in_dim3A_837 = arith.constant 6 : i32
        %broadcast_in_dim3A_838 = vector.broadcast %broadcast_in_dim3A_837 : i32 to vector<16xi32>
        %add3A_839 = vector.broadcast %mul3A_239 : i32 to vector<16xi32>
        %add3A_840 = arith.addi %broadcast_in_dim3A_838, %add3A_839 : vector<16xi32>
        %gather3A_841 = tpu.vector_load_idx %arg7[%add3A_7, %add3A_840] : memref<256x128xf32, #tpu.memory_space<vmem>>[vector<16xi32>, vector<16xi32>], vector<16xf32>,
        %gather3A_842 = tpu.vector_load_idx %arg7[%add3A_11, %add3A_840] : memref<256x128xf32, #tpu.memory_space<vmem>>[vector<16xi32>, vector<16xi32>], vector<16xf32>,
        %gather3A_843 = tpu.vector_load_idx %arg7[%add3A_15, %add3A_840] : memref<256x128xf32, #tpu.memory_space<vmem>>[vector<16xi32>, vector<16xi32>], vector<16xf32>,
        %gather3A_844 = tpu.vector_load_idx %arg7[%add3A_19, %add3A_840] : memref<256x128xf32, #tpu.memory_space<vmem>>[vector<16xi32>, vector<16xi32>], vector<16xf32>,
        %gather3A_845 = tpu.vector_load_idx %arg7[%add3A_23, %add3A_840] : memref<256x128xf32, #tpu.memory_space<vmem>>[vector<16xi32>, vector<16xi32>], vector<16xf32>,
        %gather3A_846 = tpu.vector_load_idx %arg7[%add3A_27, %add3A_840] : memref<256x128xf32, #tpu.memory_space<vmem>>[vector<16xi32>, vector<16xi32>], vector<16xf32>,
        %gather3A_847 = tpu.vector_load_idx %arg7[%add3A_31, %add3A_840] : memref<256x128xf32, #tpu.memory_space<vmem>>[vector<16xi32>, vector<16xi32>], vector<16xf32>,
        %gather3A_848 = tpu.vector_load_idx %arg7[%add3A_35, %add3A_840] : memref<256x128xf32, #tpu.memory_space<vmem>>[vector<16xi32>, vector<16xi32>], vector<16xf32>,
        %gather3A_849 = tpu.vector_load_idx %arg7[%add3A_39, %add3A_840] : memref<256x128xf32, #tpu.memory_space<vmem>>[vector<16xi32>, vector<16xi32>], vector<16xf32>,
        %gather3A_850 = tpu.vector_load_idx %arg7[%add3A_43, %add3A_840] : memref<256x128xf32, #tpu.memory_space<vmem>>[vector<16xi32>, vector<16xi32>], vector<16xf32>,
        %gather3A_851 = tpu.vector_load_idx %arg7[%add3A_47, %add3A_840] : memref<256x128xf32, #tpu.memory_space<vmem>>[vector<16xi32>, vector<16xi32>], vector<16xf32>,
        %gather3A_852 = tpu.vector_load_idx %arg7[%add3A_51, %add3A_840] : memref<256x128xf32, #tpu.memory_space<vmem>>[vector<16xi32>, vector<16xi32>], vector<16xf32>,
        %gather3A_853 = tpu.vector_load_idx %arg7[%add3A_55, %add3A_840] : memref<256x128xf32, #tpu.memory_space<vmem>>[vector<16xi32>, vector<16xi32>], vector<16xf32>,
        %gather3A_854 = tpu.vector_load_idx %arg7[%add3A_59, %add3A_840] : memref<256x128xf32, #tpu.memory_space<vmem>>[vector<16xi32>, vector<16xi32>], vector<16xf32>,
        %gather3A_855 = tpu.vector_load_idx %arg7[%add3A_63, %add3A_840] : memref<256x128xf32, #tpu.memory_space<vmem>>[vector<16xi32>, vector<16xi32>], vector<16xf32>,
        %gather3A_856 = tpu.vector_load_idx %arg7[%add3A_67, %add3A_840] : memref<256x128xf32, #tpu.memory_space<vmem>>[vector<16xi32>, vector<16xi32>], vector<16xf32>,
        %add3A_857 = arith.constant 6 : i32
        %add3A_858 = arith.addi %mul3A_239, %add3A_857 : i32
        %swap3A_859 = arith.index_cast %add3A_858 : i32 to index
        %swap3A_860 = arith.constant 0 : index
        %swap3A_861 = tpu.vector_load %arg9[%swap3A_859, %swap3A_860] {strides = array<i32>} : memref<64x256xf32, #tpu.memory_space<vmem>>, vector<16xf32>,
        tpu.vector_store %arg9[%swap3A_859, %swap3A_860], %gather3A_841 {strides = array<i32>} : memref<64x256xf32, #tpu.memory_space<vmem>>, vector<16xf32>,
        %add3A_862 = arith.constant 6 : i32
        %add3A_863 = arith.addi %mul3A_239, %add3A_862 : i32
        %swap3A_864 = arith.index_cast %add3A_863 : i32 to index
        %swap3A_865 = arith.constant 16 : index
        %swap3A_866 = tpu.vector_load %arg9[%swap3A_864, %swap3A_865] {strides = array<i32>} : memref<64x256xf32, #tpu.memory_space<vmem>>, vector<16xf32>,
        tpu.vector_store %arg9[%swap3A_864, %swap3A_865], %gather3A_842 {strides = array<i32>} : memref<64x256xf32, #tpu.memory_space<vmem>>, vector<16xf32>,
        %add3A_867 = arith.constant 6 : i32
        %add3A_868 = arith.addi %mul3A_239, %add3A_867 : i32
        %swap3A_869 = arith.index_cast %add3A_868 : i32 to index
        %swap3A_870 = arith.constant 32 : index
        %swap3A_871 = tpu.vector_load %arg9[%swap3A_869, %swap3A_870] {strides = array<i32>} : memref<64x256xf32, #tpu.memory_space<vmem>>, vector<16xf32>,
        tpu.vector_store %arg9[%swap3A_869, %swap3A_870], %gather3A_843 {strides = array<i32>} : memref<64x256xf32, #tpu.memory_space<vmem>>, vector<16xf32>,
        %add3A_872 = arith.constant 6 : i32
        %add3A_873 = arith.addi %mul3A_239, %add3A_872 : i32
        %swap3A_874 = arith.index_cast %add3A_873 : i32 to index
        %swap3A_875 = arith.constant 48 : index
        %swap3A_876 = tpu.vector_load %arg9[%swap3A_874, %swap3A_875] {strides = array<i32>} : memref<64x256xf32, #tpu.memory_space<vmem>>, vector<16xf32>,
        tpu.vector_store %arg9[%swap3A_874, %swap3A_875], %gather3A_844 {strides = array<i32>} : memref<64x256xf32, #tpu.memory_space<vmem>>, vector<16xf32>,
        %add3A_877 = arith.constant 6 : i32
        %add3A_878 = arith.addi %mul3A_239, %add3A_877 : i32
        %swap3A_879 = arith.index_cast %add3A_878 : i32 to index
        %swap3A_880 = arith.constant 64 : index
        %swap3A_881 = tpu.vector_load %arg9[%swap3A_879, %swap3A_880] {strides = array<i32>} : memref<64x256xf32, #tpu.memory_space<vmem>>, vector<16xf32>,
        tpu.vector_store %arg9[%swap3A_879, %swap3A_880], %gather3A_845 {strides = array<i32>} : memref<64x256xf32, #tpu.memory_space<vmem>>, vector<16xf32>,
        %add3A_882 = arith.constant 6 : i32
        %add3A_883 = arith.addi %mul3A_239, %add3A_882 : i32
        %swap3A_884 = arith.index_cast %add3A_883 : i32 to index
        %swap3A_885 = arith.constant 80 : index
        %swap3A_886 = tpu.vector_load %arg9[%swap3A_884, %swap3A_885] {strides = array<i32>} : memref<64x256xf32, #tpu.memory_space<vmem>>, vector<16xf32>,
        tpu.vector_store %arg9[%swap3A_884, %swap3A_885], %gather3A_846 {strides = array<i32>} : memref<64x256xf32, #tpu.memory_space<vmem>>, vector<16xf32>,
        %add3A_887 = arith.constant 6 : i32
        %add3A_888 = arith.addi %mul3A_239, %add3A_887 : i32
        %swap3A_889 = arith.index_cast %add3A_888 : i32 to index
        %swap3A_890 = arith.constant 96 : index
        %swap3A_891 = tpu.vector_load %arg9[%swap3A_889, %swap3A_890] {strides = array<i32>} : memref<64x256xf32, #tpu.memory_space<vmem>>, vector<16xf32>,
        tpu.vector_store %arg9[%swap3A_889, %swap3A_890], %gather3A_847 {strides = array<i32>} : memref<64x256xf32, #tpu.memory_space<vmem>>, vector<16xf32>,
        %add3A_892 = arith.constant 6 : i32
        %add3A_893 = arith.addi %mul3A_239, %add3A_892 : i32
        %swap3A_894 = arith.index_cast %add3A_893 : i32 to index
        %swap3A_895 = arith.constant 112 : index
        %swap3A_896 = tpu.vector_load %arg9[%swap3A_894, %swap3A_895] {strides = array<i32>} : memref<64x256xf32, #tpu.memory_space<vmem>>, vector<16xf32>,
        tpu.vector_store %arg9[%swap3A_894, %swap3A_895], %gather3A_848 {strides = array<i32>} : memref<64x256xf32, #tpu.memory_space<vmem>>, vector<16xf32>,
        %add3A_897 = arith.constant 6 : i32
        %add3A_898 = arith.addi %mul3A_239, %add3A_897 : i32
        %swap3A_899 = arith.index_cast %add3A_898 : i32 to index
        %swap3A_900 = arith.constant 128 : index
        %swap3A_901 = tpu.vector_load %arg9[%swap3A_899, %swap3A_900] {strides = array<i32>} : memref<64x256xf32, #tpu.memory_space<vmem>>, vector<16xf32>,
        tpu.vector_store %arg9[%swap3A_899, %swap3A_900], %gather3A_849 {strides = array<i32>} : memref<64x256xf32, #tpu.memory_space<vmem>>, vector<16xf32>,
        %add3A_902 = arith.constant 6 : i32
        %add3A_903 = arith.addi %mul3A_239, %add3A_902 : i32
        %swap3A_904 = arith.index_cast %add3A_903 : i32 to index
        %swap3A_905 = arith.constant 144 : index
        %swap3A_906 = tpu.vector_load %arg9[%swap3A_904, %swap3A_905] {strides = array<i32>} : memref<64x256xf32, #tpu.memory_space<vmem>>, vector<16xf32>,
        tpu.vector_store %arg9[%swap3A_904, %swap3A_905], %gather3A_850 {strides = array<i32>} : memref<64x256xf32, #tpu.memory_space<vmem>>, vector<16xf32>,
        %add3A_907 = arith.constant 6 : i32
        %add3A_908 = arith.addi %mul3A_239, %add3A_907 : i32
        %swap3A_909 = arith.index_cast %add3A_908 : i32 to index
        %swap3A_910 = arith.constant 160 : index
        %swap3A_911 = tpu.vector_load %arg9[%swap3A_909, %swap3A_910] {strides = array<i32>} : memref<64x256xf32, #tpu.memory_space<vmem>>, vector<16xf32>,
        tpu.vector_store %arg9[%swap3A_909, %swap3A_910], %gather3A_851 {strides = array<i32>} : memref<64x256xf32, #tpu.memory_space<vmem>>, vector<16xf32>,
        %add3A_912 = arith.constant 6 : i32
        %add3A_913 = arith.addi %mul3A_239, %add3A_912 : i32
        %swap3A_914 = arith.index_cast %add3A_913 : i32 to index
        %swap3A_915 = arith.constant 176 : index
        %swap3A_916 = tpu.vector_load %arg9[%swap3A_914, %swap3A_915] {strides = array<i32>} : memref<64x256xf32, #tpu.memory_space<vmem>>, vector<16xf32>,
        tpu.vector_store %arg9[%swap3A_914, %swap3A_915], %gather3A_852 {strides = array<i32>} : memref<64x256xf32, #tpu.memory_space<vmem>>, vector<16xf32>,
        %add3A_917 = arith.constant 6 : i32
        %add3A_918 = arith.addi %mul3A_239, %add3A_917 : i32
        %swap3A_919 = arith.index_cast %add3A_918 : i32 to index
        %swap3A_920 = arith.constant 192 : index
        %swap3A_921 = tpu.vector_load %arg9[%swap3A_919, %swap3A_920] {strides = array<i32>} : memref<64x256xf32, #tpu.memory_space<vmem>>, vector<16xf32>,
        tpu.vector_store %arg9[%swap3A_919, %swap3A_920], %gather3A_853 {strides = array<i32>} : memref<64x256xf32, #tpu.memory_space<vmem>>, vector<16xf32>,
        %add3A_922 = arith.constant 6 : i32
        %add3A_923 = arith.addi %mul3A_239, %add3A_922 : i32
        %swap3A_924 = arith.index_cast %add3A_923 : i32 to index
        %swap3A_925 = arith.constant 208 : index
        %swap3A_926 = tpu.vector_load %arg9[%swap3A_924, %swap3A_925] {strides = array<i32>} : memref<64x256xf32, #tpu.memory_space<vmem>>, vector<16xf32>,
        tpu.vector_store %arg9[%swap3A_924, %swap3A_925], %gather3A_854 {strides = array<i32>} : memref<64x256xf32, #tpu.memory_space<vmem>>, vector<16xf32>,
        %add3A_927 = arith.constant 6 : i32
        %add3A_928 = arith.addi %mul3A_239, %add3A_927 : i32
        %swap3A_929 = arith.index_cast %add3A_928 : i32 to index
        %swap3A_930 = arith.constant 224 : index
        %swap3A_931 = tpu.vector_load %arg9[%swap3A_929, %swap3A_930] {strides = array<i32>} : memref<64x256xf32, #tpu.memory_space<vmem>>, vector<16xf32>,
        tpu.vector_store %arg9[%swap3A_929, %swap3A_930], %gather3A_855 {strides = array<i32>} : memref<64x256xf32, #tpu.memory_space<vmem>>, vector<16xf32>,
        %add3A_932 = arith.constant 6 : i32
        %add3A_933 = arith.addi %mul3A_239, %add3A_932 : i32
        %swap3A_934 = arith.index_cast %add3A_933 : i32 to index
        %swap3A_935 = arith.constant 240 : index
        %swap3A_936 = tpu.vector_load %arg9[%swap3A_934, %swap3A_935] {strides = array<i32>} : memref<64x256xf32, #tpu.memory_space<vmem>>, vector<16xf32>,
        tpu.vector_store %arg9[%swap3A_934, %swap3A_935], %gather3A_856 {strides = array<i32>} : memref<64x256xf32, #tpu.memory_space<vmem>>, vector<16xf32>,
        %broadcast_in_dim3A_937 = arith.constant 7 : i32
        %broadcast_in_dim3A_938 = vector.broadcast %broadcast_in_dim3A_937 : i32 to vector<16xi32>
        %add3A_939 = vector.broadcast %mul3A_239 : i32 to vector<16xi32>
        %add3A_940 = arith.addi %broadcast_in_dim3A_938, %add3A_939 : vector<16xi32>
        %gather3A_941 = tpu.vector_load_idx %arg7[%add3A_7, %add3A_940] : memref<256x128xf32, #tpu.memory_space<vmem>>[vector<16xi32>, vector<16xi32>], vector<16xf32>,
        %gather3A_942 = tpu.vector_load_idx %arg7[%add3A_11, %add3A_940] : memref<256x128xf32, #tpu.memory_space<vmem>>[vector<16xi32>, vector<16xi32>], vector<16xf32>,
        %gather3A_943 = tpu.vector_load_idx %arg7[%add3A_15, %add3A_940] : memref<256x128xf32, #tpu.memory_space<vmem>>[vector<16xi32>, vector<16xi32>], vector<16xf32>,
        %gather3A_944 = tpu.vector_load_idx %arg7[%add3A_19, %add3A_940] : memref<256x128xf32, #tpu.memory_space<vmem>>[vector<16xi32>, vector<16xi32>], vector<16xf32>,
        %gather3A_945 = tpu.vector_load_idx %arg7[%add3A_23, %add3A_940] : memref<256x128xf32, #tpu.memory_space<vmem>>[vector<16xi32>, vector<16xi32>], vector<16xf32>,
        %gather3A_946 = tpu.vector_load_idx %arg7[%add3A_27, %add3A_940] : memref<256x128xf32, #tpu.memory_space<vmem>>[vector<16xi32>, vector<16xi32>], vector<16xf32>,
        %gather3A_947 = tpu.vector_load_idx %arg7[%add3A_31, %add3A_940] : memref<256x128xf32, #tpu.memory_space<vmem>>[vector<16xi32>, vector<16xi32>], vector<16xf32>,
        %gather3A_948 = tpu.vector_load_idx %arg7[%add3A_35, %add3A_940] : memref<256x128xf32, #tpu.memory_space<vmem>>[vector<16xi32>, vector<16xi32>], vector<16xf32>,
        %gather3A_949 = tpu.vector_load_idx %arg7[%add3A_39, %add3A_940] : memref<256x128xf32, #tpu.memory_space<vmem>>[vector<16xi32>, vector<16xi32>], vector<16xf32>,
        %gather3A_950 = tpu.vector_load_idx %arg7[%add3A_43, %add3A_940] : memref<256x128xf32, #tpu.memory_space<vmem>>[vector<16xi32>, vector<16xi32>], vector<16xf32>,
        %gather3A_951 = tpu.vector_load_idx %arg7[%add3A_47, %add3A_940] : memref<256x128xf32, #tpu.memory_space<vmem>>[vector<16xi32>, vector<16xi32>], vector<16xf32>,
        %gather3A_952 = tpu.vector_load_idx %arg7[%add3A_51, %add3A_940] : memref<256x128xf32, #tpu.memory_space<vmem>>[vector<16xi32>, vector<16xi32>], vector<16xf32>,
        %gather3A_953 = tpu.vector_load_idx %arg7[%add3A_55, %add3A_940] : memref<256x128xf32, #tpu.memory_space<vmem>>[vector<16xi32>, vector<16xi32>], vector<16xf32>,
        %gather3A_954 = tpu.vector_load_idx %arg7[%add3A_59, %add3A_940] : memref<256x128xf32, #tpu.memory_space<vmem>>[vector<16xi32>, vector<16xi32>], vector<16xf32>,
        %gather3A_955 = tpu.vector_load_idx %arg7[%add3A_63, %add3A_940] : memref<256x128xf32, #tpu.memory_space<vmem>>[vector<16xi32>, vector<16xi32>], vector<16xf32>,
        %gather3A_956 = tpu.vector_load_idx %arg7[%add3A_67, %add3A_940] : memref<256x128xf32, #tpu.memory_space<vmem>>[vector<16xi32>, vector<16xi32>], vector<16xf32>,
        %add3A_957 = arith.constant 7 : i32
        %add3A_958 = arith.addi %mul3A_239, %add3A_957 : i32
        %swap3A_959 = arith.index_cast %add3A_958 : i32 to index
        %swap3A_960 = arith.constant 0 : index
        %swap3A_961 = tpu.vector_load %arg9[%swap3A_959, %swap3A_960] {strides = array<i32>} : memref<64x256xf32, #tpu.memory_space<vmem>>, vector<16xf32>,
        tpu.vector_store %arg9[%swap3A_959, %swap3A_960], %gather3A_941 {strides = array<i32>} : memref<64x256xf32, #tpu.memory_space<vmem>>, vector<16xf32>,
        %add3A_962 = arith.constant 7 : i32
        %add3A_963 = arith.addi %mul3A_239, %add3A_962 : i32
        %swap3A_964 = arith.index_cast %add3A_963 : i32 to index
        %swap3A_965 = arith.constant 16 : index
        %swap3A_966 = tpu.vector_load %arg9[%swap3A_964, %swap3A_965] {strides = array<i32>} : memref<64x256xf32, #tpu.memory_space<vmem>>, vector<16xf32>,
        tpu.vector_store %arg9[%swap3A_964, %swap3A_965], %gather3A_942 {strides = array<i32>} : memref<64x256xf32, #tpu.memory_space<vmem>>, vector<16xf32>,
        %add3A_967 = arith.constant 7 : i32
        %add3A_968 = arith.addi %mul3A_239, %add3A_967 : i32
        %swap3A_969 = arith.index_cast %add3A_968 : i32 to index
        %swap3A_970 = arith.constant 32 : index
        %swap3A_971 = tpu.vector_load %arg9[%swap3A_969, %swap3A_970] {strides = array<i32>} : memref<64x256xf32, #tpu.memory_space<vmem>>, vector<16xf32>,
        tpu.vector_store %arg9[%swap3A_969, %swap3A_970], %gather3A_943 {strides = array<i32>} : memref<64x256xf32, #tpu.memory_space<vmem>>, vector<16xf32>,
        %add3A_972 = arith.constant 7 : i32
        %add3A_973 = arith.addi %mul3A_239, %add3A_972 : i32
        %swap3A_974 = arith.index_cast %add3A_973 : i32 to index
        %swap3A_975 = arith.constant 48 : index
        %swap3A_976 = tpu.vector_load %arg9[%swap3A_974, %swap3A_975] {strides = array<i32>} : memref<64x256xf32, #tpu.memory_space<vmem>>, vector<16xf32>,
        tpu.vector_store %arg9[%swap3A_974, %swap3A_975], %gather3A_944 {strides = array<i32>} : memref<64x256xf32, #tpu.memory_space<vmem>>, vector<16xf32>,
        %add3A_977 = arith.constant 7 : i32
        %add3A_978 = arith.addi %mul3A_239, %add3A_977 : i32
        %swap3A_979 = arith.index_cast %add3A_978 : i32 to index
        %swap3A_980 = arith.constant 64 : index
        %swap3A_981 = tpu.vector_load %arg9[%swap3A_979, %swap3A_980] {strides = array<i32>} : memref<64x256xf32, #tpu.memory_space<vmem>>, vector<16xf32>,
        tpu.vector_store %arg9[%swap3A_979, %swap3A_980], %gather3A_945 {strides = array<i32>} : memref<64x256xf32, #tpu.memory_space<vmem>>, vector<16xf32>,
        %add3A_982 = arith.constant 7 : i32
        %add3A_983 = arith.addi %mul3A_239, %add3A_982 : i32
        %swap3A_984 = arith.index_cast %add3A_983 : i32 to index
        %swap3A_985 = arith.constant 80 : index
        %swap3A_986 = tpu.vector_load %arg9[%swap3A_984, %swap3A_985] {strides = array<i32>} : memref<64x256xf32, #tpu.memory_space<vmem>>, vector<16xf32>,
        tpu.vector_store %arg9[%swap3A_984, %swap3A_985], %gather3A_946 {strides = array<i32>} : memref<64x256xf32, #tpu.memory_space<vmem>>, vector<16xf32>,
        %add3A_987 = arith.constant 7 : i32
        %add3A_988 = arith.addi %mul3A_239, %add3A_987 : i32
        %swap3A_989 = arith.index_cast %add3A_988 : i32 to index
        %swap3A_990 = arith.constant 96 : index
        %swap3A_991 = tpu.vector_load %arg9[%swap3A_989, %swap3A_990] {strides = array<i32>} : memref<64x256xf32, #tpu.memory_space<vmem>>, vector<16xf32>,
        tpu.vector_store %arg9[%swap3A_989, %swap3A_990], %gather3A_947 {strides = array<i32>} : memref<64x256xf32, #tpu.memory_space<vmem>>, vector<16xf32>,
        %add3A_992 = arith.constant 7 : i32
        %add3A_993 = arith.addi %mul3A_239, %add3A_992 : i32
        %swap3A_994 = arith.index_cast %add3A_993 : i32 to index
        %swap3A_995 = arith.constant 112 : index
        %swap3A_996 = tpu.vector_load %arg9[%swap3A_994, %swap3A_995] {strides = array<i32>} : memref<64x256xf32, #tpu.memory_space<vmem>>, vector<16xf32>,
        tpu.vector_store %arg9[%swap3A_994, %swap3A_995], %gather3A_948 {strides = array<i32>} : memref<64x256xf32, #tpu.memory_space<vmem>>, vector<16xf32>,
        %add3A_997 = arith.constant 7 : i32
        %add3A_998 = arith.addi %mul3A_239, %add3A_997 : i32
        %swap3A_999 = arith.index_cast %add3A_998 : i32 to index
        %swap3A_1000 = arith.constant 128 : index
        %swap3A_1001 = tpu.vector_load %arg9[%swap3A_999, %swap3A_1000] {strides = array<i32>} : memref<64x256xf32, #tpu.memory_space<vmem>>, vector<16xf32>,
        tpu.vector_store %arg9[%swap3A_999, %swap3A_1000], %gather3A_949 {strides = array<i32>} : memref<64x256xf32, #tpu.memory_space<vmem>>, vector<16xf32>,
        %add3A_1002 = arith.constant 7 : i32
        %add3A_1003 = arith.addi %mul3A_239, %add3A_1002 : i32
        %swap3A_1004 = arith.index_cast %add3A_1003 : i32 to index
        %swap3A_1005 = arith.constant 144 : index
        %swap3A_1006 = tpu.vector_load %arg9[%swap3A_1004, %swap3A_1005] {strides = array<i32>} : memref<64x256xf32, #tpu.memory_space<vmem>>, vector<16xf32>,
        tpu.vector_store %arg9[%swap3A_1004, %swap3A_1005], %gather3A_950 {strides = array<i32>} : memref<64x256xf32, #tpu.memory_space<vmem>>, vector<16xf32>,
        %add3A_1007 = arith.constant 7 : i32
        %add3A_1008 = arith.addi %mul3A_239, %add3A_1007 : i32
        %swap3A_1009 = arith.index_cast %add3A_1008 : i32 to index
        %swap3A_1010 = arith.constant 160 : index
        %swap3A_1011 = tpu.vector_load %arg9[%swap3A_1009, %swap3A_1010] {strides = array<i32>} : memref<64x256xf32, #tpu.memory_space<vmem>>, vector<16xf32>,
        tpu.vector_store %arg9[%swap3A_1009, %swap3A_1010], %gather3A_951 {strides = array<i32>} : memref<64x256xf32, #tpu.memory_space<vmem>>, vector<16xf32>,
        %add3A_1012 = arith.constant 7 : i32
        %add3A_1013 = arith.addi %mul3A_239, %add3A_1012 : i32
        %swap3A_1014 = arith.index_cast %add3A_1013 : i32 to index
        %swap3A_1015 = arith.constant 176 : index
        %swap3A_1016 = tpu.vector_load %arg9[%swap3A_1014, %swap3A_1015] {strides = array<i32>} : memref<64x256xf32, #tpu.memory_space<vmem>>, vector<16xf32>,
        tpu.vector_store %arg9[%swap3A_1014, %swap3A_1015], %gather3A_952 {strides = array<i32>} : memref<64x256xf32, #tpu.memory_space<vmem>>, vector<16xf32>,
        %add3A_1017 = arith.constant 7 : i32
        %add3A_1018 = arith.addi %mul3A_239, %add3A_1017 : i32
        %swap3A_1019 = arith.index_cast %add3A_1018 : i32 to index
        %swap3A_1020 = arith.constant 192 : index
        %swap3A_1021 = tpu.vector_load %arg9[%swap3A_1019, %swap3A_1020] {strides = array<i32>} : memref<64x256xf32, #tpu.memory_space<vmem>>, vector<16xf32>,
        tpu.vector_store %arg9[%swap3A_1019, %swap3A_1020], %gather3A_953 {strides = array<i32>} : memref<64x256xf32, #tpu.memory_space<vmem>>, vector<16xf32>,
        %add3A_1022 = arith.constant 7 : i32
        %add3A_1023 = arith.addi %mul3A_239, %add3A_1022 : i32
        %swap3A_1024 = arith.index_cast %add3A_1023 : i32 to index
        %swap3A_1025 = arith.constant 208 : index
        %swap3A_1026 = tpu.vector_load %arg9[%swap3A_1024, %swap3A_1025] {strides = array<i32>} : memref<64x256xf32, #tpu.memory_space<vmem>>, vector<16xf32>,
        tpu.vector_store %arg9[%swap3A_1024, %swap3A_1025], %gather3A_954 {strides = array<i32>} : memref<64x256xf32, #tpu.memory_space<vmem>>, vector<16xf32>,
        %add3A_1027 = arith.constant 7 : i32
        %add3A_1028 = arith.addi %mul3A_239, %add3A_1027 : i32
        %swap3A_1029 = arith.index_cast %add3A_1028 : i32 to index
        %swap3A_1030 = arith.constant 224 : index
        %swap3A_1031 = tpu.vector_load %arg9[%swap3A_1029, %swap3A_1030] {strides = array<i32>} : memref<64x256xf32, #tpu.memory_space<vmem>>, vector<16xf32>,
        tpu.vector_store %arg9[%swap3A_1029, %swap3A_1030], %gather3A_955 {strides = array<i32>} : memref<64x256xf32, #tpu.memory_space<vmem>>, vector<16xf32>,
        %add3A_1032 = arith.constant 7 : i32
        %add3A_1033 = arith.addi %mul3A_239, %add3A_1032 : i32
        %swap3A_1034 = arith.index_cast %add3A_1033 : i32 to index
        %swap3A_1035 = arith.constant 240 : index
        %swap3A_1036 = tpu.vector_load %arg9[%swap3A_1034, %swap3A_1035] {strides = array<i32>} : memref<64x256xf32, #tpu.memory_space<vmem>>, vector<16xf32>,
        tpu.vector_store %arg9[%swap3A_1034, %swap3A_1035], %gather3A_956 {strides = array<i32>} : memref<64x256xf32, #tpu.memory_space<vmem>>, vector<16xf32>,
      }
      %scan3A_223 = arith.constant 8 : i32
      %mul3A_224 = arith.constant 256 : i32
      %mul3A_225 = arith.muli %select_n3A_206, %mul3A_224 : i32
      %dma_start3A_226 = arith.constant 0 : i32
      %dma_start3A_227 = tpu.memref_slice %arg4[%select_n3A_190, %dma_start3A_226, %mul3A_225] : memref<26x64x16384xf32, #tpu.memory_space<hbm>> -> memref<1x64x256xf32, #tpu.memory_space<hbm>>
      %dma_start3A_228 = tpu.memref_squeeze %dma_start3A_227 : memref<1x64x256xf32, #tpu.memory_space<hbm>> -> memref<64x256xf32, #tpu.memory_space<hbm>>
      %dma_start3A_229 = arith.constant 0 : i32
      %dma_start3A_230 = tpu.memref_slice %arg4[%select_n3A_190, %dma_start3A_229, %mul3A_225] : memref<26x64x16384xf32, #tpu.memory_space<hbm>> -> memref<1x64x256xf32, #tpu.memory_space<hbm>>
      %dma_start3A_231 = tpu.memref_squeeze %dma_start3A_230 : memref<1x64x256xf32, #tpu.memory_space<hbm>> -> memref<64x256xf32, #tpu.memory_space<hbm>>
      tpu.enqueue_dma source(%arg9 : memref<64x256xf32, #tpu.memory_space<vmem>>) target(%dma_start3A_231 : memref<64x256xf32, #tpu.memory_space<hbm>>) target_semaphore(%arg13 : memref<!tpu.dma_semaphore, #tpu.memory_space<semaphore_mem>>)
      %lt3A_232 = arith.constant 25 : i32
      %lt3A_233 = arith.cmpi slt, %scan3A_99, %lt3A_232 : i32
      %convert_element_type3A_234 = arith.extui %lt3A_233 : i1 to i32
      %cond3A_235 = arith.constant 0 : i32
      %cond3A_236 = arith.cmpi ne, %convert_element_type3A_234, %cond3A_235 : i32
      scf.if %cond3A_236 {
        %add3A_237 = arith.constant 2 : i32
        %add3A_238 = arith.addi %add3A_165, %add3A_237 : i32
        %mul3A_239 = arith.constant 256 : i32
        %mul3A_240 = arith.muli %add3A_238, %mul3A_239 : i32
        %dma_start3A_241 = tpu.memref_slice %arg5[%mul3A_240] : memref<13312xi32, #tpu.memory_space<vmem>> -> memref<256xi32, #tpu.memory_space<vmem>>
        %dma_start3A_242 = arith.constant 0 : i32
        %dma_start3A_243 = arith.constant 0 : i32
        %dma_start3A_244 = tpu.memref_slice %arg2[%dma_start3A_242, %dma_start3A_243] : memref<1000000x128xf32, #tpu.memory_space<hbm>> -> memref<1000000x128xf32, #tpu.memory_space<hbm>>
        tpu.enqueue_indirect_dma source(%dma_start3A_244 : memref<1000000x128xf32, #tpu.memory_space<hbm>>) target(%arg7 : memref<256x128xf32, #tpu.memory_space<vmem>>) offsets(%dma_start3A_241 : memref<256xi32, #tpu.memory_space<vmem>>) semaphore(%arg11 : memref<!tpu.dma_semaphore, #tpu.memory_space<semaphore_mem>>)
      } else {
      }
    }
    %scan3A_81 = arith.constant 26 : i32
    %dma_wait3A = arith.constant 0 : i32
    %dma_wait3A_82 = arith.constant 0 : i32
    %dma_wait3A_83 = arith.constant 0 : i32
    %dma_wait3A_84 = tpu.memref_slice %arg4[%dma_wait3A, %dma_wait3A_82, %dma_wait3A_83] : memref<26x64x16384xf32, #tpu.memory_space<hbm>> -> memref<1x64x256xf32, #tpu.memory_space<hbm>>
    %dma_wait3A_85 = tpu.memref_squeeze %dma_wait3A_84 : memref<1x64x256xf32, #tpu.memory_space<hbm>> -> memref<64x256xf32, #tpu.memory_space<hbm>>
    %dma_wait3A_86 = arith.constant 0 : i32
    %dma_wait3A_87 = arith.constant 0 : i32
    %dma_wait3A_88 = tpu.memref_slice %arg4[%dma_wait3A, %dma_wait3A_86, %dma_wait3A_87] : memref<26x64x16384xf32, #tpu.memory_space<hbm>> -> memref<1x64x256xf32, #tpu.memory_space<hbm>>
    %dma_wait3A_89 = tpu.memref_squeeze %dma_wait3A_88 : memref<1x64x256xf32, #tpu.memory_space<hbm>> -> memref<64x256xf32, #tpu.memory_space<hbm>>
    tpu.wait_dma2 semaphore(%arg12 : memref<!tpu.dma_semaphore, #tpu.memory_space<semaphore_mem>>) src(%dma_wait3A_89 : memref<64x256xf32, #tpu.memory_space<hbm>>) dst(%arg8 : memref<64x256xf32, #tpu.memory_space<vmem>>)
    %dma_wait3A_90 = arith.constant 0 : i32
    %dma_wait3A_91 = arith.constant 0 : i32
    %dma_wait3A_92 = arith.constant 0 : i32
    %dma_wait3A_93 = tpu.memref_slice %arg4[%dma_wait3A_90, %dma_wait3A_91, %dma_wait3A_92] : memref<26x64x16384xf32, #tpu.memory_space<hbm>> -> memref<1x64x256xf32, #tpu.memory_space<hbm>>
    %dma_wait3A_94 = tpu.memref_squeeze %dma_wait3A_93 : memref<1x64x256xf32, #tpu.memory_space<hbm>> -> memref<64x256xf32, #tpu.memory_space<hbm>>
    %dma_wait3A_95 = arith.constant 0 : i32
    %dma_wait3A_96 = arith.constant 0 : i32
    %dma_wait3A_97 = tpu.memref_slice %arg4[%dma_wait3A_90, %dma_wait3A_95, %dma_wait3A_96] : memref<26x64x16384xf32, #tpu.memory_space<hbm>> -> memref<1x64x256xf32, #tpu.memory_space<hbm>>
    %dma_wait3A_98 = tpu.memref_squeeze %dma_wait3A_97 : memref<1x64x256xf32, #tpu.memory_space<hbm>> -> memref<64x256xf32, #tpu.memory_space<hbm>>
    tpu.wait_dma2 semaphore(%arg13 : memref<!tpu.dma_semaphore, #tpu.memory_space<semaphore_mem>>) src(%dma_wait3A_98 : memref<64x256xf32, #tpu.memory_space<hbm>>) dst(%arg9 : memref<64x256xf32, #tpu.memory_space<vmem>>)
    return
  }
}

</mosaic_0001>

<sc_bundles>
// kernel: _gather.3.cloned.1.call-start
scs
__scs_entry_jumppad:
0x0: {  	(pc) =	sbr.rel $0x88, $3  }
0x1: {  	(tag) =	ssettag $0x0;
	lr =	simm.s32 $0x1  }
0x2: {  	[smem:$0x3F9F] =	sst lr;
	_ =	strace $0xD0000000  }
0x3: {  	_ = 	snop  }
0x4: {  	_ = 	snop  }
0x5: {  	_ = 	snop  }
0x6: {  	_ = 	snop  }
0x7: {  	_ = 	snop  }
__scs_overlays_trampoline_lowered:
0x8: {  	[smem:$0x3FAE] =	sst s0  }
0x9: {  	[smem:$0x3FAF] =	sst s1  }
0xa: {  	[smem:$0x3FB0] =	sst s2  }
0xb: {  	[smem:$0x3FB1] =	sst s3  }
0xc: {  	[smem:$0x3FB2] =	sst s4  }
0xd: {  	[smem:$0x3FB3] =	sst s5  }
0xe: {  	[smem:$0x3FB4] =	sst s6  }
0xf: {  	[smem:$0x3FB5] =	sst s7  }
0x10: {  	[smem:$0x3FB6] =	sst s8  }
0x11: {  	[smem:$0x3FB7] =	sst s9;
	s0 =	simm.s32 @!p0 $0x0  }
0x12: {  	s1 =	sld [smem:$0x3F9D];
	s0 =	simm.s32 @p0 $0x1  }
0x13: {  	[smem:$0x3FB8] =	sst s0;
	s0 =	simm.s32 @!p1 $0x0  }
0x14: {  	s2 =	sld [smem:$0x3F9C];
	s0 =	simm.s32 @p1 $0x1  }
0x15: {  	[smem:$0x3FB9] =	sst s0;
	s0 =	simm.s32 @!p2 $0x0  }
0x16: {  	s3 =	sld [smem:$0x3FDB];
	s0 =	simm.s32 @p2 $0x1  }
0x17: {  	s4 =	simm.s32 $0x1BF5;
	[smem:$0x3FBB] =	sst s0  }
0x18: {  	s0 =	sld [smem:$0x3F9E];
	_ =	swait.ge [sflag:s4], $0x0  }
0x19: {  	s7 =	sld [smem:$0x3F9F]  }
0x1a: {  	s8 =	sadd.s32 $0xFFFFE003, lr  }
0x1b: {  	s9 =	sadd.s32 $0xFFFFFEF7, lr;
	s5 =	simm.s32 $0xFFFFFFFF;
	p2 =	slt.u32 s8, $0xFFFFF086  }
0x1c: {  	p1 =	slt.u32 s9, $0xF7A;
	s5 =	simm.s32 @!p2 $0x0  }
0x1d: {  	s5 =	simm.s32 @p1 $0x1;
	p0 =	seq.s32 s7, s2  }
0x1e: {  	s7 =	smul.u32 @!p0 $0xF7A, s2;
	p2 =	seq.s32 @!p0 s5, $0x0  }
0x1f: {  	s9 =	smul.u32 $0xF7A, s1;
	s8 =	simm.s32 @!p0 $0x1BF5;
	p2 =	por !p2, p0  }
0x20: {  	[sflag:s8] =	ssyncset.s32 @!p0 $0xFFFFF086;
	s6 =	sadd.s32 @!p0 s3, s7;
	s7 =	simm.s32 @!p0 $0x108  }
0x21: {  	s3 =	sadd.s32 s3, s9;
	s6 =	sadd.s32 @!p0 $0x88, s6;
	s7 =	simm.s32 @p2 $0x1082  }
0x22: {  	[simem:s7], [sflag:s8] =	dma.local @!p0 [hbm:s6], $0xF7A  }
0x23: {  	s9 =	sor.u32 $0xD0000000, s2;
	s6 =	simm.s32 $0x108;
	_ =	swait.ge @!p0 [sflag:s8], $0x0  }
0x24: {  	s3 =	sadd.s32 $0x88, s3;
	s6 =	simm.s32 @!p1 $0x1082;
	[sflag:s4] =	ssyncset.s32 $0xFFFFF086  }
0x25: {  	[simem:s6], [sflag:s4] =	dma.local [hbm:s3], $0xF7A  }
0x26: {  	[smem:$0x3F9F] =	sst s1;
	(tag) =	ssettag s2;
	_ =	strace s9  }
0x27: {  	s1 =	sld [smem:$0x3FAF]  }
0x28: {  	s2 =	sld [smem:$0x3FB0]  }
0x29: {  	s4 =	sld [smem:$0x3FB2]  }
0x2a: {  	p0 =	seq.s32 s5, $0x0;
	s5 =	sld [smem:$0x3FB3]  }
0x2b: {  	s6 =	sld [smem:$0x3FB4]  }
0x2c: {  	s7 =	sld [smem:$0x3FB5]  }
0x2d: {  	s3 =	simm.s32 $0x108;
	s8 =	sld [smem:$0x3FB6]  }
0x2e: {  	s3 =	simm.s32 @!p0 $0x1082;
	s9 =	sld [smem:$0x3FB7]  }
0x2f: {  	lr =	sadd.s32 s0, s3;
	s0 =	sld [smem:$0x3FAE]  }
0x30: {  	s3 =	sld [smem:$0x3FB1]  }
0x31: {  	[smem:$0x3FBA] =	sst s10  }
0x32: {  	s10 =	sld [smem:$0x3FB8];
	_ =	sdelay $0x3  }
0x33: {  	p0 =	seq.s32 s10, $0x1;
	s10 =	sld [smem:$0x3FBA];
	_ =	sdelay $0x3  }
0x34: {  	[smem:$0x3FBA] =	sst s10  }
0x35: {  	s10 =	sld [smem:$0x3FB9];
	_ =	sdelay $0x3  }
0x36: {  	p1 =	seq.s32 s10, $0x1;
	s10 =	sld [smem:$0x3FBA];
	_ =	sdelay $0x3  }
0x37: {  	[smem:$0x3FBA] =	sst s10  }
0x38: {  	s10 =	sld [smem:$0x3FBB]  }
0x39: {  	_ = 	snop;
	(pc) =	sbr.ind lr, $3  }
0x3a: {  	_ = 	snop  }
0x3b: {  	_ = 	snop  }
0x3c: {  	p2 =	seq.s32 s10, $0x1;
	s10 =	sld [smem:$0x3FBA]  }
0x3d: {  	_ =	shalt  }
0x3e: {  	_ =	shalt  }
0x3f: {  	_ =	shalt  }
0x40: {  	_ =	shalt  }
0x41: {  	_ =	shalt  }
0x42: {  	_ =	shalt  }
0x43: {  	_ =	shalt  }
0x44: {  	_ =	shalt  }
0x45: {  	_ =	shalt  }
0x46: {  	_ =	shalt  }
0x47: {  	_ =	shalt  }
0x48: {  	_ =	shalt  }
0x49: {  	_ =	shalt  }
0x4a: {  	_ =	shalt  }
0x4b: {  	_ =	shalt  }
0x4c: {  	_ =	shalt  }
0x4d: {  	_ =	shalt  }
0x4e: {  	_ =	shalt  }
0x4f: {  	_ =	shalt  }
0x50: {  	_ =	shalt  }
0x51: {  	_ =	shalt  }
0x52: {  	_ =	shalt  }
0x53: {  	_ =	shalt  }
0x54: {  	_ =	shalt  }
0x55: {  	_ =	shalt  }
0x56: {  	_ =	shalt  }
0x57: {  	_ =	shalt  }
0x58: {  	_ =	shalt  }
0x59: {  	_ =	shalt  }
0x5a: {  	_ =	shalt  }
0x5b: {  	_ =	shalt  }
0x5c: {  	_ =	shalt  }
0x5d: {  	_ =	shalt  }
0x5e: {  	_ =	shalt  }
0x5f: {  	_ =	shalt  }
0x60: {  	_ =	shalt  }
0x61: {  	_ =	shalt  }
0x62: {  	_ =	shalt  }
0x63: {  	_ =	shalt  }
0x64: {  	_ =	shalt  }
0x65: {  	_ =	shalt  }
0x66: {  	_ =	shalt  }
0x67: {  	_ =	shalt  }
0x68: {  	_ =	shalt  }
0x69: {  	_ =	shalt  }
0x6a: {  	_ =	shalt  }
0x6b: {  	_ =	shalt  }
0x6c: {  	_ =	shalt  }
0x6d: {  	_ =	shalt  }
0x6e: {  	_ =	shalt  }
0x6f: {  	_ =	shalt  }
0x70: {  	_ =	shalt  }
0x71: {  	_ =	shalt  }
0x72: {  	_ =	shalt  }
0x73: {  	_ =	shalt  }
0x74: {  	_ =	shalt  }
0x75: {  	_ =	shalt  }
0x76: {  	_ =	shalt  }
0x77: {  	_ =	shalt  }
0x78: {  	_ =	shalt  }
0x79: {  	_ =	shalt  }
0x7a: {  	_ =	shalt  }
0x7b: {  	_ =	shalt  }
0x7c: {  	_ =	shalt  }
0x7d: {  	_ =	shalt  }
0x7e: {  	_ =	shalt  }
0x7f: {  	_ =	shalt  }
0x80: {  	_ =	shalt  }
0x81: {  	_ =	shalt  }
0x82: {  	_ =	shalt  }
0x83: {  	_ =	shalt  }
0x84: {  	_ =	shalt  }
0x85: {  	_ =	shalt  }
0x86: {  	_ =	shalt  }
0x87: {  	_ =	shalt  }
.Lfunc_end0:
.L_simem_size_0:
called_computation_lowered:
.L_overlay_start_0:
0x88: {  	s2 =	sld [smem:$0x3FD9]  }
0x89: {  	s3 =	sld [smem:$0x3FFE];
	_ =	sdelay $0x1  }
0x8a: {  	s1 =	srdreg.scid  }
0x8b: {  	s0 =	sand.u32 $0x1, s1  }
0x8c: {  	s18 =	sshll.u32 s0, $0xA;
	s2 =	sadd.s32 s3, s2  }
0x8d: {  	s2 =	sadd.s32 s2, s18  }
0x8e: {  	[smem:$0x3FC6] =	sst s2  }
0x8f: {  	_ = 	snop  }
0x90: {  	s2 =	sld [smem:$0x3FC9]  }
0x91: {  	s19 =	sld [smem:$0x3FC8]  }
0x92: {  	s4 =	sld [smem:$0x3FD0];
	(tm) =	ssettm $0x1  }
0x93: {  	s5 =	sld [smem:$0x3FFB];
	_ =	sdelay $0x3  }
0x94: {  	_ =	strace s5  }
0x95: {  	s5 =	sld [smem:$0x3FFC];
	_ =	sdelay $0x3  }
0x96: {  	_ =	strace s5  }
0x97: {  	s5 =	sld [smem:$0x3FFD];
	_ =	sdelay $0x3  }
0x98: {  	_ =	strace s5  }
0x99: {  	_ =	strace $0x8FFFFFFF  }
0x9a: {  	s20 =	sld [smem:$0x3FDB];
	_ =	sdelay $0x1  }
0x9b: {  	s6 =	simm.s32 $_scs_section_size  }
0x9c: {  	s7 =	simm.s32 $_size__tile_overlayer_lowered;
	s8 =	simm.s32 $_tile_overlayer_lowered  }
0x9d: {  	s23 =	simm.s32 $0x1BFF;
	s22 =	sshll.u32 s8, $0x1;
	s5 =	sadd.s32 s6, s20  }
0x9e: {  	s9 =	simm.s32 $0x0;
	s21 =	sshll.u32 s7, $0x1;
	s7 =	sadd.s32 s22, s5  }
0x9f: {  	[timem:s9], [sflag:s23] =	dma.local [hbm:s7], s21  }
0xa0: {  	_ =	swait.ge [sflag:s23], s21  }
0xa1: {  	s6 =	ssub.s32 $0x0, s21;
	[sflag:s23] =	ssyncset.done $0x0  }
0xa2: {  	[sflag:s23] =	ssyncadd.s32 s6;
	_ =	sdelay $0x1  }
0xa3: {  	s24 =	simm.s32 $0x1B8B  }
0xa4: {  	_ =	swait.ge [sflag:s24], $0x1  }
0xa5: {  	[sflag:s24] =	ssyncset.done $0x0  }
0xa6: {  	s25 =	simm.s32 $0x1B8E;
	[sflag:s24] =	ssyncadd.s32 $0xFFFFFFFF  }
0xa7: {  	s26 =	simm.s32 $execute0_lowered;
	[smem:$0x3FD2] =	sst s25  }
0xa8: {  	s6 =	sshll.u32 s26, $0x1;
	_ =	strace $0x80000046;
	[dreg:$0x1] =	wrdreg $0xFFFFFFFF  }
0xa9: {  	s28 =	simm.s32 $_size_execute0_lowered;
	s5 =	sadd.s32 s5, s6;
	[dreg:$0x0] =	wrdreg $0x0  }
0xaa: {  	s6 =	sshll.u32 s28, $0x1;
	[dreg:$0x2] =	wrdreg s5  }
0xab: {  	[dreg:$0x3] =	wrdreg s6  }
0xac: {  	[dreg:$0x4] =	wrdreg $0xC0  }
0xad: {  	_ =	task [dreg:s9], $0x5FFFF  }
0xae: {  	[dreg:$0x1] =	wrdreg $0xFFFFFFFF  }
0xaf: {  	[dreg:$0x0] =	wrdreg $0x60  }
0xb0: {  	[dreg:$0x2] =	wrdreg s2  }
0xb1: {  	[dreg:$0x3] =	wrdreg s19  }
0xb2: {  	[dreg:$0x4] =	wrdreg s4  }
0xb3: {  	[dreg:$0x5] =	wrdreg $0x9  }
0xb4: {  	_ =	task.clear_ibuf [dreg:s9], $0x6FFFF;
	_ =	strace $0x90000046  }
0xb5: {  	s29 =	simm.s32 $0x9;
	_ =	strace $0x80000048  }
0xb6: {  	_ =	swait.ge [sflag:s29], $0x1  }
0xb7: {  	[sflag:s29] =	ssyncadd.s32 $0xFFFFFFFF  }
0xb8: {  	_ =	strace $0x90000048  }
0xb9: {  	_ =	sfence  }
0xba: {  	s30 =	sld [smem:$0x0];
	_ =	sdelay $0x2  }
0xbb: {  	s31 =	sshll.u32 s1, $0xD;
	s1 =	sshrl.u32 s1, $0x2  }
0xbc: {  	s3 =	sand.u32 $0x4000, s31;
	s1 =	sadd.s32 s1, s30  }
0xbd: {  	s0 =	sor.u32 s3, s0;
	s1 =	sshll.u32 s1, $0x11  }
0xbe: {  	s0 =	sor.u32 s1, s0  }
0xbf: {  	s0 =	sadd.s32 $0x8F2B, s0  }
0xc0: {  	[sflag:s0] =	ssyncadd.remote.s32 $0x1  }
0xc1: {  	_ =	sfence.sel $0xFFFF  }
0xc2: {  	[dreg:$0x0] =	wrdreg $0xFFFFFFFF;
	(pc) =	sbr.abs _section_cstart, $3  }
0xc3: {  	[dreg:$0x1] =	wrdreg $0xFFFFFFFF  }
0xc4: {  	_ =	task.clear_ibuf [dreg:s9], $0x2FFFF;
	_ =	strace $0x9FFFFFFF  }
0xc5: {  	(tm) =	ssettm $0x7FFFFFFF  }
tec
execute0_lowered:
.L_overlay_start_1:
0x0: {  	(tag) =	ssettag $0x1  }
0x1: {  	v0 =	vlaneseq.u32  }
0x2: {  	v0 =	vmul.u32 $0x80, v0;
	_ =	sdelay $0x1  }
0x3: {  	v1 =	vor.u32 $0x1, v0  }
0x4: {  	[tilespmem:$0x1FC10] =	vst v1;
	v1 =	vor.u32 $0x801, v0  }
0x5: {  	[tilespmem:$0x1FC20] =	vst v1;
	v1 =	vor.u32 $0x1001, v0  }
0x6: {  	[tilespmem:$0x1FC30] =	vst v1;
	v1 =	vor.u32 $0x1801, v0  }
0x7: {  	[tilespmem:$0x1FC40] =	vst v1;
	v1 =	vor.u32 $0x2001, v0  }
0x8: {  	[tilespmem:$0x1FC50] =	vst v1;
	v1 =	vor.u32 $0x2801, v0  }
0x9: {  	[tilespmem:$0x1FC60] =	vst v1;
	v1 =	vor.u32 $0x3001, v0  }
0xa: {  	[tilespmem:$0x1FC70] =	vst v1;
	v1 =	vor.u32 $0x3801, v0  }
0xb: {  	[tilespmem:$0x1FC80] =	vst v1;
	v1 =	vor.u32 $0x4001, v0  }
0xc: {  	[tilespmem:$0x1FC90] =	vst v1;
	v1 =	vor.u32 $0x4801, v0  }
0xd: {  	[tilespmem:$0x1FCA0] =	vst v1;
	v1 =	vor.u32 $0x5001, v0  }
0xe: {  	[tilespmem:$0x1FCB0] =	vst v1;
	v1 =	vor.u32 $0x5801, v0  }
0xf: {  	[tilespmem:$0x1FCC0] =	vst v1;
	v1 =	vor.u32 $0x6001, v0  }
0x10: {  	[tilespmem:$0x1FCD0] =	vst v1;
	v1 =	vor.u32 $0x6801, v0  }
0x11: {  	[tilespmem:$0x1FCE0] =	vst v1;
	v1 =	vor.u32 $0x7001, v0  }
0x12: {  	[tilespmem:$0x1FCF0] =	vst v1;
	v1 =	vor.u32 $0x7801, v0  }
0x13: {  	[tilespmem:$0x1FD00] =	vst v1;
	v1 =	vor.u32 $0x2, v0  }
0x14: {  	[tilespmem:$0x1FD10] =	vst v1;
	v1 =	vor.u32 $0x802, v0  }
0x15: {  	[tilespmem:$0x1FD20] =	vst v1;
	v1 =	vor.u32 $0x1002, v0  }
0x16: {  	[tilespmem:$0x1FD30] =	vst v1;
	v1 =	vor.u32 $0x1802, v0  }
0x17: {  	[tilespmem:$0x1FD40] =	vst v1;
	v1 =	vor.u32 $0x2002, v0  }
0x18: {  	[tilespmem:$0x1FD50] =	vst v1;
	v1 =	vor.u32 $0x2802, v0  }
0x19: {  	[tilespmem:$0x1FD60] =	vst v1;
	v1 =	vor.u32 $0x3002, v0  }
0x1a: {  	[tilespmem:$0x1FD70] =	vst v1;
	v1 =	vor.u32 $0x3802, v0  }
0x1b: {  	[tilespmem:$0x1FD80] =	vst v1;
	v1 =	vor.u32 $0x4002, v0  }
0x1c: {  	[tilespmem:$0x1FD90] =	vst v1;
	v1 =	vor.u32 $0x4802, v0  }
0x1d: {  	[tilespmem:$0x1FDA0] =	vst v1;
	v1 =	vor.u32 $0x5002, v0  }
0x1e: {  	s0 =	rddreg [dreg:$0x0];
	[tilespmem:$0x1FDB0] =	vst v1;
	v1 =	vor.u32 $0x5802, v0  }
0x1f: {  	s6 =	rddreg [dreg:$0x1];
	s4 =	srdreg.scid;
	[tilespmem:$0x1FDC0] =	vst v1;
	v1 =	vor.u32 $0x6002, v0  }
0x20: {  	s1 =	rddreg [dreg:$0x2];
	s5 =	sand.u32 $0x1, s4;
	s4 =	simm.s32 $0x0;
	[tilespmem:$0x1FDD0] =	vst v1;
	v1 =	vor.u32 $0x6802, v0  }
0x21: {  	[smem:$0x7FF] =	sst s4;
	[tilespmem:$0x1FDE0] =	vst v1;
	v1 =	vor.u32 $0x7002, v0  }
0x22: {  	s3 =	rddreg [dreg:$0x3];
	v2 =	vor.u32 $0x800, v0;
	_ =	strace $0x80000047;
	[tilespmem:$0x1FDF0] =	vst v1  }
0x23: {  	v3 =	vor.u32 $0x1000, v0;
	[tilespmem:$0x1FF10] =	vst v2  }
0x24: {  	v4 =	vor.u32 $0x1800, v0;
	[tilespmem:$0x1FF20] =	vst v3  }
0x25: {  	v5 =	vor.u32 $0x2000, v0;
	[tilespmem:$0x1FF30] =	vst v4  }
0x26: {  	v6 =	vor.u32 $0x2800, v0;
	[tilespmem:$0x1FF40] =	vst v5  }
0x27: {  	v8 =	vor.u32 $0x3000, v0;
	[tilespmem:$0x1FF50] =	vst v6  }
0x28: {  	v9 =	vor.u32 $0x3800, v0;
	[tilespmem:$0x1FF60] =	vst v8  }
0x29: {  	v10 =	vor.u32 $0x4000, v0;
	[tilespmem:$0x1FF70] =	vst v9  }
0x2a: {  	v11 =	vor.u32 $0x4800, v0;
	[tilespmem:$0x1FF80] =	vst v10  }
0x2b: {  	v12 =	vor.u32 $0x5000, v0;
	[tilespmem:$0x1FF90] =	vst v11  }
0x2c: {  	v13 =	vor.u32 $0x5800, v0;
	[tilespmem:$0x1FFA0] =	vst v12  }
0x2d: {  	v14 =	vor.u32 $0x6000, v0;
	[tilespmem:$0x1FFB0] =	vst v13  }
0x2e: {  	v15 =	vor.u32 $0x6800, v0;
	[tilespmem:$0x1FFC0] =	vst v14  }
0x2f: {  	v16 =	vor.u32 $0x7000, v0;
	[tilespmem:$0x1FFD0] =	vst v15  }
0x30: {  	v17 =	vor.u32 $0x7800, v0;
	[tilespmem:$0x1FFE0] =	vst v16  }
0x31: {  	v1 =	vor.u32 $0x7802, v0;
	[tilespmem:$0x1FFF0] =	vst v17  }
0x32: {  	[tilespmem:$0x1FE00] =	vst v1;
	v1 =	vor.u32 $0x3, v0  }
0x33: {  	[tilespmem:$0x1FE10] =	vst v1;
	v1 =	vor.u32 $0x803, v0  }
0x34: {  	[tilespmem:$0x1FE20] =	vst v1;
	v1 =	vor.u32 $0x1003, v0  }
0x35: {  	[tilespmem:$0x1FE30] =	vst v1;
	v1 =	vor.u32 $0x1803, v0  }
0x36: {  	[tilespmem:$0x1FE40] =	vst v1;
	v1 =	vor.u32 $0x2003, v0  }
0x37: {  	[tilespmem:$0x1FE50] =	vst v1;
	v1 =	vor.u32 $0x2803, v0  }
0x38: {  	[tilespmem:$0x1FE60] =	vst v1;
	v1 =	vor.u32 $0x3003, v0  }
0x39: {  	[tilespmem:$0x1FE70] =	vst v1;
	v1 =	vor.u32 $0x3803, v0  }
0x3a: {  	[tilespmem:$0x1FE80] =	vst v1;
	v1 =	vor.u32 $0x4003, v0  }
0x3b: {  	s2 =	stileid.u32;
	s10 =	simm.s32 $0x3400;
	s11 =	simm.s32 $0xB400;
	[tilespmem:$0x1FE90] =	vst v1;
	v1 =	vor.u32 $0x4803, v0  }
0x3c: {  	s12 =	simm.s32 $0x1;
	s13 =	simm.s32 $0x800;
	s14 =	simm.s32 $0x20000;
	[tilespmem:$0x1FEA0] =	vst v1;
	v1 =	vor.u32 $0x5003, v0  }
0x3d: {  	s15 =	simm.s32 $0x13400;
	s16 =	simm.s32 $0x2;
	s17 =	simm.s32 $0x17400;
	[tilespmem:$0x1FEB0] =	vst v1;
	v1 =	vor.u32 $0x5803, v0  }
.Ltmp0:
0x3e: {  	s18 =	simm.s32 $0x3;
	s7 =	sshll.u32 s2, $0x1;
	[tilespmem:$0x1FEC0] =	vst v1;
	v1 =	vor.u32 $0x6003, v0;
	(pc) =	sbr.rel .LBB2_1-.Ltmp0, $4  }
0x3f: {  	s19 =	simm.s32 $0x4;
	s8 =	ssub.s32 $0x2, s5;
	s5 =	sor.u32 s5, s7;
	[tilespmem:$0x1FED0] =	vst v1;
	v1 =	vor.u32 $0x6803, v0  }
0x40: {  	s20 =	simm.s32 $0x0;
	s31 =	sshrl.u32 s8, $0x1;
	s9 =	smul.u32 $0x680, s5;
	[tilespmem:$0x1FEE0] =	vst v1;
	v1 =	vor.u32 $0x7003, v0  }
0x41: {  	s5 =	smul.u32 $0x34, s5;
	s7 =	ssub.s32 s8, s31;
	s8 =	simm.s32 $0x5;
	[tilespmem:$0x1FEF0] =	vst v1;
	v1 =	vor.u32 $0x7803, v0  }
0x42: {  	s6 =	sadd.s32 s6, s9;
	s7 =	smax.u32 s7, $0x1;
	s9 =	simm.s32 $0x100;
	[tilespmem:$0x1FF00] =	vst v1  }
.LBB2_8:
0x43: {  	s20 =	sadd.s32 $0x1, s20  }
0x44: {  	_ =	swait.ge [sflag:s18], $0x4000;
	p0 =	sne.s32 s20, s7  }
.Ltmp1:
0x45: {  	[sflag:s18] =	ssyncset.done $0x0;
	(pc) =	sbr.rel @!p0 .LBB2_9-.Ltmp1, $4  }
0x46: {  	[sflag:s18] =	ssyncadd.s32 $0xFFFFC000  }
0x47: {  	_ =	swait.ge [sflag:s19], $0x4000  }
0x48: {  	[sflag:s19] =	ssyncset.done $0x0  }
0x49: {  	[sflag:s19] =	ssyncadd.s32 $0xFFFFC000  }
.LBB2_1:
0x4a: {  	[tilespmem:s4], [sflag:$0x5] =	stream.linear.gather [hbm4b:s6+s4], $0x3400, $0x38;
	[tilespmem:$0x1B400] =	vst v63  }
0x4b: {  	_ =	swait.ge [sflag:s8], $0x3400  }
0x4c: {  	[sflag:s8] =	ssyncset.done $0x0  }
0x4d: {  	[sflag:s8] =	ssyncadd.s32 $0xFFFFCC00  }
0x4e: {  	[tilespmem:s10], [sflag:$0x1] =	stream.indirect.gather [hbm4b:s0+s9], $0x80, s4, s9, $0xb8;
	[tilespmem:$0x1B400] =	vst v63  }
0x4f: {  	s21 =	simm.s32 $0x0  }
0x50: {  	[tilespmem:s11], [sflag:$0x2] =	stream.indirect.gather [hbm4b:s0+s9], $0x80, s9, s9, $0xb8;
	[tilespmem:$0x1B400] =	vst v63  }
.LBB2_2:
0x51: {  	_ =	swait.ge [sflag:s12], $0x8000  }
0x52: {  	p0 =	seq.s32 s21, $0x0;
	[sflag:s12] =	ssyncset.done $0x0  }
0x53: {  	s24 =	simm.s32 @!p0 $0x3;
	[sflag:s12] =	ssyncadd.s32 $0xFFFF8000  }
0x54: {  	_ =	swait.ge @!p0 [sflag:s24], $0x4000  }
0x55: {  	s22 =	sshll.u32 s21, $0x1;
	s25 =	simm.s32 $0x13800;
	[sflag:s24] =	ssyncset.done @!p0 $0x0  }
0x56: {  	s23 =	sadd.s32 s5, s22;
	[sflag:s24] =	ssyncadd.s32 @!p0 $0xFFFFC000;
	s24 =	simm.s32 $0x0  }
.LBB2_3:
0x57: {  	v1 =	vor.u32 s24, v0  }
0x58: {  	v2 =	vor.u32 s24, v2  }
0x59: {  	v3 =	vor.u32 s24, v3  }
0x5a: {  	v4 =	vor.u32 s24, v4  }
0x5b: {  	v5 =	vor.u32 s24, v5  }
0x5c: {  	v6 =	vor.u32 s24, v6;
	v1 =	vld.idx.msk [tilespmem:v1+s10+$0x0], $0xffff  }
0x5d: {  	v7 =	vor.u32 s24, v8;
	v2 =	vld.idx.msk [tilespmem:v2+s10+$0x0], $0xffff  }
0x5e: {  	v8 =	vor.u32 s24, v9;
	v3 =	vld.idx.msk [tilespmem:v3+s10+$0x0], $0xffff  }
0x5f: {  	v9 =	vor.u32 s24, v10;
	v4 =	vld.idx.msk [tilespmem:v4+s10+$0x0], $0xffff  }
0x60: {  	v10 =	vor.u32 s24, v11;
	v5 =	vld.idx.msk [tilespmem:v5+s10+$0x0], $0xffff  }
0x61: {  	v11 =	vor.u32 s24, v12;
	v6 =	vld.idx.msk [tilespmem:v6+s10+$0x0], $0xffff  }
0x62: {  	v12 =	vor.u32 s24, v13;
	v7 =	vld.idx.msk [tilespmem:v7+s10+$0x0], $0xffff  }
0x63: {  	v13 =	vor.u32 s24, v14;
	v8 =	vld.idx.msk [tilespmem:v8+s10+$0x0], $0xffff  }
0x64: {  	v14 =	vor.u32 s24, v15;
	v9 =	vld.idx.msk [tilespmem:v9+s10+$0x0], $0xffff  }
0x65: {  	v15 =	vor.u32 s24, v16;
	v10 =	vld.idx.msk [tilespmem:v10+s10+$0x0], $0xffff  }
0x66: {  	v16 =	vor.u32 s24, v17;
	v11 =	vld.idx.msk [tilespmem:v11+s10+$0x0], $0xffff  }
0x67: {  	v12 =	vld.idx.msk [tilespmem:v12+s10+$0x0], $0xffff  }
0x68: {  	v13 =	vld.idx.msk [tilespmem:v13+s10+$0x0], $0xffff  }
0x69: {  	v14 =	vld.idx.msk [tilespmem:v14+s10+$0x0], $0xffff  }
0x6a: {  	v15 =	vld.idx.msk [tilespmem:v15+s10+$0x0], $0xffff  }
0x6b: {  	v16 =	vld.idx.msk [tilespmem:v16+s10+$0x0], $0xffff  }
0x6c: {  	[tilespmem:s25+$0xFFFFFC00] =	vst v1;
	v1 =	vld [tilespmem:$0x1FC10]  }
0x6d: {  	[tilespmem:s25+$0xFFFFFC10] =	vst v2;
	v2 =	vld [tilespmem:$0x1FC20]  }
0x6e: {  	[tilespmem:s25+$0xFFFFFC20] =	vst v3;
	v3 =	vld [tilespmem:$0x1FC30]  }
0x6f: {  	[tilespmem:s25+$0xFFFFFC30] =	vst v4;
	v4 =	vld [tilespmem:$0x1FC40]  }
0x70: {  	[tilespmem:s25+$0xFFFFFC40] =	vst v5;
	v5 =	vld [tilespmem:$0x1FC50]  }
0x71: {  	[tilespmem:s25+$0xFFFFFC50] =	vst v6;
	v6 =	vld [tilespmem:$0x1FC60]  }
0x72: {  	[tilespmem:s25+$0xFFFFFC60] =	vst v7;
	v7 =	vld [tilespmem:$0x1FC70]  }
0x73: {  	[tilespmem:s25+$0xFFFFFC70] =	vst v8;
	v8 =	vld [tilespmem:$0x1FC80]  }
0x74: {  	[tilespmem:s25+$0x0] =	vst v9;
	v9 =	vld [tilespmem:$0x1FC90]  }
0x75: {  	[tilespmem:s25+$0x10] =	vst v10;
	v10 =	vld [tilespmem:$0x1FCA0]  }
0x76: {  	[tilespmem:s25+$0x20] =	vst v11;
	v11 =	vld [tilespmem:$0x1FCB0]  }
0x77: {  	[tilespmem:s25+$0x30] =	vst v12;
	v12 =	vld [tilespmem:$0x1FCC0];
	v1 =	vor.u32 s24, v1  }
0x78: {  	[tilespmem:s25+$0x40] =	vst v13;
	v13 =	vld [tilespmem:$0x1FCD0];
	v2 =	vor.u32 s24, v2  }
0x79: {  	[tilespmem:s25+$0x50] =	vst v14;
	v14 =	vld [tilespmem:$0x1FCE0];
	v3 =	vor.u32 s24, v3  }
0x7a: {  	[tilespmem:s25+$0x60] =	vst v15;
	v15 =	vld [tilespmem:$0x1FCF0];
	v4 =	vor.u32 s24, v4  }
0x7b: {  	[tilespmem:s25+$0x70] =	vst v16;
	v16 =	vld [tilespmem:$0x1FD00];
	v5 =	vor.u32 s24, v5  }
0x7c: {  	v6 =	vor.u32 s24, v6;
	v1 =	vld.idx.msk [tilespmem:v1+s10+$0x0], $0xffff  }
0x7d: {  	v7 =	vor.u32 s24, v7;
	v2 =	vld.idx.msk [tilespmem:v2+s10+$0x0], $0xffff  }
0x7e: {  	v8 =	vor.u32 s24, v8;
	v3 =	vld.idx.msk [tilespmem:v3+s10+$0x0], $0xffff  }
0x7f: {  	v9 =	vor.u32 s24, v9;
	v4 =	vld.idx.msk [tilespmem:v4+s10+$0x0], $0xffff  }
0x80: {  	v10 =	vor.u32 s24, v10;
	v5 =	vld.idx.msk [tilespmem:v5+s10+$0x0], $0xffff  }
0x81: {  	v11 =	vor.u32 s24, v11;
	v6 =	vld.idx.msk [tilespmem:v6+s10+$0x0], $0xffff  }
0x82: {  	v12 =	vor.u32 s24, v12;
	v7 =	vld.idx.msk [tilespmem:v7+s10+$0x0], $0xffff  }
0x83: {  	v13 =	vor.u32 s24, v13;
	v8 =	vld.idx.msk [tilespmem:v8+s10+$0x0], $0xffff  }
0x84: {  	v14 =	vor.u32 s24, v14;
	v9 =	vld.idx.msk [tilespmem:v9+s10+$0x0], $0xffff  }
0x85: {  	v15 =	vor.u32 s24, v15;
	v10 =	vld.idx.msk [tilespmem:v10+s10+$0x0], $0xffff  }
0x86: {  	v16 =	vor.u32 s24, v16;
	v11 =	vld.idx.msk [tilespmem:v11+s10+$0x0], $0xffff  }
0x87: {  	v12 =	vld.idx.msk [tilespmem:v12+s10+$0x0], $0xffff  }
0x88: {  	v13 =	vld.idx.msk [tilespmem:v13+s10+$0x0], $0xffff  }
0x89: {  	v14 =	vld.idx.msk [tilespmem:v14+s10+$0x0], $0xffff  }
0x8a: {  	v15 =	vld.idx.msk [tilespmem:v15+s10+$0x0], $0xffff  }
0x8b: {  	v16 =	vld.idx.msk [tilespmem:v16+s10+$0x0], $0xffff  }
0x8c: {  	[tilespmem:s25+$0xFFFFFC80] =	vst v1;
	v1 =	vld [tilespmem:$0x1FD10]  }
0x8d: {  	[tilespmem:s25+$0xFFFFFC90] =	vst v2;
	v2 =	vld [tilespmem:$0x1FD20]  }
0x8e: {  	[tilespmem:s25+$0xFFFFFCA0] =	vst v3;
	v3 =	vld [tilespmem:$0x1FD30]  }
0x8f: {  	[tilespmem:s25+$0xFFFFFCB0] =	vst v4;
	v4 =	vld [tilespmem:$0x1FD40]  }
0x90: {  	[tilespmem:s25+$0xFFFFFCC0] =	vst v5;
	v5 =	vld [tilespmem:$0x1FD50]  }
0x91: {  	[tilespmem:s25+$0xFFFFFCD0] =	vst v6;
	v6 =	vld [tilespmem:$0x1FD60]  }
0x92: {  	[tilespmem:s25+$0xFFFFFCE0] =	vst v7;
	v7 =	vld [tilespmem:$0x1FD70]  }
0x93: {  	[tilespmem:s25+$0xFFFFFCF0] =	vst v8;
	v8 =	vld [tilespmem:$0x1FD80]  }
0x94: {  	[tilespmem:s25+$0x80] =	vst v9;
	v9 =	vld [tilespmem:$0x1FD90]  }
0x95: {  	[tilespmem:s25+$0x90] =	vst v10;
	v10 =	vld [tilespmem:$0x1FDA0]  }
0x96: {  	[tilespmem:s25+$0xA0] =	vst v11;
	v11 =	vld [tilespmem:$0x1FDB0]  }
0x97: {  	[tilespmem:s25+$0xB0] =	vst v12;
	v12 =	vld [tilespmem:$0x1FDC0];
	v1 =	vor.u32 s24, v1  }
0x98: {  	[tilespmem:s25+$0xC0] =	vst v13;
	v13 =	vld [tilespmem:$0x1FDD0];
	v2 =	vor.u32 s24, v2  }
0x99: {  	[tilespmem:s25+$0xD0] =	vst v14;
	v14 =	vld [tilespmem:$0x1FDE0];
	v3 =	vor.u32 s24, v3  }
0x9a: {  	[tilespmem:s25+$0xE0] =	vst v15;
	v15 =	vld [tilespmem:$0x1FDF0];
	v4 =	vor.u32 s24, v4  }
0x9b: {  	[tilespmem:s25+$0xF0] =	vst v16;
	v16 =	vld [tilespmem:$0x1FE00];
	v5 =	vor.u32 s24, v5  }
0x9c: {  	v6 =	vor.u32 s24, v6;
	v1 =	vld.idx.msk [tilespmem:v1+s10+$0x0], $0xffff  }
0x9d: {  	v7 =	vor.u32 s24, v7;
	v2 =	vld.idx.msk [tilespmem:v2+s10+$0x0], $0xffff  }
0x9e: {  	v8 =	vor.u32 s24, v8;
	v3 =	vld.idx.msk [tilespmem:v3+s10+$0x0], $0xffff  }
0x9f: {  	v9 =	vor.u32 s24, v9;
	v4 =	vld.idx.msk [tilespmem:v4+s10+$0x0], $0xffff  }
0xa0: {  	v10 =	vor.u32 s24, v10;
	v5 =	vld.idx.msk [tilespmem:v5+s10+$0x0], $0xffff  }
0xa1: {  	v11 =	vor.u32 s24, v11;
	v6 =	vld.idx.msk [tilespmem:v6+s10+$0x0], $0xffff  }
0xa2: {  	v12 =	vor.u32 s24, v12;
	v7 =	vld.idx.msk [tilespmem:v7+s10+$0x0], $0xffff  }
0xa3: {  	v13 =	vor.u32 s24, v13;
	v8 =	vld.idx.msk [tilespmem:v8+s10+$0x0], $0xffff  }
0xa4: {  	v14 =	vor.u32 s24, v14;
	v9 =	vld.idx.msk [tilespmem:v9+s10+$0x0], $0xffff  }
0xa5: {  	v15 =	vor.u32 s24, v15;
	v10 =	vld.idx.msk [tilespmem:v10+s10+$0x0], $0xffff  }
0xa6: {  	v16 =	vor.u32 s24, v16;
	v11 =	vld.idx.msk [tilespmem:v11+s10+$0x0], $0xffff  }
0xa7: {  	v12 =	vld.idx.msk [tilespmem:v12+s10+$0x0], $0xffff  }
0xa8: {  	v13 =	vld.idx.msk [tilespmem:v13+s10+$0x0], $0xffff  }
0xa9: {  	v14 =	vld.idx.msk [tilespmem:v14+s10+$0x0], $0xffff  }
0xaa: {  	v15 =	vld.idx.msk [tilespmem:v15+s10+$0x0], $0xffff  }
0xab: {  	v16 =	vld.idx.msk [tilespmem:v16+s10+$0x0], $0xffff  }
0xac: {  	[tilespmem:s25+$0xFFFFFD00] =	vst v1;
	v1 =	vld [tilespmem:$0x1FE10]  }
0xad: {  	[tilespmem:s25+$0xFFFFFD10] =	vst v2;
	v2 =	vld [tilespmem:$0x1FE20]  }
0xae: {  	[tilespmem:s25+$0xFFFFFD20] =	vst v3;
	v3 =	vld [tilespmem:$0x1FE30]  }
0xaf: {  	[tilespmem:s25+$0xFFFFFD30] =	vst v4;
	v4 =	vld [tilespmem:$0x1FE40]  }
0xb0: {  	[tilespmem:s25+$0xFFFFFD40] =	vst v5;
	v5 =	vld [tilespmem:$0x1FE50]  }
0xb1: {  	[tilespmem:s25+$0xFFFFFD50] =	vst v6;
	v6 =	vld [tilespmem:$0x1FE60]  }
0xb2: {  	[tilespmem:s25+$0xFFFFFD60] =	vst v7;
	v7 =	vld [tilespmem:$0x1FE70]  }
0xb3: {  	[tilespmem:s25+$0xFFFFFD70] =	vst v8;
	v8 =	vld [tilespmem:$0x1FE80]  }
0xb4: {  	[tilespmem:s25+$0x100] =	vst v9;
	v9 =	vld [tilespmem:$0x1FE90]  }
0xb5: {  	[tilespmem:s25+$0x110] =	vst v10;
	v10 =	vld [tilespmem:$0x1FEA0]  }
0xb6: {  	[tilespmem:s25+$0x120] =	vst v11;
	v11 =	vld [tilespmem:$0x1FEB0]  }
0xb7: {  	[tilespmem:s25+$0x130] =	vst v12;
	v12 =	vld [tilespmem:$0x1FEC0];
	v1 =	vor.u32 s24, v1  }
0xb8: {  	[tilespmem:s25+$0x140] =	vst v13;
	v13 =	vld [tilespmem:$0x1FED0];
	v2 =	vor.u32 s24, v2  }
0xb9: {  	[tilespmem:s25+$0x150] =	vst v14;
	v14 =	vld [tilespmem:$0x1FEE0];
	v3 =	vor.u32 s24, v3  }
0xba: {  	[tilespmem:s25+$0x160] =	vst v15;
	v15 =	vld [tilespmem:$0x1FEF0];
	v4 =	vor.u32 s24, v4  }
0xbb: {  	[tilespmem:s25+$0x170] =	vst v16;
	v16 =	vld [tilespmem:$0x1FF00];
	v5 =	vor.u32 s24, v5  }
0xbc: {  	v6 =	vor.u32 s24, v6;
	v1 =	vld.idx.msk [tilespmem:v1+s10+$0x0], $0xffff  }
0xbd: {  	v7 =	vor.u32 s24, v7;
	v2 =	vld.idx.msk [tilespmem:v2+s10+$0x0], $0xffff  }
0xbe: {  	v8 =	vor.u32 s24, v8;
	v3 =	vld.idx.msk [tilespmem:v3+s10+$0x0], $0xffff  }
0xbf: {  	v9 =	vor.u32 s24, v9;
	v4 =	vld.idx.msk [tilespmem:v4+s10+$0x0], $0xffff  }
0xc0: {  	v10 =	vor.u32 s24, v10;
	v5 =	vld.idx.msk [tilespmem:v5+s10+$0x0], $0xffff  }
0xc1: {  	v11 =	vor.u32 s24, v11;
	v6 =	vld.idx.msk [tilespmem:v6+s10+$0x0], $0xffff  }
0xc2: {  	v12 =	vor.u32 s24, v12;
	v7 =	vld.idx.msk [tilespmem:v7+s10+$0x0], $0xffff  }
0xc3: {  	v13 =	vor.u32 s24, v13;
	v8 =	vld.idx.msk [tilespmem:v8+s10+$0x0], $0xffff  }
0xc4: {  	v14 =	vor.u32 s24, v14;
	v9 =	vld.idx.msk [tilespmem:v9+s10+$0x0], $0xffff  }
0xc5: {  	v15 =	vor.u32 s24, v15;
	v10 =	vld.idx.msk [tilespmem:v10+s10+$0x0], $0xffff  }
0xc6: {  	v16 =	vor.u32 s24, v16;
	v11 =	vld.idx.msk [tilespmem:v11+s10+$0x0], $0xffff  }
0xc7: {  	v12 =	vld.idx.msk [tilespmem:v12+s10+$0x0], $0xffff  }
0xc8: {  	v13 =	vld.idx.msk [tilespmem:v13+s10+$0x0], $0xffff  }
0xc9: {  	v14 =	vld.idx.msk [tilespmem:v14+s10+$0x0], $0xffff  }
0xca: {  	v15 =	vld.idx.msk [tilespmem:v15+s10+$0x0], $0xffff  }
0xcb: {  	v16 =	vld.idx.msk [tilespmem:v16+s10+$0x0], $0xffff;
	[tilespmem:s25+$0xFFFFFD80] =	vst v1;
	v1 =	vor.u32 $0x4, v0  }
0xcc: {  	[tilespmem:$0x1FB00] =	vst v1  }
0xcd: {  	[tilespmem:s25+$0xFFFFFD90] =	vst v2  }
0xce: {  	[tilespmem:s25+$0xFFFFFDA0] =	vst v3  }
0xcf: {  	[tilespmem:s25+$0xFFFFFDB0] =	vst v4  }
0xd0: {  	[tilespmem:s25+$0xFFFFFDC0] =	vst v5  }
0xd1: {  	[tilespmem:s25+$0xFFFFFDD0] =	vst v6  }
0xd2: {  	[tilespmem:s25+$0xFFFFFDE0] =	vst v7  }
0xd3: {  	[tilespmem:s25+$0xFFFFFDF0] =	vst v8  }
0xd4: {  	[tilespmem:s25+$0x180] =	vst v9  }
0xd5: {  	[tilespmem:s25+$0x190] =	vst v10  }
0xd6: {  	[tilespmem:s25+$0x1A0] =	vst v11  }
0xd7: {  	[tilespmem:s25+$0x1B0] =	vst v12  }
0xd8: {  	[tilespmem:s25+$0x1C0] =	vst v13  }
0xd9: {  	[tilespmem:s25+$0x1D0] =	vst v14  }
0xda: {  	[tilespmem:s25+$0x1E0] =	vst v15  }
0xdb: {  	v1 =	vor.u32 s24, v1;
	v2 =	vor.u32 $0x804, v0;
	[tilespmem:s25+$0x1F0] =	vst v16  }
0xdc: {  	[tilespmem:$0x1FB10] =	vst v2;
	v8 =	vor.u32 s24, v2;
	v2 =	vor.u32 $0x1004, v0  }
0xdd: {  	[tilespmem:$0x1FB20] =	vst v2;
	v9 =	vor.u32 s24, v2;
	v2 =	vor.u32 $0x1804, v0  }
0xde: {  	[tilespmem:$0x1FB30] =	vst v2;
	v10 =	vor.u32 s24, v2;
	v2 =	vor.u32 $0x2004, v0  }
0xdf: {  	[tilespmem:$0x1FB40] =	vst v2;
	v11 =	vor.u32 s24, v2;
	v2 =	vor.u32 $0x2804, v0  }
0xe0: {  	v1 =	vld.idx.msk [tilespmem:v1+s10+$0x0], $0xffff;
	[tilespmem:$0x1FB50] =	vst v2;
	v12 =	vor.u32 s24, v2;
	v2 =	vor.u32 $0x3004, v0  }
0xe1: {  	v17 =	vld.idx.msk [tilespmem:v8+s10+$0x0], $0xffff;
	[tilespmem:$0x1FB60] =	vst v2;
	v13 =	vor.u32 s24, v2;
	v2 =	vor.u32 $0x3804, v0  }
0xe2: {  	v18 =	vld.idx.msk [tilespmem:v9+s10+$0x0], $0xffff;
	[tilespmem:$0x1FB70] =	vst v2;
	v14 =	vor.u32 s24, v2;
	v2 =	vor.u32 $0x4004, v0  }
0xe3: {  	v19 =	vld.idx.msk [tilespmem:v10+s10+$0x0], $0xffff;
	[tilespmem:$0x1FB80] =	vst v2;
	v15 =	vor.u32 s24, v2;
	v2 =	vor.u32 $0x4804, v0  }
0xe4: {  	v20 =	vld.idx.msk [tilespmem:v11+s10+$0x0], $0xffff;
	[tilespmem:$0x1FB90] =	vst v2;
	v16 =	vor.u32 s24, v2;
	v2 =	vor.u32 $0x5004, v0  }
0xe5: {  	v21 =	vld.idx.msk [tilespmem:v12+s10+$0x0], $0xffff;
	[tilespmem:$0x1FBA0] =	vst v2;
	v22 =	vor.u32 s24, v2;
	v2 =	vor.u32 $0x5804, v0  }
0xe6: {  	v23 =	vld.idx.msk [tilespmem:v13+s10+$0x0], $0xffff;
	[tilespmem:$0x1FBB0] =	vst v2;
	v24 =	vor.u32 s24, v2;
	v2 =	vor.u32 $0x6004, v0  }
0xe7: {  	v25 =	vld.idx.msk [tilespmem:v14+s10+$0x0], $0xffff;
	[tilespmem:$0x1FBC0] =	vst v2;
	v26 =	vor.u32 s24, v2;
	v2 =	vor.u32 $0x6804, v0  }
0xe8: {  	v27 =	vld.idx.msk [tilespmem:v15+s10+$0x0], $0xffff;
	[tilespmem:$0x1FBD0] =	vst v2;
	v28 =	vor.u32 s24, v2;
	v2 =	vor.u32 $0x7004, v0  }
0xe9: {  	v29 =	vld.idx.msk [tilespmem:v16+s10+$0x0], $0xffff;
	[tilespmem:$0x1FBE0] =	vst v2;
	v30 =	vor.u32 s24, v2;
	v2 =	vor.u32 $0x7804, v0  }
0xea: {  	v22 =	vld.idx.msk [tilespmem:v22+s10+$0x0], $0xffff;
	v31 =	vor.u32 s24, v2  }
0xeb: {  	v24 =	vld.idx.msk [tilespmem:v24+s10+$0x0], $0xffff  }
0xec: {  	v26 =	vld.idx.msk [tilespmem:v26+s10+$0x0], $0xffff  }
0xed: {  	v28 =	vld.idx.msk [tilespmem:v28+s10+$0x0], $0xffff  }
0xee: {  	v30 =	vld.idx.msk [tilespmem:v30+s10+$0x0], $0xffff  }
0xef: {  	v31 =	vld.idx.msk [tilespmem:v31+s10+$0x0], $0xffff;
	[tilespmem:s25+$0xFFFFFE00] =	vst v1  }
0xf0: {  	[tilespmem:s25+$0xFFFFFE10] =	vst v17  }
0xf1: {  	[tilespmem:s25+$0xFFFFFE20] =	vst v18  }
0xf2: {  	[tilespmem:s25+$0xFFFFFE30] =	vst v19  }
0xf3: {  	[tilespmem:s25+$0xFFFFFE40] =	vst v20  }
0xf4: {  	[tilespmem:s25+$0xFFFFFE50] =	vst v21  }
0xf5: {  	[tilespmem:s25+$0xFFFFFE60] =	vst v23  }
0xf6: {  	[tilespmem:s25+$0xFFFFFE70] =	vst v25  }
0xf7: {  	[tilespmem:s25+$0x200] =	vst v27  }
0xf8: {  	[tilespmem:s25+$0x210] =	vst v29  }
0xf9: {  	[tilespmem:s25+$0x220] =	vst v22  }
0xfa: {  	v1 =	vor.u32 $0x5, v0;
	[tilespmem:s25+$0x230] =	vst v24  }
0xfb: {  	v18 =	vor.u32 $0x805, v0;
	[tilespmem:$0x1FC00] =	vst v1;
	v1 =	vor.u32 s24, v1  }
0xfc: {  	v19 =	vor.u32 $0x1005, v0;
	v24 =	vor.u32 s24, v18;
	[tilespmem:s25+$0x240] =	vst v26  }
0xfd: {  	v20 =	vor.u32 $0x1805, v0;
	v25 =	vor.u32 s24, v19;
	[tilespmem:s25+$0x250] =	vst v28  }
0xfe: {  	v21 =	vor.u32 $0x2005, v0;
	v26 =	vor.u32 s24, v20;
	[tilespmem:s25+$0x260] =	vst v30  }
0xff: {  	v23 =	vor.u32 $0x3005, v0;
	v27 =	vor.u32 s24, v21;
	[tilespmem:s25+$0x270] =	vst v31  }
0x100: {  	v22 =	vor.u32 $0x2805, v0;
	v29 =	vor.u32 s24, v23;
	v1 =	vld.idx.msk [tilespmem:v1+s10+$0x0], $0xffff  }
0x101: {  	v28 =	vor.u32 s24, v22;
	v33 =	vld.idx.msk [tilespmem:v24+s10+$0x0], $0xffff;
	v24 =	vor.u32 $0x3805, v0  }
0x102: {  	v34 =	vld.idx.msk [tilespmem:v25+s10+$0x0], $0xffff;
	v25 =	vor.u32 $0x4005, v0;
	v30 =	vor.u32 s24, v24  }
0x103: {  	v35 =	vld.idx.msk [tilespmem:v26+s10+$0x0], $0xffff;
	v31 =	vor.u32 s24, v25;
	v26 =	vor.u32 $0x4805, v0  }
0x104: {  	v36 =	vld.idx.msk [tilespmem:v27+s10+$0x0], $0xffff;
	v27 =	vor.u32 $0x5005, v0;
	v32 =	vor.u32 s24, v26  }
0x105: {  	v39 =	vld.idx.msk [tilespmem:v29+s10+$0x0], $0xffff;
	v29 =	vor.u32 $0x6005, v0;
	v38 =	vor.u32 s24, v27  }
0x106: {  	v42 =	vor.u32 s24, v29;
	v37 =	vld.idx.msk [tilespmem:v28+s10+$0x0], $0xffff;
	v28 =	vor.u32 $0x5805, v0  }
0x107: {  	v40 =	vor.u32 s24, v28;
	v41 =	vld.idx.msk [tilespmem:v30+s10+$0x0], $0xffff;
	v30 =	vor.u32 $0x6805, v0  }
0x108: {  	v43 =	vld.idx.msk [tilespmem:v31+s10+$0x0], $0xffff;
	v31 =	vor.u32 $0x7005, v0;
	v44 =	vor.u32 s24, v30  }
0x109: {  	v45 =	vld.idx.msk [tilespmem:v32+s10+$0x0], $0xffff;
	v46 =	vor.u32 s24, v31;
	v32 =	vor.u32 $0x7805, v0  }
0x10a: {  	v38 =	vld.idx.msk [tilespmem:v38+s10+$0x0], $0xffff;
	v47 =	vor.u32 s24, v32  }
0x10b: {  	v42 =	vld.idx.msk [tilespmem:v42+s10+$0x0], $0xffff  }
0x10c: {  	v40 =	vld.idx.msk [tilespmem:v40+s10+$0x0], $0xffff  }
0x10d: {  	v44 =	vld.idx.msk [tilespmem:v44+s10+$0x0], $0xffff  }
0x10e: {  	v46 =	vld.idx.msk [tilespmem:v46+s10+$0x0], $0xffff  }
0x10f: {  	v47 =	vld.idx.msk [tilespmem:v47+s10+$0x0], $0xffff;
	[tilespmem:s25+$0xFFFFFE80] =	vst v1  }
0x110: {  	[tilespmem:s25+$0xFFFFFE90] =	vst v33  }
0x111: {  	[tilespmem:s25+$0xFFFFFEA0] =	vst v34  }
0x112: {  	[tilespmem:s25+$0xFFFFFEB0] =	vst v35  }
0x113: {  	[tilespmem:s25+$0xFFFFFEC0] =	vst v36  }
0x114: {  	[tilespmem:s25+$0xFFFFFED0] =	vst v37  }
0x115: {  	[tilespmem:s25+$0xFFFFFEE0] =	vst v39  }
0x116: {  	[tilespmem:s25+$0xFFFFFEF0] =	vst v41  }
0x117: {  	[tilespmem:s25+$0x280] =	vst v43  }
0x118: {  	[tilespmem:s25+$0x290] =	vst v45  }
0x119: {  	[tilespmem:s25+$0x2A0] =	vst v38;
	v33 =	vor.u32 $0x6, v0  }
0x11a: {  	[tilespmem:s25+$0x2B0] =	vst v40;
	v34 =	vor.u32 $0x806, v0;
	v1 =	vor.u32 s24, v33  }
0x11b: {  	[tilespmem:s25+$0x2C0] =	vst v42;
	v35 =	vor.u32 $0x1006, v0;
	v56 =	vor.u32 s24, v34  }
0x11c: {  	v36 =	vor.u32 $0x1806, v0;
	v57 =	vor.u32 s24, v35;
	[tilespmem:s25+$0x2D0] =	vst v44  }
0x11d: {  	v37 =	vor.u32 $0x2006, v0;
	v58 =	vor.u32 s24, v36;
	[tilespmem:s25+$0x2E0] =	vst v46  }
0x11e: {  	v38 =	vor.u32 $0x2806, v0;
	v59 =	vor.u32 s24, v37;
	[tilespmem:s25+$0x2F0] =	vst v47  }
0x11f: {  	v39 =	vor.u32 $0x3006, v0;
	v61 =	vor.u32 s24, v38;
	v1 =	vld.idx.msk [tilespmem:v1+s10+$0x0], $0xffff  }
0x120: {  	v40 =	vor.u32 $0x3806, v0;
	v62 =	vor.u32 s24, v39;
	v49 =	vld.idx.msk [tilespmem:v56+s10+$0x0], $0xffff  }
0x121: {  	v41 =	vor.u32 $0x4006, v0;
	v63 =	vor.u32 s24, v40;
	v50 =	vld.idx.msk [tilespmem:v57+s10+$0x0], $0xffff  }
0x122: {  	v42 =	vor.u32 $0x4806, v0;
	v60 =	vor.u32 s24, v41;
	v51 =	vld.idx.msk [tilespmem:v58+s10+$0x0], $0xffff  }
0x123: {  	v43 =	vor.u32 $0x5006, v0;
	v48 =	vor.u32 s24, v42;
	v52 =	vld.idx.msk [tilespmem:v59+s10+$0x0], $0xffff  }
0x124: {  	v54 =	vor.u32 s24, v43;
	v44 =	vor.u32 $0x5806, v0;
	v53 =	vld.idx.msk [tilespmem:v61+s10+$0x0], $0xffff  }
0x125: {  	v45 =	vor.u32 $0x6006, v0;
	v55 =	vld.idx.msk [tilespmem:v62+s10+$0x0], $0xffff;
	v56 =	vor.u32 s24, v44  }
0x126: {  	v46 =	vor.u32 $0x6806, v0;
	v57 =	vld.idx.msk [tilespmem:v63+s10+$0x0], $0xffff;
	v58 =	vor.u32 s24, v45  }
0x127: {  	v47 =	vor.u32 $0x7006, v0;
	v59 =	vld.idx.msk [tilespmem:v60+s10+$0x0], $0xffff;
	v60 =	vor.u32 s24, v46  }
0x128: {  	v61 =	vld.idx.msk [tilespmem:v48+s10+$0x0], $0xffff;
	v62 =	vor.u32 s24, v47;
	v48 =	vor.u32 $0x7806, v0  }
0x129: {  	v54 =	vld.idx.msk [tilespmem:v54+s10+$0x0], $0xffff;
	v63 =	vor.u32 s24, v48  }
0x12a: {  	v56 =	vld.idx.msk [tilespmem:v56+s10+$0x0], $0xffff  }
0x12b: {  	v58 =	vld.idx.msk [tilespmem:v58+s10+$0x0], $0xffff  }
0x12c: {  	v60 =	vld.idx.msk [tilespmem:v60+s10+$0x0], $0xffff  }
0x12d: {  	v62 =	vld.idx.msk [tilespmem:v62+s10+$0x0], $0xffff  }
0x12e: {  	v63 =	vld.idx.msk [tilespmem:v63+s10+$0x0], $0xffff;
	[tilespmem:s25+$0xFFFFFF00] =	vst v1  }
0x12f: {  	[tilespmem:s25+$0xFFFFFF10] =	vst v49  }
0x130: {  	[tilespmem:s25+$0xFFFFFF20] =	vst v50  }
0x131: {  	[tilespmem:s25+$0xFFFFFF30] =	vst v51  }
0x132: {  	[tilespmem:s25+$0xFFFFFF40] =	vst v52  }
0x133: {  	[tilespmem:s25+$0xFFFFFF50] =	vst v53  }
0x134: {  	[tilespmem:s25+$0xFFFFFF60] =	vst v55  }
0x135: {  	[tilespmem:s25+$0xFFFFFF70] =	vst v57  }
0x136: {  	[tilespmem:s25+$0x300] =	vst v59  }
0x137: {  	[tilespmem:s25+$0x310] =	vst v61  }
0x138: {  	[tilespmem:s25+$0x320] =	vst v54;
	v49 =	vor.u32 $0x7, v0  }
0x139: {  	v50 =	vor.u32 $0x807, v0;
	v1 =	vor.u32 s24, v49;
	[tilespmem:s25+$0x330] =	vst v56  }
0x13a: {  	v51 =	vor.u32 $0x1007, v0;
	v61 =	vor.u32 s24, v50;
	[tilespmem:s25+$0x340] =	vst v58  }
0x13b: {  	v53 =	vor.u32 $0x2007, v0;
	v57 =	vor.u32 s24, v51;
	[tilespmem:s25+$0x350] =	vst v60  }
0x13c: {  	v52 =	vor.u32 $0x1807, v0;
	v59 =	vor.u32 s24, v53;
	[tilespmem:s25+$0x360] =	vst v62  }
0x13d: {  	v58 =	vor.u32 s24, v52;
	v56 =	vor.u32 $0x3807, v0;
	[tilespmem:s25+$0x370] =	vst v63  }
0x13e: {  	[tilespmem:$0x1FBF0] =	vst v2;
	v60 =	vor.u32 $0x5807, v0;
	v62 =	vor.u32 s24, v56;
	v2 =	vld.idx.msk [tilespmem:v1+s10+$0x0], $0xffff  }
0x13f: {  	v55 =	vor.u32 $0x3007, v0;
	v11 =	vor.u32 s24, v60;
	v3 =	vld.idx.msk [tilespmem:v61+s10+$0x0], $0xffff  }
0x140: {  	v54 =	vor.u32 $0x2807, v0;
	v61 =	vor.u32 s24, v55;
	v4 =	vld.idx.msk [tilespmem:v57+s10+$0x0], $0xffff  }
0x141: {  	v1 =	vor.u32 s24, v54;
	v57 =	vor.u32 $0x4007, v0;
	v6 =	vld.idx.msk [tilespmem:v59+s10+$0x0], $0xffff  }
0x142: {  	v59 =	vor.u32 $0x5007, v0;
	v63 =	vor.u32 s24, v57;
	v5 =	vld.idx.msk [tilespmem:v58+s10+$0x0], $0xffff  }
0x143: {  	v9 =	vor.u32 s24, v59;
	v58 =	vor.u32 $0x4807, v0;
	v12 =	vld.idx.msk [tilespmem:v62+s10+$0x0], $0xffff  }
0x144: {  	v7 =	vor.u32 s24, v58;
	v62 =	vor.u32 $0x6807, v0;
	v11 =	vld.idx.msk [tilespmem:v11+s10+$0x0], $0xffff  }
0x145: {  	v10 =	vld.idx.msk [tilespmem:v61+s10+$0x0], $0xffff;
	v61 =	vor.u32 $0x6007, v0;
	v15 =	vor.u32 s24, v62  }
0x146: {  	v8 =	vld.idx.msk [tilespmem:v1+s10+$0x0], $0xffff;
	v1 =	vor.u32 $0x7807, v0;
	v13 =	vor.u32 s24, v61  }
0x147: {  	v14 =	vld.idx.msk [tilespmem:v63+s10+$0x0], $0xffff;
	v63 =	vor.u32 $0x7007, v0;
	v17 =	vor.u32 s24, v1  }
0x148: {  	v9 =	vld.idx.msk [tilespmem:v9+s10+$0x0], $0xffff;
	v16 =	vor.u32 s24, v63  }
0x149: {  	v7 =	vld.idx.msk [tilespmem:v7+s10+$0x0], $0xffff  }
0x14a: {  	v15 =	vld.idx.msk [tilespmem:v15+s10+$0x0], $0xffff  }
0x14b: {  	v13 =	vld.idx.msk [tilespmem:v13+s10+$0x0], $0xffff  }
0x14c: {  	v17 =	vld.idx.msk [tilespmem:v17+s10+$0x0], $0xffff  }
0x14d: {  	v16 =	vld.idx.msk [tilespmem:v16+s10+$0x0], $0xffff;
	[tilespmem:s25+$0xFFFFFF80] =	vst v2  }
0x14e: {  	[tilespmem:s25+$0xFFFFFF90] =	vst v3;
	v2 =	vld [tilespmem:$0x1FF10]  }
0x14f: {  	[tilespmem:s25+$0xFFFFFFA0] =	vst v4;
	v3 =	vld [tilespmem:$0x1FF20]  }
0x150: {  	[tilespmem:s25+$0xFFFFFFB0] =	vst v5;
	v4 =	vld [tilespmem:$0x1FF30]  }
0x151: {  	[tilespmem:s25+$0xFFFFFFC0] =	vst v6;
	v5 =	vld [tilespmem:$0x1FF40]  }
0x152: {  	[tilespmem:s25+$0xFFFFFFD0] =	vst v8;
	v8 =	vld [tilespmem:$0x1FF60]  }
0x153: {  	[tilespmem:s25+$0xFFFFFFE0] =	vst v10;
	v10 =	vld [tilespmem:$0x1FF80]  }
0x154: {  	[tilespmem:s25+$0xFFFFFFF0] =	vst v12;
	v12 =	vld [tilespmem:$0x1FFA0]  }
0x155: {  	[tilespmem:s25+$0x380] =	vst v14;
	v14 =	vld [tilespmem:$0x1FFC0]  }
0x156: {  	v6 =	vld [tilespmem:$0x1FF50];
	[tilespmem:s25+$0x3A0] =	vst v9  }
0x157: {  	p1 =	sne.s32 s24, $0x38;
	v9 =	vld [tilespmem:$0x1FF70];
	[tilespmem:s25+$0x3B0] =	vst v11  }
.Ltmp2:
0x158: {  	v11 =	vld [tilespmem:$0x1FF90];
	[tilespmem:s25+$0x390] =	vst v7;
	(pc) =	sbr.rel @p1 .LBB2_3-.Ltmp2, $4  }
0x159: {  	[tilespmem:s25+$0x3D0] =	vst v15;
	v15 =	vld [tilespmem:$0x1FFD0]  }
0x15a: {  	[tilespmem:s25+$0x3C0] =	vst v13;
	v13 =	vld [tilespmem:$0x1FFB0]  }
0x15b: {  	[tilespmem:s25+$0x3F0] =	vst v17;
	v17 =	vld [tilespmem:$0x1FFF0]  }
0x15c: {  	s24 =	sadd.s32 $0x8, s24;
	[tilespmem:s25+$0x3E0] =	vst v16;
	v16 =	vld [tilespmem:$0x1FFE0];
	s25 =	sadd.s32 $0x800, s25  }
0x15d: {  	s24 =	sshll.u32 s23, $0x8  }
0x15e: {  	s31 =	sshll.u32 s23, $0xB;
	s24 =	sand.u32 $0x3E00, s24  }
0x15f: {  	s23 =	sand.u32 $0xFFE0000, s31;
	s24 =	sadd.s32 s1, s24  }
0x160: {  	p1 =	seq.s32 s21, $0x19;
	s23 =	sadd.s32 s23, s24  }
0x161: {  	[hbm4b:s23+s13] =	stream.strided.scatter [tilespmem:s15], [sflag:$0x3], $0x4000, s14, s13, $0x38;
	[tilespmem:$0x1B400] =	vst v63  }
0x162: {  	s23 =	sshll.u32 @!p1 s21, $0x9  }
0x163: {  	s23 =	sand.u32 @!p1 $0x3FFFFE00, s23  }
0x164: {  	s25 =	simm.s32 @!p1 $0x3400;
	s24 =	simm.s32 @!p1 $0x100;
	s23 =	sadd.s32 @!p1 $0x200, s23  }
0x165: {  	[tilespmem:s25], [sflag:$0x1] =	stream.indirect.gather @!p1 [hbm4b:s0+s24], $0x80, s23, s24, $0xb8;
	[tilespmem:$0x1B400] =	vst v63  }
0x166: {  	_ =	swait.ge [sflag:s16], $0x8000  }
0x167: {  	[sflag:s16] =	ssyncset.done $0x0  }
0x168: {  	s23 =	simm.s32 @!p0 $0x4;
	[sflag:s16] =	ssyncadd.s32 $0xFFFF8000  }
0x169: {  	s22 =	sadd.s32 s22, s5;
	_ =	swait.ge @!p0 [sflag:s23], $0x4000  }
0x16a: {  	s22 =	sadd.s32 $0x1, s22;
	[sflag:s23] =	ssyncset.done @!p0 $0x0  }
0x16b: {  	s24 =	simm.s32 $0x17800;
	[sflag:s23] =	ssyncadd.s32 @!p0 $0xFFFFC000;
	s23 =	simm.s32 $0x0  }
.LBB2_5:
0x16c: {  	v3 =	vld [tilespmem:$0x1FF10]  }
0x16d: {  	v4 =	vld [tilespmem:$0x1FF20]  }
0x16e: {  	v5 =	vld [tilespmem:$0x1FF30]  }
0x16f: {  	v6 =	vld [tilespmem:$0x1FF40]  }
0x170: {  	v7 =	vld [tilespmem:$0x1FF50]  }
0x171: {  	v8 =	vld [tilespmem:$0x1FF60]  }
0x172: {  	v9 =	vld [tilespmem:$0x1FF70]  }
0x173: {  	v10 =	vld [tilespmem:$0x1FF80]  }
0x174: {  	v11 =	vld [tilespmem:$0x1FF90]  }
0x175: {  	v12 =	vld [tilespmem:$0x1FFA0]  }
0x176: {  	v2 =	vor.u32 s23, v0;
	v13 =	vld [tilespmem:$0x1FFB0]  }
0x177: {  	v14 =	vld [tilespmem:$0x1FFC0];
	v3 =	vor.u32 s23, v3  }
0x178: {  	v15 =	vld [tilespmem:$0x1FFD0];
	v4 =	vor.u32 s23, v4  }
0x179: {  	v16 =	vld [tilespmem:$0x1FFE0];
	v5 =	vor.u32 s23, v5  }
0x17a: {  	v17 =	vld [tilespmem:$0x1FFF0];
	v6 =	vor.u32 s23, v6  }
0x17b: {  	v2 =	vld.idx.msk [tilespmem:v2+s11+$0x0], $0xffff;
	v7 =	vor.u32 s23, v7  }
0x17c: {  	v8 =	vor.u32 s23, v8;
	v3 =	vld.idx.msk [tilespmem:v3+s11+$0x0], $0xffff  }
0x17d: {  	v9 =	vor.u32 s23, v9;
	v4 =	vld.idx.msk [tilespmem:v4+s11+$0x0], $0xffff  }
0x17e: {  	v10 =	vor.u32 s23, v10;
	v5 =	vld.idx.msk [tilespmem:v5+s11+$0x0], $0xffff  }
0x17f: {  	v11 =	vor.u32 s23, v11;
	v6 =	vld.idx.msk [tilespmem:v6+s11+$0x0], $0xffff  }
0x180: {  	v12 =	vor.u32 s23, v12;
	v7 =	vld.idx.msk [tilespmem:v7+s11+$0x0], $0xffff  }
0x181: {  	v13 =	vor.u32 s23, v13;
	v8 =	vld.idx.msk [tilespmem:v8+s11+$0x0], $0xffff  }
0x182: {  	v14 =	vor.u32 s23, v14;
	v9 =	vld.idx.msk [tilespmem:v9+s11+$0x0], $0xffff  }
0x183: {  	v15 =	vor.u32 s23, v15;
	v10 =	vld.idx.msk [tilespmem:v10+s11+$0x0], $0xffff  }
0x184: {  	v16 =	vor.u32 s23, v16;
	v11 =	vld.idx.msk [tilespmem:v11+s11+$0x0], $0xffff  }
0x185: {  	v17 =	vor.u32 s23, v17;
	v12 =	vld.idx.msk [tilespmem:v12+s11+$0x0], $0xffff  }
0x186: {  	v13 =	vld.idx.msk [tilespmem:v13+s11+$0x0], $0xffff  }
0x187: {  	v14 =	vld.idx.msk [tilespmem:v14+s11+$0x0], $0xffff  }
0x188: {  	v15 =	vld.idx.msk [tilespmem:v15+s11+$0x0], $0xffff  }
0x189: {  	v16 =	vld.idx.msk [tilespmem:v16+s11+$0x0], $0xffff  }
0x18a: {  	v17 =	vld.idx.msk [tilespmem:v17+s11+$0x0], $0xffff  }
0x18b: {  	[tilespmem:s24+$0xFFFFFC00] =	vst v2;
	v2 =	vld [tilespmem:$0x1FC10]  }
0x18c: {  	[tilespmem:s24+$0xFFFFFC10] =	vst v3;
	v3 =	vld [tilespmem:$0x1FC20]  }
0x18d: {  	[tilespmem:s24+$0xFFFFFC20] =	vst v4;
	v4 =	vld [tilespmem:$0x1FC30]  }
0x18e: {  	[tilespmem:s24+$0xFFFFFC30] =	vst v5;
	v5 =	vld [tilespmem:$0x1FC40]  }
0x18f: {  	[tilespmem:s24+$0xFFFFFC40] =	vst v6;
	v6 =	vld [tilespmem:$0x1FC50]  }
0x190: {  	[tilespmem:s24+$0xFFFFFC50] =	vst v7;
	v7 =	vld [tilespmem:$0x1FC60]  }
0x191: {  	[tilespmem:s24+$0xFFFFFC60] =	vst v8;
	v8 =	vld [tilespmem:$0x1FC70]  }
0x192: {  	[tilespmem:s24+$0xFFFFFC70] =	vst v9;
	v9 =	vld [tilespmem:$0x1FC80]  }
0x193: {  	[tilespmem:s24+$0x0] =	vst v10;
	v10 =	vld [tilespmem:$0x1FC90]  }
0x194: {  	[tilespmem:s24+$0x10] =	vst v11;
	v11 =	vld [tilespmem:$0x1FCA0]  }
0x195: {  	[tilespmem:s24+$0x20] =	vst v12;
	v12 =	vld [tilespmem:$0x1FCB0]  }
0x196: {  	[tilespmem:s24+$0x30] =	vst v13;
	v2 =	vor.u32 s23, v2;
	v13 =	vld [tilespmem:$0x1FCC0]  }
0x197: {  	[tilespmem:s24+$0x40] =	vst v14;
	v14 =	vld [tilespmem:$0x1FCD0];
	v3 =	vor.u32 s23, v3  }
0x198: {  	[tilespmem:s24+$0x50] =	vst v15;
	v15 =	vld [tilespmem:$0x1FCE0];
	v4 =	vor.u32 s23, v4  }
0x199: {  	[tilespmem:s24+$0x60] =	vst v16;
	v16 =	vld [tilespmem:$0x1FCF0];
	v5 =	vor.u32 s23, v5  }
0x19a: {  	[tilespmem:s24+$0x70] =	vst v17;
	v17 =	vld [tilespmem:$0x1FD00];
	v6 =	vor.u32 s23, v6  }
0x19b: {  	v2 =	vld.idx.msk [tilespmem:v2+s11+$0x0], $0xffff;
	v7 =	vor.u32 s23, v7  }
0x19c: {  	v8 =	vor.u32 s23, v8;
	v3 =	vld.idx.msk [tilespmem:v3+s11+$0x0], $0xffff  }
0x19d: {  	v9 =	vor.u32 s23, v9;
	v4 =	vld.idx.msk [tilespmem:v4+s11+$0x0], $0xffff  }
0x19e: {  	v10 =	vor.u32 s23, v10;
	v5 =	vld.idx.msk [tilespmem:v5+s11+$0x0], $0xffff  }
0x19f: {  	v11 =	vor.u32 s23, v11;
	v6 =	vld.idx.msk [tilespmem:v6+s11+$0x0], $0xffff  }
0x1a0: {  	v12 =	vor.u32 s23, v12;
	v7 =	vld.idx.msk [tilespmem:v7+s11+$0x0], $0xffff  }
0x1a1: {  	v13 =	vor.u32 s23, v13;
	v8 =	vld.idx.msk [tilespmem:v8+s11+$0x0], $0xffff  }
0x1a2: {  	v14 =	vor.u32 s23, v14;
	v9 =	vld.idx.msk [tilespmem:v9+s11+$0x0], $0xffff  }
0x1a3: {  	v15 =	vor.u32 s23, v15;
	v10 =	vld.idx.msk [tilespmem:v10+s11+$0x0], $0xffff  }
0x1a4: {  	v16 =	vor.u32 s23, v16;
	v11 =	vld.idx.msk [tilespmem:v11+s11+$0x0], $0xffff  }
0x1a5: {  	v17 =	vor.u32 s23, v17;
	v12 =	vld.idx.msk [tilespmem:v12+s11+$0x0], $0xffff  }
0x1a6: {  	v13 =	vld.idx.msk [tilespmem:v13+s11+$0x0], $0xffff  }
0x1a7: {  	v14 =	vld.idx.msk [tilespmem:v14+s11+$0x0], $0xffff  }
0x1a8: {  	v15 =	vld.idx.msk [tilespmem:v15+s11+$0x0], $0xffff  }
0x1a9: {  	v16 =	vld.idx.msk [tilespmem:v16+s11+$0x0], $0xffff  }
0x1aa: {  	v17 =	vld.idx.msk [tilespmem:v17+s11+$0x0], $0xffff  }
0x1ab: {  	[tilespmem:s24+$0xFFFFFC80] =	vst v2;
	v2 =	vld [tilespmem:$0x1FD10]  }
0x1ac: {  	[tilespmem:s24+$0xFFFFFC90] =	vst v3;
	v3 =	vld [tilespmem:$0x1FD20]  }
0x1ad: {  	[tilespmem:s24+$0xFFFFFCA0] =	vst v4;
	v4 =	vld [tilespmem:$0x1FD30]  }
0x1ae: {  	[tilespmem:s24+$0xFFFFFCB0] =	vst v5;
	v5 =	vld [tilespmem:$0x1FD40]  }
0x1af: {  	[tilespmem:s24+$0xFFFFFCC0] =	vst v6;
	v6 =	vld [tilespmem:$0x1FD50]  }
0x1b0: {  	[tilespmem:s24+$0xFFFFFCD0] =	vst v7;
	v7 =	vld [tilespmem:$0x1FD60]  }
0x1b1: {  	[tilespmem:s24+$0xFFFFFCE0] =	vst v8;
	v8 =	vld [tilespmem:$0x1FD70]  }
0x1b2: {  	[tilespmem:s24+$0xFFFFFCF0] =	vst v9;
	v9 =	vld [tilespmem:$0x1FD80]  }
0x1b3: {  	[tilespmem:s24+$0x80] =	vst v10;
	v10 =	vld [tilespmem:$0x1FD90]  }
0x1b4: {  	[tilespmem:s24+$0x90] =	vst v11;
	v11 =	vld [tilespmem:$0x1FDA0]  }
0x1b5: {  	[tilespmem:s24+$0xA0] =	vst v12;
	v12 =	vld [tilespmem:$0x1FDB0]  }
0x1b6: {  	[tilespmem:s24+$0xB0] =	vst v13;
	v2 =	vor.u32 s23, v2;
	v13 =	vld [tilespmem:$0x1FDC0]  }
0x1b7: {  	[tilespmem:s24+$0xC0] =	vst v14;
	v14 =	vld [tilespmem:$0x1FDD0];
	v3 =	vor.u32 s23, v3  }
0x1b8: {  	[tilespmem:s24+$0xD0] =	vst v15;
	v15 =	vld [tilespmem:$0x1FDE0];
	v4 =	vor.u32 s23, v4  }
0x1b9: {  	[tilespmem:s24+$0xE0] =	vst v16;
	v16 =	vld [tilespmem:$0x1FDF0];
	v5 =	vor.u32 s23, v5  }
0x1ba: {  	[tilespmem:s24+$0xF0] =	vst v17;
	v17 =	vld [tilespmem:$0x1FE00];
	v6 =	vor.u32 s23, v6  }
0x1bb: {  	v2 =	vld.idx.msk [tilespmem:v2+s11+$0x0], $0xffff;
	v7 =	vor.u32 s23, v7  }
0x1bc: {  	v8 =	vor.u32 s23, v8;
	v3 =	vld.idx.msk [tilespmem:v3+s11+$0x0], $0xffff  }
0x1bd: {  	v9 =	vor.u32 s23, v9;
	v4 =	vld.idx.msk [tilespmem:v4+s11+$0x0], $0xffff  }
0x1be: {  	v10 =	vor.u32 s23, v10;
	v5 =	vld.idx.msk [tilespmem:v5+s11+$0x0], $0xffff  }
0x1bf: {  	v11 =	vor.u32 s23, v11;
	v6 =	vld.idx.msk [tilespmem:v6+s11+$0x0], $0xffff  }
0x1c0: {  	v12 =	vor.u32 s23, v12;
	v7 =	vld.idx.msk [tilespmem:v7+s11+$0x0], $0xffff  }
0x1c1: {  	v13 =	vor.u32 s23, v13;
	v8 =	vld.idx.msk [tilespmem:v8+s11+$0x0], $0xffff  }
0x1c2: {  	v14 =	vor.u32 s23, v14;
	v9 =	vld.idx.msk [tilespmem:v9+s11+$0x0], $0xffff  }
0x1c3: {  	v15 =	vor.u32 s23, v15;
	v10 =	vld.idx.msk [tilespmem:v10+s11+$0x0], $0xffff  }
0x1c4: {  	v16 =	vor.u32 s23, v16;
	v11 =	vld.idx.msk [tilespmem:v11+s11+$0x0], $0xffff  }
0x1c5: {  	v17 =	vor.u32 s23, v17;
	v12 =	vld.idx.msk [tilespmem:v12+s11+$0x0], $0xffff  }
0x1c6: {  	v13 =	vld.idx.msk [tilespmem:v13+s11+$0x0], $0xffff  }
0x1c7: {  	v14 =	vld.idx.msk [tilespmem:v14+s11+$0x0], $0xffff  }
0x1c8: {  	v15 =	vld.idx.msk [tilespmem:v15+s11+$0x0], $0xffff  }
0x1c9: {  	v16 =	vld.idx.msk [tilespmem:v16+s11+$0x0], $0xffff  }
0x1ca: {  	v17 =	vld.idx.msk [tilespmem:v17+s11+$0x0], $0xffff  }
0x1cb: {  	[tilespmem:s24+$0xFFFFFD00] =	vst v2;
	v2 =	vld [tilespmem:$0x1FE10]  }
0x1cc: {  	[tilespmem:s24+$0xFFFFFD10] =	vst v3;
	v3 =	vld [tilespmem:$0x1FE20]  }
0x1cd: {  	[tilespmem:s24+$0xFFFFFD20] =	vst v4;
	v4 =	vld [tilespmem:$0x1FE30]  }
0x1ce: {  	[tilespmem:s24+$0xFFFFFD30] =	vst v5;
	v5 =	vld [tilespmem:$0x1FE40]  }
0x1cf: {  	[tilespmem:s24+$0xFFFFFD40] =	vst v6;
	v6 =	vld [tilespmem:$0x1FE50]  }
0x1d0: {  	[tilespmem:s24+$0xFFFFFD50] =	vst v7;
	v7 =	vld [tilespmem:$0x1FE60]  }
0x1d1: {  	[tilespmem:s24+$0xFFFFFD60] =	vst v8;
	v8 =	vld [tilespmem:$0x1FE70]  }
0x1d2: {  	[tilespmem:s24+$0xFFFFFD70] =	vst v9;
	v9 =	vld [tilespmem:$0x1FE80]  }
0x1d3: {  	[tilespmem:s24+$0x100] =	vst v10;
	v10 =	vld [tilespmem:$0x1FE90]  }
0x1d4: {  	[tilespmem:s24+$0x110] =	vst v11;
	v11 =	vld [tilespmem:$0x1FEA0]  }
0x1d5: {  	[tilespmem:s24+$0x120] =	vst v12;
	v12 =	vld [tilespmem:$0x1FEB0]  }
0x1d6: {  	[tilespmem:s24+$0x130] =	vst v13;
	v2 =	vor.u32 s23, v2;
	v13 =	vld [tilespmem:$0x1FEC0]  }
0x1d7: {  	[tilespmem:s24+$0x140] =	vst v14;
	v14 =	vld [tilespmem:$0x1FED0];
	v3 =	vor.u32 s23, v3  }
0x1d8: {  	[tilespmem:s24+$0x150] =	vst v15;
	v15 =	vld [tilespmem:$0x1FEE0];
	v4 =	vor.u32 s23, v4  }
0x1d9: {  	[tilespmem:s24+$0x160] =	vst v16;
	v16 =	vld [tilespmem:$0x1FEF0];
	v5 =	vor.u32 s23, v5  }
0x1da: {  	[tilespmem:s24+$0x170] =	vst v17;
	v17 =	vld [tilespmem:$0x1FF00];
	v6 =	vor.u32 s23, v6  }
0x1db: {  	v2 =	vld.idx.msk [tilespmem:v2+s11+$0x0], $0xffff;
	v7 =	vor.u32 s23, v7  }
0x1dc: {  	v8 =	vor.u32 s23, v8;
	v3 =	vld.idx.msk [tilespmem:v3+s11+$0x0], $0xffff  }
0x1dd: {  	v9 =	vor.u32 s23, v9;
	v4 =	vld.idx.msk [tilespmem:v4+s11+$0x0], $0xffff  }
0x1de: {  	v10 =	vor.u32 s23, v10;
	v5 =	vld.idx.msk [tilespmem:v5+s11+$0x0], $0xffff  }
0x1df: {  	v11 =	vor.u32 s23, v11;
	v6 =	vld.idx.msk [tilespmem:v6+s11+$0x0], $0xffff  }
0x1e0: {  	v12 =	vor.u32 s23, v12;
	v7 =	vld.idx.msk [tilespmem:v7+s11+$0x0], $0xffff  }
0x1e1: {  	v13 =	vor.u32 s23, v13;
	v8 =	vld.idx.msk [tilespmem:v8+s11+$0x0], $0xffff  }
0x1e2: {  	v14 =	vor.u32 s23, v14;
	v9 =	vld.idx.msk [tilespmem:v9+s11+$0x0], $0xffff  }
0x1e3: {  	v15 =	vor.u32 s23, v15;
	v10 =	vld.idx.msk [tilespmem:v10+s11+$0x0], $0xffff  }
0x1e4: {  	v16 =	vor.u32 s23, v16;
	v11 =	vld.idx.msk [tilespmem:v11+s11+$0x0], $0xffff  }
0x1e5: {  	v17 =	vor.u32 s23, v17;
	v12 =	vld.idx.msk [tilespmem:v12+s11+$0x0], $0xffff  }
0x1e6: {  	v13 =	vld.idx.msk [tilespmem:v13+s11+$0x0], $0xffff  }
0x1e7: {  	v14 =	vld.idx.msk [tilespmem:v14+s11+$0x0], $0xffff  }
0x1e8: {  	v15 =	vld.idx.msk [tilespmem:v15+s11+$0x0], $0xffff  }
0x1e9: {  	v16 =	vld.idx.msk [tilespmem:v16+s11+$0x0], $0xffff  }
0x1ea: {  	v17 =	vld.idx.msk [tilespmem:v17+s11+$0x0], $0xffff  }
0x1eb: {  	[tilespmem:s24+$0xFFFFFD80] =	vst v2;
	v2 =	vld [tilespmem:$0x1FB00]  }
0x1ec: {  	[tilespmem:s24+$0xFFFFFD90] =	vst v3;
	v3 =	vld [tilespmem:$0x1FB10]  }
0x1ed: {  	[tilespmem:s24+$0xFFFFFDA0] =	vst v4;
	v4 =	vld [tilespmem:$0x1FB20]  }
0x1ee: {  	[tilespmem:s24+$0xFFFFFDB0] =	vst v5;
	v5 =	vld [tilespmem:$0x1FB30]  }
0x1ef: {  	[tilespmem:s24+$0xFFFFFDC0] =	vst v6;
	v6 =	vld [tilespmem:$0x1FB40]  }
0x1f0: {  	[tilespmem:s24+$0xFFFFFDD0] =	vst v7;
	v7 =	vld [tilespmem:$0x1FB50]  }
0x1f1: {  	[tilespmem:s24+$0xFFFFFDE0] =	vst v8;
	v8 =	vld [tilespmem:$0x1FB60]  }
0x1f2: {  	[tilespmem:s24+$0xFFFFFDF0] =	vst v9;
	v9 =	vld [tilespmem:$0x1FB70]  }
0x1f3: {  	[tilespmem:s24+$0x180] =	vst v10;
	v10 =	vld [tilespmem:$0x1FB80]  }
0x1f4: {  	[tilespmem:s24+$0x190] =	vst v11;
	v11 =	vld [tilespmem:$0x1FB90]  }
0x1f5: {  	[tilespmem:s24+$0x1A0] =	vst v12;
	v12 =	vld [tilespmem:$0x1FBA0]  }
0x1f6: {  	[tilespmem:s24+$0x1B0] =	vst v13;
	v2 =	vor.u32 s23, v2;
	v13 =	vld [tilespmem:$0x1FBB0]  }
0x1f7: {  	[tilespmem:s24+$0x1C0] =	vst v14;
	v14 =	vld [tilespmem:$0x1FBC0];
	v3 =	vor.u32 s23, v3  }
0x1f8: {  	[tilespmem:s24+$0x1D0] =	vst v15;
	v15 =	vld [tilespmem:$0x1FBD0];
	v4 =	vor.u32 s23, v4  }
0x1f9: {  	[tilespmem:s24+$0x1E0] =	vst v16;
	v16 =	vld [tilespmem:$0x1FBE0];
	v5 =	vor.u32 s23, v5  }
0x1fa: {  	[tilespmem:s24+$0x1F0] =	vst v17;
	v17 =	vld [tilespmem:$0x1FBF0];
	v6 =	vor.u32 s23, v6  }
0x1fb: {  	v2 =	vld.idx.msk [tilespmem:v2+s11+$0x0], $0xffff;
	v7 =	vor.u32 s23, v7  }
0x1fc: {  	v8 =	vor.u32 s23, v8;
	v3 =	vld.idx.msk [tilespmem:v3+s11+$0x0], $0xffff  }
0x1fd: {  	v9 =	vor.u32 s23, v9;
	v4 =	vld.idx.msk [tilespmem:v4+s11+$0x0], $0xffff  }
0x1fe: {  	v10 =	vor.u32 s23, v10;
	v5 =	vld.idx.msk [tilespmem:v5+s11+$0x0], $0xffff  }
0x1ff: {  	v11 =	vor.u32 s23, v11;
	v6 =	vld.idx.msk [tilespmem:v6+s11+$0x0], $0xffff  }
0x200: {  	v12 =	vor.u32 s23, v12;
	v7 =	vld.idx.msk [tilespmem:v7+s11+$0x0], $0xffff  }
0x201: {  	v13 =	vor.u32 s23, v13;
	v8 =	vld.idx.msk [tilespmem:v8+s11+$0x0], $0xffff  }
0x202: {  	v14 =	vor.u32 s23, v14;
	v9 =	vld.idx.msk [tilespmem:v9+s11+$0x0], $0xffff  }
0x203: {  	v15 =	vor.u32 s23, v15;
	v10 =	vld.idx.msk [tilespmem:v10+s11+$0x0], $0xffff  }
0x204: {  	v16 =	vor.u32 s23, v16;
	v11 =	vld.idx.msk [tilespmem:v11+s11+$0x0], $0xffff  }
0x205: {  	v17 =	vor.u32 s23, v17;
	v12 =	vld.idx.msk [tilespmem:v12+s11+$0x0], $0xffff  }
0x206: {  	v13 =	vld.idx.msk [tilespmem:v13+s11+$0x0], $0xffff  }
0x207: {  	v14 =	vld.idx.msk [tilespmem:v14+s11+$0x0], $0xffff  }
0x208: {  	v15 =	vld.idx.msk [tilespmem:v15+s11+$0x0], $0xffff  }
0x209: {  	v16 =	vld.idx.msk [tilespmem:v16+s11+$0x0], $0xffff  }
0x20a: {  	v17 =	vld.idx.msk [tilespmem:v17+s11+$0x0], $0xffff;
	[tilespmem:s24+$0xFFFFFE00] =	vst v2  }
0x20b: {  	[tilespmem:s24+$0xFFFFFE10] =	vst v3  }
0x20c: {  	[tilespmem:s24+$0xFFFFFE20] =	vst v4  }
0x20d: {  	[tilespmem:s24+$0xFFFFFE30] =	vst v5  }
0x20e: {  	[tilespmem:s24+$0xFFFFFE40] =	vst v6  }
0x20f: {  	[tilespmem:s24+$0xFFFFFE50] =	vst v7  }
0x210: {  	v2 =	vld [tilespmem:$0x1FC00];
	[tilespmem:s24+$0xFFFFFE60] =	vst v8  }
0x211: {  	[tilespmem:s24+$0xFFFFFE70] =	vst v9  }
0x212: {  	[tilespmem:s24+$0x200] =	vst v10  }
0x213: {  	[tilespmem:s24+$0x210] =	vst v11  }
0x214: {  	[tilespmem:s24+$0x220] =	vst v12  }
0x215: {  	[tilespmem:s24+$0x230] =	vst v13;
	v2 =	vor.u32 s23, v2  }
0x216: {  	[tilespmem:s24+$0x240] =	vst v14;
	v3 =	vor.u32 s23, v18  }
0x217: {  	[tilespmem:s24+$0x250] =	vst v15;
	v4 =	vor.u32 s23, v19  }
0x218: {  	[tilespmem:s24+$0x260] =	vst v16;
	v5 =	vor.u32 s23, v20  }
0x219: {  	[tilespmem:s24+$0x270] =	vst v17;
	v6 =	vor.u32 s23, v21  }
0x21a: {  	v7 =	vor.u32 s23, v22;
	v2 =	vld.idx.msk [tilespmem:v2+s11+$0x0], $0xffff  }
0x21b: {  	v8 =	vor.u32 s23, v23;
	v3 =	vld.idx.msk [tilespmem:v3+s11+$0x0], $0xffff  }
0x21c: {  	v9 =	vor.u32 s23, v24;
	v4 =	vld.idx.msk [tilespmem:v4+s11+$0x0], $0xffff  }
0x21d: {  	v10 =	vor.u32 s23, v25;
	v5 =	vld.idx.msk [tilespmem:v5+s11+$0x0], $0xffff  }
0x21e: {  	v11 =	vor.u32 s23, v26;
	v6 =	vld.idx.msk [tilespmem:v6+s11+$0x0], $0xffff  }
0x21f: {  	v12 =	vor.u32 s23, v27;
	v7 =	vld.idx.msk [tilespmem:v7+s11+$0x0], $0xffff  }
0x220: {  	v13 =	vor.u32 s23, v28;
	v8 =	vld.idx.msk [tilespmem:v8+s11+$0x0], $0xffff  }
0x221: {  	v14 =	vor.u32 s23, v29;
	v9 =	vld.idx.msk [tilespmem:v9+s11+$0x0], $0xffff  }
0x222: {  	v15 =	vor.u32 s23, v30;
	v10 =	vld.idx.msk [tilespmem:v10+s11+$0x0], $0xffff  }
0x223: {  	v16 =	vor.u32 s23, v31;
	v11 =	vld.idx.msk [tilespmem:v11+s11+$0x0], $0xffff  }
0x224: {  	v17 =	vor.u32 s23, v32;
	v12 =	vld.idx.msk [tilespmem:v12+s11+$0x0], $0xffff  }
0x225: {  	v13 =	vld.idx.msk [tilespmem:v13+s11+$0x0], $0xffff  }
0x226: {  	v14 =	vld.idx.msk [tilespmem:v14+s11+$0x0], $0xffff  }
0x227: {  	v15 =	vld.idx.msk [tilespmem:v15+s11+$0x0], $0xffff  }
0x228: {  	v16 =	vld.idx.msk [tilespmem:v16+s11+$0x0], $0xffff  }
0x229: {  	v17 =	vld.idx.msk [tilespmem:v17+s11+$0x0], $0xffff;
	[tilespmem:s24+$0xFFFFFE80] =	vst v2  }
0x22a: {  	[tilespmem:s24+$0xFFFFFE90] =	vst v3  }
0x22b: {  	[tilespmem:s24+$0xFFFFFEA0] =	vst v4  }
0x22c: {  	[tilespmem:s24+$0xFFFFFEB0] =	vst v5  }
0x22d: {  	[tilespmem:s24+$0xFFFFFEC0] =	vst v6  }
0x22e: {  	[tilespmem:s24+$0xFFFFFED0] =	vst v7  }
0x22f: {  	[tilespmem:s24+$0xFFFFFEE0] =	vst v8  }
0x230: {  	[tilespmem:s24+$0xFFFFFEF0] =	vst v9  }
0x231: {  	[tilespmem:s24+$0x280] =	vst v10  }
0x232: {  	[tilespmem:s24+$0x290] =	vst v11  }
0x233: {  	[tilespmem:s24+$0x2A0] =	vst v12  }
0x234: {  	[tilespmem:s24+$0x2B0] =	vst v13;
	v2 =	vor.u32 s23, v33  }
0x235: {  	[tilespmem:s24+$0x2C0] =	vst v14;
	v3 =	vor.u32 s23, v34  }
0x236: {  	[tilespmem:s24+$0x2D0] =	vst v15;
	v4 =	vor.u32 s23, v35  }
0x237: {  	[tilespmem:s24+$0x2E0] =	vst v16;
	v5 =	vor.u32 s23, v36  }
0x238: {  	[tilespmem:s24+$0x2F0] =	vst v17;
	v6 =	vor.u32 s23, v37  }
0x239: {  	v7 =	vor.u32 s23, v38;
	v2 =	vld.idx.msk [tilespmem:v2+s11+$0x0], $0xffff  }
0x23a: {  	v8 =	vor.u32 s23, v39;
	v3 =	vld.idx.msk [tilespmem:v3+s11+$0x0], $0xffff  }
0x23b: {  	v9 =	vor.u32 s23, v40;
	v4 =	vld.idx.msk [tilespmem:v4+s11+$0x0], $0xffff  }
0x23c: {  	v10 =	vor.u32 s23, v41;
	v5 =	vld.idx.msk [tilespmem:v5+s11+$0x0], $0xffff  }
0x23d: {  	v11 =	vor.u32 s23, v42;
	v6 =	vld.idx.msk [tilespmem:v6+s11+$0x0], $0xffff  }
0x23e: {  	v12 =	vor.u32 s23, v43;
	v7 =	vld.idx.msk [tilespmem:v7+s11+$0x0], $0xffff  }
0x23f: {  	v13 =	vor.u32 s23, v44;
	v8 =	vld.idx.msk [tilespmem:v8+s11+$0x0], $0xffff  }
0x240: {  	v14 =	vor.u32 s23, v45;
	v9 =	vld.idx.msk [tilespmem:v9+s11+$0x0], $0xffff  }
0x241: {  	v15 =	vor.u32 s23, v46;
	v10 =	vld.idx.msk [tilespmem:v10+s11+$0x0], $0xffff  }
0x242: {  	v16 =	vor.u32 s23, v47;
	v11 =	vld.idx.msk [tilespmem:v11+s11+$0x0], $0xffff  }
0x243: {  	v17 =	vor.u32 s23, v48;
	v12 =	vld.idx.msk [tilespmem:v12+s11+$0x0], $0xffff  }
0x244: {  	v13 =	vld.idx.msk [tilespmem:v13+s11+$0x0], $0xffff  }
0x245: {  	v14 =	vld.idx.msk [tilespmem:v14+s11+$0x0], $0xffff  }
0x246: {  	v15 =	vld.idx.msk [tilespmem:v15+s11+$0x0], $0xffff  }
0x247: {  	v16 =	vld.idx.msk [tilespmem:v16+s11+$0x0], $0xffff  }
0x248: {  	v17 =	vld.idx.msk [tilespmem:v17+s11+$0x0], $0xffff;
	[tilespmem:s24+$0xFFFFFF00] =	vst v2  }
0x249: {  	[tilespmem:s24+$0xFFFFFF10] =	vst v3  }
0x24a: {  	[tilespmem:s24+$0xFFFFFF20] =	vst v4  }
0x24b: {  	[tilespmem:s24+$0xFFFFFF30] =	vst v5  }
0x24c: {  	[tilespmem:s24+$0xFFFFFF40] =	vst v6  }
0x24d: {  	[tilespmem:s24+$0xFFFFFF50] =	vst v7  }
0x24e: {  	[tilespmem:s24+$0xFFFFFF60] =	vst v8  }
0x24f: {  	[tilespmem:s24+$0xFFFFFF70] =	vst v9  }
0x250: {  	[tilespmem:s24+$0x300] =	vst v10  }
0x251: {  	[tilespmem:s24+$0x310] =	vst v11  }
0x252: {  	[tilespmem:s24+$0x320] =	vst v12  }
0x253: {  	[tilespmem:s24+$0x330] =	vst v13;
	v2 =	vor.u32 s23, v49  }
0x254: {  	[tilespmem:s24+$0x340] =	vst v14;
	v3 =	vor.u32 s23, v50  }
0x255: {  	[tilespmem:s24+$0x350] =	vst v15;
	v4 =	vor.u32 s23, v51  }
0x256: {  	[tilespmem:s24+$0x360] =	vst v16;
	v5 =	vor.u32 s23, v52  }
0x257: {  	[tilespmem:s24+$0x370] =	vst v17;
	v6 =	vor.u32 s23, v53  }
0x258: {  	v7 =	vor.u32 s23, v54;
	v2 =	vld.idx.msk [tilespmem:v2+s11+$0x0], $0xffff  }
0x259: {  	v8 =	vor.u32 s23, v55;
	v3 =	vld.idx.msk [tilespmem:v3+s11+$0x0], $0xffff  }
0x25a: {  	v9 =	vor.u32 s23, v56;
	v4 =	vld.idx.msk [tilespmem:v4+s11+$0x0], $0xffff  }
0x25b: {  	v10 =	vor.u32 s23, v57;
	v5 =	vld.idx.msk [tilespmem:v5+s11+$0x0], $0xffff  }
0x25c: {  	v11 =	vor.u32 s23, v58;
	v6 =	vld.idx.msk [tilespmem:v6+s11+$0x0], $0xffff  }
0x25d: {  	v12 =	vor.u32 s23, v59;
	v7 =	vld.idx.msk [tilespmem:v7+s11+$0x0], $0xffff  }
0x25e: {  	v13 =	vor.u32 s23, v60;
	v8 =	vld.idx.msk [tilespmem:v8+s11+$0x0], $0xffff  }
0x25f: {  	v14 =	vor.u32 s23, v61;
	v9 =	vld.idx.msk [tilespmem:v9+s11+$0x0], $0xffff  }
0x260: {  	v15 =	vor.u32 s23, v62;
	v10 =	vld.idx.msk [tilespmem:v10+s11+$0x0], $0xffff  }
0x261: {  	v16 =	vor.u32 s23, v63;
	v11 =	vld.idx.msk [tilespmem:v11+s11+$0x0], $0xffff  }
0x262: {  	v17 =	vor.u32 s23, v1;
	v12 =	vld.idx.msk [tilespmem:v12+s11+$0x0], $0xffff  }
0x263: {  	v13 =	vld.idx.msk [tilespmem:v13+s11+$0x0], $0xffff  }
0x264: {  	v14 =	vld.idx.msk [tilespmem:v14+s11+$0x0], $0xffff  }
0x265: {  	v15 =	vld.idx.msk [tilespmem:v15+s11+$0x0], $0xffff  }
0x266: {  	v16 =	vld.idx.msk [tilespmem:v16+s11+$0x0], $0xffff  }
0x267: {  	v17 =	vld.idx.msk [tilespmem:v17+s11+$0x0], $0xffff;
	[tilespmem:s24+$0xFFFFFF80] =	vst v2  }
0x268: {  	[tilespmem:s24+$0xFFFFFF90] =	vst v3;
	v2 =	vld [tilespmem:$0x1FF10]  }
0x269: {  	[tilespmem:s24+$0xFFFFFFA0] =	vst v4;
	v3 =	vld [tilespmem:$0x1FF20]  }
0x26a: {  	[tilespmem:s24+$0xFFFFFFB0] =	vst v5;
	v4 =	vld [tilespmem:$0x1FF30]  }
0x26b: {  	[tilespmem:s24+$0xFFFFFFC0] =	vst v6;
	v5 =	vld [tilespmem:$0x1FF40]  }
0x26c: {  	[tilespmem:s24+$0xFFFFFFD0] =	vst v7;
	v6 =	vld [tilespmem:$0x1FF50]  }
0x26d: {  	[tilespmem:s24+$0xFFFFFFE0] =	vst v8;
	v8 =	vld [tilespmem:$0x1FF60]  }
0x26e: {  	[tilespmem:s24+$0xFFFFFFF0] =	vst v9;
	v9 =	vld [tilespmem:$0x1FF70]  }
0x26f: {  	[tilespmem:s24+$0x380] =	vst v10;
	v10 =	vld [tilespmem:$0x1FF80]  }
0x270: {  	[tilespmem:s24+$0x390] =	vst v11;
	v11 =	vld [tilespmem:$0x1FF90]  }
0x271: {  	p0 =	sne.s32 s23, $0x38;
	[tilespmem:s24+$0x3A0] =	vst v12;
	v12 =	vld [tilespmem:$0x1FFA0]  }
.Ltmp3:
0x272: {  	[tilespmem:s24+$0x3B0] =	vst v13;
	v13 =	vld [tilespmem:$0x1FFB0];
	(pc) =	sbr.rel @p0 .LBB2_5-.Ltmp3, $4  }
0x273: {  	[tilespmem:s24+$0x3C0] =	vst v14;
	v14 =	vld [tilespmem:$0x1FFC0]  }
0x274: {  	[tilespmem:s24+$0x3D0] =	vst v15;
	v15 =	vld [tilespmem:$0x1FFD0]  }
0x275: {  	[tilespmem:s24+$0x3E0] =	vst v16;
	v16 =	vld [tilespmem:$0x1FFE0]  }
0x276: {  	s23 =	sadd.s32 $0x8, s23;
	[tilespmem:s24+$0x3F0] =	vst v17;
	v17 =	vld [tilespmem:$0x1FFF0];
	s24 =	sadd.s32 $0x800, s24  }
.Ltmp4:
0x277: {  	s23 =	sshll.u32 s22, $0x8;
	(pc) =	sbr.rel @p1 .LBB2_8-.Ltmp4, $4  }
0x278: {  	s31 =	sshll.u32 s22, $0xB;
	s23 =	sand.u32 $0x3F00, s23  }
0x279: {  	s22 =	sand.u32 $0xFFE0000, s31;
	s23 =	sadd.s32 s1, s23  }
0x27a: {  	s22 =	sadd.s32 s22, s23  }
0x27b: {  	[hbm4b:s22+s13] =	stream.strided.scatter [tilespmem:s17], [sflag:$0x4], $0x4000, s14, s13, $0x38;
	[tilespmem:$0x1B400] =	vst v63  }
.Ltmp5:
0x27c: {  	(pc) =	sbr.rel .LBB2_2-.Ltmp5, $4  }
0x27d: {  	s22 =	sshll.u32 s21, $0x9  }
0x27e: {  	s22 =	sand.u32 $0x3FFFFE00, s22  }
0x27f: {  	s21 =	sadd.s32 $0x1, s21;
	s22 =	sadd.s32 $0x300, s22  }
0x280: {  	[tilespmem:s11], [sflag:$0x2] =	stream.indirect.gather [hbm4b:s0+s9], $0x80, s22, s9, $0xb8;
	[tilespmem:$0x1B400] =	vst v63  }
.LBB2_9:
0x281: {  	_ =	sfence.sel $0x180000  }
0x282: {  	[bflag:$0x0] =	sbarrier.arrive $0xFFFF  }
0x283: {  	p0 =	sne.s32 s2, $0x0;
	_ =	strace $0x90000047  }
0x284: {  	s0 =	sadd.s32 @!p0 $0x100000, s3;
	[bflag:$0x2] =	sbarrier.arrive $0xFFFF  }
0x285: {  	[sflag:s0] =	ssyncadd.tile.s32 @!p0 $0x1;
	_ =	shalt  }
.Lfunc_end2:
_tile_overlayer_lowered:
.L_overlay_start_2:
0x286: {  	(tag) =	ssettag $0x2  }
0x287: {  	s0 =	rddreg [dreg:$0x0];
	s2 =	stileid.u32  }
0x288: {  	s1 =	rddreg [dreg:$0x1];
	p0 =	sne.s32 s2, $0x0  }
0x289: {  	s3 =	rddreg [dreg:$0x2];
	[bflag:$0x3] =	sbarrier.arrive $0xFFFF;
	s2 =	simm.s32 @!p0 $0x1C05  }
0x28a: {  	[timem:s3], [sflag:s2] =	dma.local @!p0 [hbm:s0], s1  }
0x28b: {  	s0 =	simm.s32 @!p0 $0x5  }
0x28c: {  	_ =	swait.ge @!p0 [sflag:s0], s1  }
0x28d: {  	s1 =	ssub.s32 @!p0 $0x0, s1;
	[sflag:s0] =	ssyncset.done @!p0 $0x0  }
0x28e: {  	[sflag:s0] =	ssyncadd.s32 @!p0 s1  }
0x28f: {  	[bflag:$0x3] =	sbarrier.arrive $0xFFFF  }
0x290: {  	_ =	shalt  }

</sc_bundles>
